<compile_context>
chip_gen: v7x
topology: tpu7x:2x2x1
jax: 0.10.2.dev20260603
libtpu: 0.0.44.dev20260713+nightly
codegen_flags: <defaults>
</compile_context>

<pallas_src>
import functools

import jax
import jax.numpy as jnp
from jax import lax
from jax.experimental import pallas as pl
from jax.experimental.pallas import tpu as pltpu
from jax.experimental.pallas import tpu_sc as plsc

N_NODES = 10000
N_EDGES = 160000
NFEAT = 256
NHID = 256
NCLASS = 40
DW = 128
D2P = 128

NSC = 2
NTILES = 16
NPERSC = N_NODES // NSC
ACCROWS = 5120
TRASH = 5100
EPT = 10272
EPAD = EPT * NTILES
EPT2 = 5184
EPAD2 = EPT2 * NTILES * NSC
NTRIP2 = EPT2 // 96
LIST2 = EPT2 + 32
ACCF = 10240
TRASH2 = 10048
CH = 32
NBUF = 3
NTRIP = EPT // (3 * CH)
LISTN = EPT + 5 * CH
ROWS_PT = 312


def _agg_body(nh, supports, srcp, dstp, binits, outs, accs, src_s, dst_s,
              dst_ch, bufs, gsems, ssems):
    c = lax.axis_index("c")
    s = lax.axis_index("s")

    for h in range(nh):
        pltpu.sync_copy(binits[h],
                        accs[h].at[pl.ds(pl.multiple_of(s * 320, 320), 320)])

    lo = c * NPERSC

    base = pl.multiple_of(s * EPT, EPT)
    pltpu.sync_copy(srcp.at[pl.ds(base, EPT)], src_s.at[pl.ds(0, EPT)])
    pltpu.sync_copy(dstp.at[pl.ds(base, EPT)], dst_s.at[pl.ds(0, EPT)])

    def loc_body(i, _):
        dv = dst_s[pl.ds(i * 16, 16)]
        local = dv - lo
        m = (local >= 0) & (local < NPERSC)
        dst_s[pl.ds(i * 16, 16)] = jnp.where(m, local, TRASH)
        return 0

    lax.fori_loop(0, EPT // 16, loc_body, 0)

    zero16 = jnp.zeros((16,), jnp.int32)
    trash16 = jnp.full((16,), TRASH, jnp.int32)
    for j in range(CH // 16):
        src_s[pl.ds(EPT + j * 16, 16)] = zero16
        dst_s[pl.ds(EPT + j * 16, 16)] = trash16

    ntrip = NTRIP
    plsc.subcore_barrier()

    def fire_g(g_idx, h, b):
        pltpu.async_copy(
            supports[h].at[src_s.at[pl.ds(g_idx * CH, CH)]],
            bufs[h][b], gsems[h][b])

    def wait_g(g_idx, h, b):
        pltpu.make_async_copy(
            supports[h].at[src_s.at[pl.ds(g_idx * CH, CH)]],
            bufs[h][b], gsems[h][b]).wait()

    def fire_s(h, b):
        pltpu.async_copy(bufs[h][b], accs[h].at[dst_ch[b]], ssems[h][b],
                         add=True)

    def wait_s(h, b):
        pltpu.make_async_copy(bufs[h][b], accs[h].at[dst_ch[b]],
                              ssems[h][b]).wait()

    def stage(g_idx, b):
        for j in range(CH // 16):
            dst_ch[b][pl.ds(j * 16, 16)] = dst_s[pl.ds(g_idx * CH + j * 16,
                                                       16)]

    for h in range(nh):
        fire_g(0, h, 0)
    for j in range(3):
        for h in range(nh):
            wait_g(j, h, j)
        stage(j, j)
        for h in range(nh):
            fire_s(h, j)
        if j == 2:
            for h in range(nh):
                wait_s(h, 0)
        for h in range(nh):
            fire_g(j + 1, h, (j + 1) % 3)

    def trip_body(t, _):
        for b in range(3):
            g_idx = t * 3 + b
            for h in range(nh):
                wait_g(g_idx, h, b)
            stage(g_idx, b)
            for h in range(nh):
                fire_s(h, b)
                wait_s(h, (b + 1) % 3)
                fire_g(g_idx + 1, h, (b + 1) % 3)
        return 0

    lax.fori_loop(1, ntrip, trip_body, 0)

    for h in range(nh):
        wait_s(h, 1)
        wait_s(h, 2)
        wait_g(3 * ntrip, h, 0)

    plsc.subcore_barrier()

    out_base = c * NPERSC
    for h in range(nh):
        pltpu.sync_copy(
            accs[h].at[pl.ds(pl.multiple_of(s * ROWS_PT, 8), ROWS_PT)],
            outs[h].at[pl.ds(pl.multiple_of(out_base + s * ROWS_PT, 8),
                             ROWS_PT)])

    @pl.when(s == 0)
    def _():
        rem = NPERSC - NTILES * ROWS_PT
        for h in range(nh):
            pltpu.sync_copy(
                accs[h].at[pl.ds(NTILES * ROWS_PT, rem)],
                outs[h].at[pl.ds(pl.multiple_of(out_base + NTILES * ROWS_PT, 8),
                                 rem)])


def _flat_agg_body(nh, *refs):
    supports = refs[:nh]
    srcp, dstp = refs[nh], refs[nh + 1]
    binits = refs[nh + 2:2 * nh + 2]
    outs = refs[2 * nh + 2:3 * nh + 2]
    accs = refs[3 * nh + 2:4 * nh + 2]
    src_s, dst_s = refs[4 * nh + 2:4 * nh + 4]
    dst_ch = refs[4 * nh + 4:4 * nh + 7]
    rest = refs[4 * nh + 7:]
    bufs = tuple(rest[9 * h:9 * h + 3] for h in range(nh))
    gsems = tuple(rest[9 * h + 3:9 * h + 6] for h in range(nh))
    ssems = tuple(rest[9 * h + 6:9 * h + 9] for h in range(nh))
    _agg_body(nh, supports, srcp, dstp, binits, outs, accs, src_s, dst_s,
              dst_ch, bufs, gsems, ssems)


def _make_agg(nh):
    mesh = plsc.VectorSubcoreMesh(core_axis_name="c", subcore_axis_name="s")
    scratch = [pltpu.VMEM_SHARED((ACCROWS, DW), jnp.float32)
               for _ in range(nh)]
    scratch += [
        pltpu.VMEM((LISTN,), jnp.int32),
        pltpu.VMEM((LISTN,), jnp.int32),
        pltpu.VMEM((CH,), jnp.int32),
        pltpu.VMEM((CH,), jnp.int32),
        pltpu.VMEM((CH,), jnp.int32),
    ]
    for _ in range(nh):
        scratch += [pltpu.VMEM((CH, DW), jnp.float32) for _ in range(NBUF)]
        scratch += [pltpu.SemaphoreType.DMA for _ in range(2 * NBUF)]
    return pl.kernel(
        functools.partial(_flat_agg_body, nh),
        out_type=[jax.ShapeDtypeStruct((N_NODES, DW), jnp.float32)
                  for _ in range(nh)],
        mesh=mesh,
        scratch_types=scratch,
    )


def _agg2_body(support, srcp, dstp, binit, zinit, out0, out1, acc, src_s,
               dst_s, *ring):
    c = lax.axis_index("c")
    s = lax.axis_index("s")
    dst_ch = (ring[0:3], ring[3:6])
    bufs = (ring[6:9], ring[9:12])
    gsems = (ring[12:15], ring[15:18])
    ssems = (ring[18:21], ring[21:24])

    @pl.when(c == 0)
    def _():
        pltpu.sync_copy(binit, acc.at[pl.ds(pl.multiple_of(s * 640, 640), 640)])

    @pl.when(c == 1)
    def _():
        pltpu.sync_copy(zinit, acc.at[pl.ds(pl.multiple_of(s * 640, 640), 640)])

    base = pl.multiple_of(c * (EPAD2 // 2) + s * EPT2, EPT2)
    pltpu.sync_copy(srcp.at[pl.ds(base, EPT2)], src_s.at[pl.ds(0, EPT2)])
    pltpu.sync_copy(dstp.at[pl.ds(base, EPT2)], dst_s.at[pl.ds(0, EPT2)])

    zero16 = jnp.zeros((16,), jnp.int32)
    trash16 = jnp.full((16,), TRASH2, jnp.int32)
    for j in range(CH // 16):
        src_s[pl.ds(EPT2 + j * 16, 16)] = zero16
        dst_s[pl.ds(EPT2 + j * 16, 16)] = trash16

    plsc.subcore_barrier()

    HC = EPT2 // (2 * CH)

    def fire_g(k, g_idx, b):
        pltpu.async_copy(
            support.at[src_s.at[pl.ds((k * HC + g_idx) * CH, CH)]],
            bufs[k][b], gsems[k][b])

    def wait_g(k, g_idx, b):
        pltpu.make_async_copy(
            support.at[src_s.at[pl.ds((k * HC + g_idx) * CH, CH)]],
            bufs[k][b], gsems[k][b]).wait()

    def fire_s(k, b):
        pltpu.async_copy(bufs[k][b], acc.at[dst_ch[k][b]], ssems[k][b],
                         add=True)

    def wait_s(k, b):
        pltpu.make_async_copy(bufs[k][b], acc.at[dst_ch[k][b]],
                              ssems[k][b]).wait()

    def stage(k, g_idx, b):
        for j in range(CH // 16):
            dst_ch[k][b][pl.ds(j * 16, 16)] = dst_s[
                pl.ds((k * HC + g_idx) * CH + j * 16, 16)]

    for k in range(2):
        fire_g(k, 0, 0)
    for j in range(3):
        for k in range(2):
            wait_g(k, j, j)
            stage(k, j, j)
            fire_s(k, j)
            if j == 2:
                wait_s(k, 0)
            fire_g(k, j + 1, (j + 1) % 3)

    def trip_body(t, _):
        for b in range(3):
            g_idx = t * 3 + b
            for k in range(2):
                wait_g(k, g_idx, b)
                stage(k, g_idx, b)
                fire_s(k, b)
                wait_s(k, (b + 1) % 3)
                fire_g(k, g_idx + 1, (b + 1) % 3)
        return 0

    lax.fori_loop(1, NTRIP2 // 2, trip_body, 0)
    for k in range(2):
        wait_s(k, 1)
        wait_s(k, 2)
        wait_g(k, HC, 0)

    plsc.subcore_barrier()

    outs = (out0, out1)
    for ci in range(2):
        @pl.when((c == ci) & (s < NTILES - 1))
        def _():
            pltpu.sync_copy(
                acc.at[pl.ds(pl.multiple_of(s * 640, 8), 640)],
                outs[ci].at[pl.ds(pl.multiple_of(s * 640, 8), 640)])

        @pl.when((c == ci) & (s == NTILES - 1))
        def _():
            pltpu.sync_copy(acc.at[pl.ds(9600, 400)],
                            outs[ci].at[pl.ds(9600, 400)])


def _make_agg2():
    mesh = plsc.VectorSubcoreMesh(core_axis_name="c", subcore_axis_name="s")
    scratch = [
        pltpu.VMEM_SHARED((ACCF, DW), jnp.float32),
        pltpu.VMEM((LIST2,), jnp.int32),
        pltpu.VMEM((LIST2,), jnp.int32),
    ]
    scratch += [pltpu.VMEM((CH,), jnp.int32) for _ in range(6)]
    scratch += [pltpu.VMEM((CH, DW), jnp.float32) for _ in range(2 * NBUF)]
    scratch += [pltpu.SemaphoreType.DMA for _ in range(4 * NBUF)]
    return pl.kernel(
        _agg2_body,
        out_type=[jax.ShapeDtypeStruct((N_NODES, DW), jnp.float32),
                  jax.ShapeDtypeStruct((N_NODES, DW), jnp.float32)],
        mesh=mesh,
        scratch_types=scratch,
    )


def _mm1_body(x_ref, w_ref, o1_ref, o2_ref):
    acc = jnp.dot(x_ref[...], w_ref[...], preferred_element_type=jnp.float32)
    o1_ref[...] = acc[:, :DW]
    o2_ref[...] = acc[:, DW:]


def _relu_mm2_body(al_ref, ar_ref, w2_ref, o_ref):
    hl = jnp.maximum(al_ref[...], 0.0)
    hr = jnp.maximum(ar_ref[...], 0.0)
    o_ref[...] = (jnp.dot(hl, w2_ref[:DW], preferred_element_type=jnp.float32)
                  + jnp.dot(hr, w2_ref[DW:],
                            preferred_element_type=jnp.float32))


def _log_softmax_body(v0_ref, v1_ref, o_ref):
    v = v0_ref[...] + v1_ref[...]
    mask = lax.broadcasted_iota(jnp.int32, v.shape, 1) < NCLASS
    vm = jnp.where(mask, v, -jnp.inf)
    m = jnp.max(vm, axis=1, keepdims=True)
    lse = jnp.log(jnp.sum(jnp.exp(vm - m), axis=1, keepdims=True)) + m
    o_ref[...] = v - lse


_BM = 1000


def _mm1(x, W1):
    return pl.pallas_call(
        _mm1_body,
        grid=(N_NODES // _BM,),
        in_specs=[
            pl.BlockSpec((_BM, NFEAT), lambda i: (i, 0)),
            pl.BlockSpec((NFEAT, NHID), lambda i: (0, 0)),
        ],
        out_specs=[pl.BlockSpec((_BM, DW), lambda i: (i, 0)),
                   pl.BlockSpec((_BM, DW), lambda i: (i, 0))],
        out_shape=[jax.ShapeDtypeStruct((N_NODES, DW), jnp.float32),
                   jax.ShapeDtypeStruct((N_NODES, DW), jnp.float32)],
    )(x, W1)


def _relu_mm2(aggl, aggr, W2p):
    return pl.pallas_call(
        _relu_mm2_body,
        grid=(N_NODES // _BM,),
        in_specs=[
            pl.BlockSpec((_BM, DW), lambda i: (i, 0)),
            pl.BlockSpec((_BM, DW), lambda i: (i, 0)),
            pl.BlockSpec((NHID, D2P), lambda i: (0, 0)),
        ],
        out_specs=pl.BlockSpec((_BM, D2P), lambda i: (i, 0)),
        out_shape=jax.ShapeDtypeStruct((N_NODES, D2P), jnp.float32),
    )(aggl, aggr, W2p)


def _log_softmax(v0, v1):
    return pl.pallas_call(
        _log_softmax_body,
        grid=(N_NODES // _BM,),
        in_specs=[pl.BlockSpec((_BM, D2P), lambda i: (i, 0)),
                  pl.BlockSpec((_BM, D2P), lambda i: (i, 0))],
        out_specs=pl.BlockSpec((_BM, D2P), lambda i: (i, 0)),
        out_shape=jax.ShapeDtypeStruct((N_NODES, D2P), jnp.float32),
    )(v0, v1)


@jax.jit
def kernel(x, edge_index, W1, b1, W2, b2):
    src = edge_index[0].astype(jnp.int32)
    dst = edge_index[1].astype(jnp.int32)
    pad = EPAD - N_EDGES
    srcp = jnp.concatenate([src, jnp.zeros((pad,), jnp.int32)])
    dstp = jnp.concatenate([dst, jnp.full((pad,), N_NODES, jnp.int32)])
    pad2 = EPAD2 - N_EDGES
    srcp2 = jnp.concatenate([src, jnp.zeros((pad2,), jnp.int32)])
    dstp2 = jnp.concatenate([dst, jnp.full((pad2,), TRASH2, jnp.int32)])

    binit1l = jnp.broadcast_to(b1[None, :DW], (320, DW))
    binit1r = jnp.broadcast_to(b1[None, DW:], (320, DW))
    b2p = jnp.pad(b2, (0, D2P - NCLASS))
    binit2 = jnp.broadcast_to(b2p[None, :], (640, D2P))
    zinit2 = jnp.zeros((640, D2P), jnp.float32)
    W2p = jnp.pad(W2, ((0, 0), (0, D2P - NCLASS)))

    s1l, s1r = _mm1(x, W1)
    agg1l, agg1r = _make_agg(2)(s1l, s1r, srcp, dstp, binit1l, binit1r)
    support2 = _relu_mm2(agg1l, agg1r, W2p)
    p0, p1 = _make_agg2()(support2, srcp2, dstp2, binit2, zinit2)
    out = _log_softmax(p0, p1)
    return out[:, :NCLASS]

# --- scband reference (transcript-rebuilt; emitter-appended) ---
"""Pipeline reference for scband-ao-segcn-8211977470506 (READ-ONLY COPY).

The authoritative reference and input builder live on the scoring server;
editing this copy changes nothing except your own understanding.
"""

import jax, jax.numpy as jnp
import numpy as np

N_NODES = 10000
N_EDGES = 160000
NFEAT = 256
NHID = 256
NCLASS = 40


def setup_inputs(seed: int = 0) -> dict:
    key = jax.random.key(seed)
    k1, k2, k3, k4, k5, k6 = jax.random.split(key, 6)
    x = jax.random.normal(k1, (N_NODES, NFEAT), dtype=jnp.float32)
    edge_index = jax.random.randint(k2, (2, N_EDGES), 0, N_NODES, dtype=jnp.int64)
    # GraphConvolution params (Kipf-style: support = x @ W; out = spmm(adj, support) + b)
    s1 = 1.0 / np.sqrt(NHID)
    W1 = jax.random.uniform(k3, (NFEAT, NHID), dtype=jnp.float32, minval=-s1, maxval=s1)
    b1 = jax.random.uniform(k4, (NHID,), dtype=jnp.float32, minval=-s1, maxval=s1)
    s2 = 1.0 / np.sqrt(NCLASS)
    W2 = jax.random.uniform(k5, (NHID, NCLASS), dtype=jnp.float32, minval=-s2, maxval=s2)
    b2 = jax.random.uniform(k6, (NCLASS,), dtype=jnp.float32, minval=-s2, maxval=s2)
    return {"x": x, "edge_index": edge_index, "W1": W1, "b1": b1, "W2": W2, "b2": b2}


def _graph_conv(h, src, dst, W, b):
    support = h @ W
    # spmm(adj, support): scatter-add messages from src nodes into dst nodes
    agg = jax.ops.segment_sum(jnp.take(support, src, axis=0), dst, num_segments=N_NODES)
    return agg + b


def reference(x, edge_index, W1, b1, W2, b2):
    src = edge_index[0]
    dst = edge_index[1]
    # layer 1 (the single aose_gcns layer, num_layers=1)
    h = jax.nn.relu(_graph_conv(x, src, dst, W1, b1))
    # dropout is a no-op at inference (training=False)
    out = _graph_conv(h, src, dst, W2, b2)
    return jax.nn.log_softmax(out, axis=1)

if __name__ == "__main__":
    import jax
    _d = setup_inputs()
    print(jax.jit(kernel)(*tuple(_d.values())))

</pallas_src>

<mosaic_0001>
#map = affine_map<(d0, d1) -> (0, 0)>
#map1 = affine_map<(d0, d1) -> (0)>
module attributes {stable_mosaic.version = 14 : i64} {
  func.func @_flat_agg_body(%arg0: i32, %arg1: i32, %arg2: memref<10000x128xf32, #tpu.memory_space<hbm>>, %arg3: memref<10000x128xf32, #tpu.memory_space<hbm>>, %arg4: memref<164352xi32, #tpu.memory_space<hbm>>, %arg5: memref<164352xi32, #tpu.memory_space<hbm>>, %arg6: memref<320x128xf32, #tpu.memory_space<hbm>>, %arg7: memref<320x128xf32, #tpu.memory_space<hbm>>, %arg8: memref<10000x128xf32, #tpu.memory_space<hbm>>, %arg9: memref<10000x128xf32, #tpu.memory_space<hbm>>, %arg10: memref<5120x128xf32, #tpu.memory_space<vmem_shared>>, %arg11: memref<5120x128xf32, #tpu.memory_space<vmem_shared>>, %arg12: memref<10432xi32, #tpu.memory_space<vmem>>, %arg13: memref<10432xi32, #tpu.memory_space<vmem>>, %arg14: memref<32xi32, #tpu.memory_space<vmem>>, %arg15: memref<32xi32, #tpu.memory_space<vmem>>, %arg16: memref<32xi32, #tpu.memory_space<vmem>>, %arg17: memref<32x128xf32, #tpu.memory_space<vmem>>, %arg18: memref<32x128xf32, #tpu.memory_space<vmem>>, %arg19: memref<32x128xf32, #tpu.memory_space<vmem>>, %arg20: memref<!tpu.dma_semaphore, #tpu.memory_space<semaphore_mem>>, %arg21: memref<!tpu.dma_semaphore, #tpu.memory_space<semaphore_mem>>, %arg22: memref<!tpu.dma_semaphore, #tpu.memory_space<semaphore_mem>>, %arg23: memref<!tpu.dma_semaphore, #tpu.memory_space<semaphore_mem>>, %arg24: memref<!tpu.dma_semaphore, #tpu.memory_space<semaphore_mem>>, %arg25: memref<!tpu.dma_semaphore, #tpu.memory_space<semaphore_mem>>, %arg26: memref<32x128xf32, #tpu.memory_space<vmem>>, %arg27: memref<32x128xf32, #tpu.memory_space<vmem>>, %arg28: memref<32x128xf32, #tpu.memory_space<vmem>>, %arg29: memref<!tpu.dma_semaphore, #tpu.memory_space<semaphore_mem>>, %arg30: memref<!tpu.dma_semaphore, #tpu.memory_space<semaphore_mem>>, %arg31: memref<!tpu.dma_semaphore, #tpu.memory_space<semaphore_mem>>, %arg32: memref<!tpu.dma_semaphore, #tpu.memory_space<semaphore_mem>>, %arg33: memref<!tpu.dma_semaphore, #tpu.memory_space<semaphore_mem>>, %arg34: memref<!tpu.dma_semaphore, #tpu.memory_space<semaphore_mem>>) attributes {dimension_semantics = [#tpu.dimension_semantics<core_parallel>, #tpu.dimension_semantics<subcore_parallel>], iteration_bounds = array<i64: 2, 16>, scalar_prefetch = 0 : i64, scratch_operands = 25 : i64, tpu.core_type = #tpu.core_type<sc_vector_subcore>, window_params = [{transform_indices = #map}, {transform_indices = #map}, {transform_indices = #map1}, {transform_indices = #map1}, {transform_indices = #map}, {transform_indices = #map}, {transform_indices = #map}, {transform_indices = #map}]} {
    %mul3A = arith.constant 320 : i32
    %mul3A_0 = arith.muli %arg1, %mul3A : i32
    %multiple_of3A = tpu.assume_multiple %mul3A_0, 320 : i32
    "tpu.region"() ({
      %run_scoped3A = tpu.sem_alloc : memref<!tpu.dma_semaphore, #tpu.memory_space<semaphore_mem>>
      %dma_start3A_213 = arith.constant 0 : i32
      %dma_start3A_214 = tpu.memref_slice %arg10[%multiple_of3A, %dma_start3A_213] : memref<5120x128xf32, #tpu.memory_space<vmem_shared>> -> memref<320x128xf32, #tpu.memory_space<vmem_shared>>
      tpu.enqueue_dma source(%arg6 : memref<320x128xf32, #tpu.memory_space<hbm>>) target(%dma_start3A_214 : memref<320x128xf32, #tpu.memory_space<vmem_shared>>) target_semaphore(%run_scoped3A : memref<!tpu.dma_semaphore, #tpu.memory_space<semaphore_mem>>)
      %dma_wait3A_215 = arith.constant 0 : i32
      %dma_wait3A_216 = tpu.memref_slice %arg10[%multiple_of3A, %dma_wait3A_215] : memref<5120x128xf32, #tpu.memory_space<vmem_shared>> -> memref<320x128xf32, #tpu.memory_space<vmem_shared>>
      tpu.wait_dma2 semaphore(%run_scoped3A : memref<!tpu.dma_semaphore, #tpu.memory_space<semaphore_mem>>) src(%arg6 : memref<320x128xf32, #tpu.memory_space<hbm>>) dst(%dma_wait3A_216 : memref<320x128xf32, #tpu.memory_space<vmem_shared>>)
      tpu.yield
    }) : () -> ()
    %mul3A_1 = arith.constant 320 : i32
    %mul3A_2 = arith.muli %arg1, %mul3A_1 : i32
    %multiple_of3A_3 = tpu.assume_multiple %mul3A_2, 320 : i32
    "tpu.region"() ({
      %run_scoped3A = tpu.sem_alloc : memref<!tpu.dma_semaphore, #tpu.memory_space<semaphore_mem>>
      %dma_start3A_213 = arith.constant 0 : i32
      %dma_start3A_214 = tpu.memref_slice %arg11[%multiple_of3A_3, %dma_start3A_213] : memref<5120x128xf32, #tpu.memory_space<vmem_shared>> -> memref<320x128xf32, #tpu.memory_space<vmem_shared>>
      tpu.enqueue_dma source(%arg7 : memref<320x128xf32, #tpu.memory_space<hbm>>) target(%dma_start3A_214 : memref<320x128xf32, #tpu.memory_space<vmem_shared>>) target_semaphore(%run_scoped3A : memref<!tpu.dma_semaphore, #tpu.memory_space<semaphore_mem>>)
      %dma_wait3A_215 = arith.constant 0 : i32
      %dma_wait3A_216 = tpu.memref_slice %arg11[%multiple_of3A_3, %dma_wait3A_215] : memref<5120x128xf32, #tpu.memory_space<vmem_shared>> -> memref<320x128xf32, #tpu.memory_space<vmem_shared>>
      tpu.wait_dma2 semaphore(%run_scoped3A : memref<!tpu.dma_semaphore, #tpu.memory_space<semaphore_mem>>) src(%arg7 : memref<320x128xf32, #tpu.memory_space<hbm>>) dst(%dma_wait3A_216 : memref<320x128xf32, #tpu.memory_space<vmem_shared>>)
      tpu.yield
    }) : () -> ()
    %mul3A_4 = arith.constant 5000 : i32
    %mul3A_5 = arith.muli %arg0, %mul3A_4 : i32
    %mul3A_6 = arith.constant 10272 : i32
    %mul3A_7 = arith.muli %arg1, %mul3A_6 : i32
    %multiple_of3A_8 = tpu.assume_multiple %mul3A_7, 10272 : i32
    "tpu.region"() ({
      %run_scoped3A = tpu.sem_alloc : memref<!tpu.dma_semaphore, #tpu.memory_space<semaphore_mem>>
      %dma_start3A_213 = arith.constant 0 : i32
      %dma_start3A_214 = tpu.memref_slice %arg12[%dma_start3A_213] : memref<10432xi32, #tpu.memory_space<vmem>> -> memref<10272xi32, #tpu.memory_space<vmem>>
      %dma_start3A_215 = tpu.memref_slice %arg4[%multiple_of3A_8] : memref<164352xi32, #tpu.memory_space<hbm>> -> memref<10272xi32, #tpu.memory_space<hbm>>
      %dma_start3A_216 = arith.constant 0 : i32
      %dma_start3A_217 = tpu.memref_slice %arg12[%dma_start3A_216] : memref<10432xi32, #tpu.memory_space<vmem>> -> memref<10272xi32, #tpu.memory_space<vmem>>
      %dma_start3A_218 = tpu.memref_slice %arg4[%multiple_of3A_8] : memref<164352xi32, #tpu.memory_space<hbm>> -> memref<10272xi32, #tpu.memory_space<hbm>>
      tpu.enqueue_dma source(%dma_start3A_218 : memref<10272xi32, #tpu.memory_space<hbm>>) target(%dma_start3A_217 : memref<10272xi32, #tpu.memory_space<vmem>>) target_semaphore(%run_scoped3A : memref<!tpu.dma_semaphore, #tpu.memory_space<semaphore_mem>>)
      %dma_wait3A_219 = arith.constant 0 : i32
      %dma_wait3A_220 = tpu.memref_slice %arg12[%dma_wait3A_219] : memref<10432xi32, #tpu.memory_space<vmem>> -> memref<10272xi32, #tpu.memory_space<vmem>>
      %dma_wait3A_221 = tpu.memref_slice %arg4[%multiple_of3A_8] : memref<164352xi32, #tpu.memory_space<hbm>> -> memref<10272xi32, #tpu.memory_space<hbm>>
      %dma_wait3A_222 = arith.constant 0 : i32
      %dma_wait3A_223 = tpu.memref_slice %arg12[%dma_wait3A_222] : memref<10432xi32, #tpu.memory_space<vmem>> -> memref<10272xi32, #tpu.memory_space<vmem>>
      %dma_wait3A_224 = tpu.memref_slice %arg4[%multiple_of3A_8] : memref<164352xi32, #tpu.memory_space<hbm>> -> memref<10272xi32, #tpu.memory_space<hbm>>
      tpu.wait_dma2 semaphore(%run_scoped3A : memref<!tpu.dma_semaphore, #tpu.memory_space<semaphore_mem>>) src(%dma_wait3A_224 : memref<10272xi32, #tpu.memory_space<hbm>>) dst(%dma_wait3A_223 : memref<10272xi32, #tpu.memory_space<vmem>>)
      tpu.yield
    }) : () -> ()
    "tpu.region"() ({
      %run_scoped3A = tpu.sem_alloc : memref<!tpu.dma_semaphore, #tpu.memory_space<semaphore_mem>>
      %dma_start3A_213 = arith.constant 0 : i32
      %dma_start3A_214 = tpu.memref_slice %arg13[%dma_start3A_213] : memref<10432xi32, #tpu.memory_space<vmem>> -> memref<10272xi32, #tpu.memory_space<vmem>>
      %dma_start3A_215 = tpu.memref_slice %arg5[%multiple_of3A_8] : memref<164352xi32, #tpu.memory_space<hbm>> -> memref<10272xi32, #tpu.memory_space<hbm>>
      %dma_start3A_216 = arith.constant 0 : i32
      %dma_start3A_217 = tpu.memref_slice %arg13[%dma_start3A_216] : memref<10432xi32, #tpu.memory_space<vmem>> -> memref<10272xi32, #tpu.memory_space<vmem>>
      %dma_start3A_218 = tpu.memref_slice %arg5[%multiple_of3A_8] : memref<164352xi32, #tpu.memory_space<hbm>> -> memref<10272xi32, #tpu.memory_space<hbm>>
      tpu.enqueue_dma source(%dma_start3A_218 : memref<10272xi32, #tpu.memory_space<hbm>>) target(%dma_start3A_217 : memref<10272xi32, #tpu.memory_space<vmem>>) target_semaphore(%run_scoped3A : memref<!tpu.dma_semaphore, #tpu.memory_space<semaphore_mem>>)
      %dma_wait3A_219 = arith.constant 0 : i32
      %dma_wait3A_220 = tpu.memref_slice %arg13[%dma_wait3A_219] : memref<10432xi32, #tpu.memory_space<vmem>> -> memref<10272xi32, #tpu.memory_space<vmem>>
      %dma_wait3A_221 = tpu.memref_slice %arg5[%multiple_of3A_8] : memref<164352xi32, #tpu.memory_space<hbm>> -> memref<10272xi32, #tpu.memory_space<hbm>>
      %dma_wait3A_222 = arith.constant 0 : i32
      %dma_wait3A_223 = tpu.memref_slice %arg13[%dma_wait3A_222] : memref<10432xi32, #tpu.memory_space<vmem>> -> memref<10272xi32, #tpu.memory_space<vmem>>
      %dma_wait3A_224 = tpu.memref_slice %arg5[%multiple_of3A_8] : memref<164352xi32, #tpu.memory_space<hbm>> -> memref<10272xi32, #tpu.memory_space<hbm>>
      tpu.wait_dma2 semaphore(%run_scoped3A : memref<!tpu.dma_semaphore, #tpu.memory_space<semaphore_mem>>) src(%dma_wait3A_224 : memref<10272xi32, #tpu.memory_space<hbm>>) dst(%dma_wait3A_223 : memref<10272xi32, #tpu.memory_space<vmem>>)
      tpu.yield
    }) : () -> ()
    %scan3A = arith.constant 0 : i32
    %scan3A_9 = arith.constant 0 : i32
    %scan3A_10 = arith.constant 642 : i32
    %scan3A_11 = arith.addi %scan3A_9, %scan3A_10 : i32
    %scan3A_12 = arith.constant 1 : i32
    %scan3A_13 = scf.for %scan3A_213 = %scan3A_9 to %scan3A_11 step %scan3A_12 iter_args(%scan3A_214 = %scan3A) -> (i32)  : i32 {
      %mul3A_215 = arith.constant 16 : i32
      %mul3A_216 = arith.muli %scan3A_213, %mul3A_215 : i32
      %get3A_217 = arith.index_cast %mul3A_216 : i32 to index
      %get3A_218 = tpu.vector_load %arg13[%get3A_217] {strides = array<i32>} : memref<10432xi32, #tpu.memory_space<vmem>>, vector<16xi32>,
      %get3A_219 = vector.shape_cast %get3A_218 : vector<16xi32> to vector<16xi32>
      %sub3A = vector.broadcast %mul3A_5 : i32 to vector<16xi32>
      %sub3A_220 = arith.subi %get3A_219, %sub3A : vector<16xi32>
      %ge3A = arith.constant 0 : i32
      %ge3A_221 = vector.broadcast %ge3A : i32 to vector<16xi32>
      %ge3A_222 = arith.cmpi sge, %sub3A_220, %ge3A_221 : vector<16xi32>
      %lt3A = arith.constant 5000 : i32
      %lt3A_223 = vector.broadcast %lt3A : i32 to vector<16xi32>
      %lt3A_224 = arith.cmpi slt, %sub3A_220, %lt3A_223 : vector<16xi32>
      %and3A = arith.andi %ge3A_222, %lt3A_224 : vector<16xi1>
      %jit3A = arith.constant 5100 : i32
      %broadcast_in_dim3A_225 = vector.broadcast %jit3A : i32 to vector<16xi32>
      %select_n3A = arith.select %and3A, %sub3A_220, %broadcast_in_dim3A_225 : vector<16xi1>, vector<16xi32>
      %mul3A_226 = arith.constant 16 : i32
      %mul3A_227 = arith.muli %scan3A_213, %mul3A_226 : i32
      %swap3A_228 = arith.index_cast %mul3A_227 : i32 to index
      %swap3A_229 = tpu.vector_load %arg13[%swap3A_228] {strides = array<i32>} : memref<10432xi32, #tpu.memory_space<vmem>>, vector<16xi32>,
      %swap3A_230 = vector.shape_cast %swap3A_229 : vector<16xi32> to vector<16xi32>
      %swap3A_231 = vector.shape_cast %select_n3A : vector<16xi32> to vector<16xi32>
      tpu.vector_store %arg13[%swap3A_228], %swap3A_231 {strides = array<i32>} : memref<10432xi32, #tpu.memory_space<vmem>>, vector<16xi32>,
      %scan3A_232 = arith.constant 0 : i32
      scf.yield %scan3A_232 : i32
    }
    %scan3A_14 = arith.constant 642 : i32
    %broadcast_in_dim3A = arith.constant 0 : i32
    %broadcast_in_dim3A_15 = vector.broadcast %broadcast_in_dim3A : i32 to vector<16xi32>
    %broadcast_in_dim3A_16 = arith.constant 5100 : i32
    %broadcast_in_dim3A_17 = vector.broadcast %broadcast_in_dim3A_16 : i32 to vector<16xi32>
    %swap3A = arith.constant 10272 : index
    %swap3A_18 = tpu.vector_load %arg12[%swap3A] {strides = array<i32>} : memref<10432xi32, #tpu.memory_space<vmem>>, vector<16xi32>,
    %swap3A_19 = vector.shape_cast %swap3A_18 : vector<16xi32> to vector<16xi32>
    %swap3A_20 = vector.shape_cast %broadcast_in_dim3A_15 : vector<16xi32> to vector<16xi32>
    tpu.vector_store %arg12[%swap3A], %swap3A_20 {strides = array<i32>} : memref<10432xi32, #tpu.memory_space<vmem>>, vector<16xi32>,
    %swap3A_21 = arith.constant 10272 : index
    %swap3A_22 = tpu.vector_load %arg13[%swap3A_21] {strides = array<i32>} : memref<10432xi32, #tpu.memory_space<vmem>>, vector<16xi32>,
    %swap3A_23 = vector.shape_cast %swap3A_22 : vector<16xi32> to vector<16xi32>
    %swap3A_24 = vector.shape_cast %broadcast_in_dim3A_17 : vector<16xi32> to vector<16xi32>
    tpu.vector_store %arg13[%swap3A_21], %swap3A_24 {strides = array<i32>} : memref<10432xi32, #tpu.memory_space<vmem>>, vector<16xi32>,
    %swap3A_25 = arith.constant 10288 : index
    %swap3A_26 = tpu.vector_load %arg12[%swap3A_25] {strides = array<i32>} : memref<10432xi32, #tpu.memory_space<vmem>>, vector<16xi32>,
    %swap3A_27 = vector.shape_cast %swap3A_26 : vector<16xi32> to vector<16xi32>
    %swap3A_28 = vector.shape_cast %broadcast_in_dim3A_15 : vector<16xi32> to vector<16xi32>
    tpu.vector_store %arg12[%swap3A_25], %swap3A_28 {strides = array<i32>} : memref<10432xi32, #tpu.memory_space<vmem>>, vector<16xi32>,
    %swap3A_29 = arith.constant 10288 : index
    %swap3A_30 = tpu.vector_load %arg13[%swap3A_29] {strides = array<i32>} : memref<10432xi32, #tpu.memory_space<vmem>>, vector<16xi32>,
    %swap3A_31 = vector.shape_cast %swap3A_30 : vector<16xi32> to vector<16xi32>
    %swap3A_32 = vector.shape_cast %broadcast_in_dim3A_17 : vector<16xi32> to vector<16xi32>
    tpu.vector_store %arg13[%swap3A_29], %swap3A_32 {strides = array<i32>} : memref<10432xi32, #tpu.memory_space<vmem>>, vector<16xi32>,
    %barrier3A = arith.constant 0 : index
    tpu.barrier barrier_id(%barrier3A)
    %dma_start3A = arith.constant 0 : i32
    %dma_start3A_33 = tpu.memref_slice %arg12[%dma_start3A] : memref<10432xi32, #tpu.memory_space<vmem>> -> memref<32xi32, #tpu.memory_space<vmem>>
    %dma_start3A_34 = arith.constant 0 : i32
    %dma_start3A_35 = arith.constant 0 : i32
    %dma_start3A_36 = tpu.memref_slice %arg2[%dma_start3A_34, %dma_start3A_35] : memref<10000x128xf32, #tpu.memory_space<hbm>> -> memref<10000x128xf32, #tpu.memory_space<hbm>>
    tpu.enqueue_indirect_dma source(%dma_start3A_36 : memref<10000x128xf32, #tpu.memory_space<hbm>>) target(%arg17 : memref<32x128xf32, #tpu.memory_space<vmem>>) offsets(%dma_start3A_33 : memref<32xi32, #tpu.memory_space<vmem>>) semaphore(%arg20 : memref<!tpu.dma_semaphore, #tpu.memory_space<semaphore_mem>>)
    %dma_start3A_37 = arith.constant 0 : i32
    %dma_start3A_38 = tpu.memref_slice %arg12[%dma_start3A_37] : memref<10432xi32, #tpu.memory_space<vmem>> -> memref<32xi32, #tpu.memory_space<vmem>>
    %dma_start3A_39 = arith.constant 0 : i32
    %dma_start3A_40 = arith.constant 0 : i32
    %dma_start3A_41 = tpu.memref_slice %arg3[%dma_start3A_39, %dma_start3A_40] : memref<10000x128xf32, #tpu.memory_space<hbm>> -> memref<10000x128xf32, #tpu.memory_space<hbm>>
    tpu.enqueue_indirect_dma source(%dma_start3A_41 : memref<10000x128xf32, #tpu.memory_space<hbm>>) target(%arg26 : memref<32x128xf32, #tpu.memory_space<vmem>>) offsets(%dma_start3A_38 : memref<32xi32, #tpu.memory_space<vmem>>) semaphore(%arg29 : memref<!tpu.dma_semaphore, #tpu.memory_space<semaphore_mem>>)
    %dma_wait3A = arith.constant 0 : i32
    %dma_wait3A_42 = tpu.memref_slice %arg12[%dma_wait3A] : memref<10432xi32, #tpu.memory_space<vmem>> -> memref<32xi32, #tpu.memory_space<vmem>>
    %dma_wait3A_43 = arith.constant 0 : i32
    %dma_wait3A_44 = arith.constant 0 : i32
    %dma_wait3A_45 = tpu.memref_slice %arg2[%dma_wait3A_43, %dma_wait3A_44] : memref<10000x128xf32, #tpu.memory_space<hbm>> -> memref<10000x128xf32, #tpu.memory_space<hbm>>
    tpu.wait_indirect_dma semaphore(%arg20 : memref<!tpu.dma_semaphore, #tpu.memory_space<semaphore_mem>>) src(%dma_wait3A_45 : memref<10000x128xf32, #tpu.memory_space<hbm>>) dst(%arg17 : memref<32x128xf32, #tpu.memory_space<vmem>>)
    %dma_wait3A_46 = arith.constant 0 : i32
    %dma_wait3A_47 = tpu.memref_slice %arg12[%dma_wait3A_46] : memref<10432xi32, #tpu.memory_space<vmem>> -> memref<32xi32, #tpu.memory_space<vmem>>
    %dma_wait3A_48 = arith.constant 0 : i32
    %dma_wait3A_49 = arith.constant 0 : i32
    %dma_wait3A_50 = tpu.memref_slice %arg3[%dma_wait3A_48, %dma_wait3A_49] : memref<10000x128xf32, #tpu.memory_space<hbm>> -> memref<10000x128xf32, #tpu.memory_space<hbm>>
    tpu.wait_indirect_dma semaphore(%arg29 : memref<!tpu.dma_semaphore, #tpu.memory_space<semaphore_mem>>) src(%dma_wait3A_50 : memref<10000x128xf32, #tpu.memory_space<hbm>>) dst(%arg26 : memref<32x128xf32, #tpu.memory_space<vmem>>)
    %get3A = arith.constant 0 : index
    %get3A_51 = tpu.vector_load %arg13[%get3A] {strides = array<i32>} : memref<10432xi32, #tpu.memory_space<vmem>>, vector<16xi32>,
    %get3A_52 = vector.shape_cast %get3A_51 : vector<16xi32> to vector<16xi32>
    %swap3A_53 = arith.constant 0 : index
    %swap3A_54 = tpu.vector_load %arg14[%swap3A_53] {strides = array<i32>} : memref<32xi32, #tpu.memory_space<vmem>>, vector<16xi32>,
    %swap3A_55 = vector.shape_cast %swap3A_54 : vector<16xi32> to vector<16xi32>
    %swap3A_56 = vector.shape_cast %get3A_52 : vector<16xi32> to vector<16xi32>
    tpu.vector_store %arg14[%swap3A_53], %swap3A_56 {strides = array<i32>} : memref<32xi32, #tpu.memory_space<vmem>>, vector<16xi32>,
    %get3A_57 = arith.constant 16 : index
    %get3A_58 = tpu.vector_load %arg13[%get3A_57] {strides = array<i32>} : memref<10432xi32, #tpu.memory_space<vmem>>, vector<16xi32>,
    %get3A_59 = vector.shape_cast %get3A_58 : vector<16xi32> to vector<16xi32>
    %swap3A_60 = arith.constant 16 : index
    %swap3A_61 = tpu.vector_load %arg14[%swap3A_60] {strides = array<i32>} : memref<32xi32, #tpu.memory_space<vmem>>, vector<16xi32>,
    %swap3A_62 = vector.shape_cast %swap3A_61 : vector<16xi32> to vector<16xi32>
    %swap3A_63 = vector.shape_cast %get3A_59 : vector<16xi32> to vector<16xi32>
    tpu.vector_store %arg14[%swap3A_60], %swap3A_63 {strides = array<i32>} : memref<32xi32, #tpu.memory_space<vmem>>, vector<16xi32>,
    %dma_start3A_64 = arith.constant 0 : i32
    %dma_start3A_65 = arith.constant 0 : i32
    %dma_start3A_66 = tpu.memref_slice %arg10[%dma_start3A_64, %dma_start3A_65] : memref<5120x128xf32, #tpu.memory_space<vmem_shared>> -> memref<5120x128xf32, #tpu.memory_space<vmem_shared>>
    tpu.enqueue_indirect_dma source(%arg17 : memref<32x128xf32, #tpu.memory_space<vmem>>) target(%dma_start3A_66 : memref<5120x128xf32, #tpu.memory_space<vmem_shared>>) offsets(%arg14 : memref<32xi32, #tpu.memory_space<vmem>>) semaphore(%arg23 : memref<!tpu.dma_semaphore, #tpu.memory_space<semaphore_mem>>) {add = true}
    %dma_start3A_67 = arith.constant 0 : i32
    %dma_start3A_68 = arith.constant 0 : i32
    %dma_start3A_69 = tpu.memref_slice %arg11[%dma_start3A_67, %dma_start3A_68] : memref<5120x128xf32, #tpu.memory_space<vmem_shared>> -> memref<5120x128xf32, #tpu.memory_space<vmem_shared>>
    tpu.enqueue_indirect_dma source(%arg26 : memref<32x128xf32, #tpu.memory_space<vmem>>) target(%dma_start3A_69 : memref<5120x128xf32, #tpu.memory_space<vmem_shared>>) offsets(%arg14 : memref<32xi32, #tpu.memory_space<vmem>>) semaphore(%arg32 : memref<!tpu.dma_semaphore, #tpu.memory_space<semaphore_mem>>) {add = true}
    %dma_start3A_70 = arith.constant 32 : i32
    %dma_start3A_71 = tpu.memref_slice %arg12[%dma_start3A_70] : memref<10432xi32, #tpu.memory_space<vmem>> -> memref<32xi32, #tpu.memory_space<vmem>>
    %dma_start3A_72 = arith.constant 0 : i32
    %dma_start3A_73 = arith.constant 0 : i32
    %dma_start3A_74 = tpu.memref_slice %arg2[%dma_start3A_72, %dma_start3A_73] : memref<10000x128xf32, #tpu.memory_space<hbm>> -> memref<10000x128xf32, #tpu.memory_space<hbm>>
    tpu.enqueue_indirect_dma source(%dma_start3A_74 : memref<10000x128xf32, #tpu.memory_space<hbm>>) target(%arg18 : memref<32x128xf32, #tpu.memory_space<vmem>>) offsets(%dma_start3A_71 : memref<32xi32, #tpu.memory_space<vmem>>) semaphore(%arg21 : memref<!tpu.dma_semaphore, #tpu.memory_space<semaphore_mem>>)
    %dma_start3A_75 = arith.constant 32 : i32
    %dma_start3A_76 = tpu.memref_slice %arg12[%dma_start3A_75] : memref<10432xi32, #tpu.memory_space<vmem>> -> memref<32xi32, #tpu.memory_space<vmem>>
    %dma_start3A_77 = arith.constant 0 : i32
    %dma_start3A_78 = arith.constant 0 : i32
    %dma_start3A_79 = tpu.memref_slice %arg3[%dma_start3A_77, %dma_start3A_78] : memref<10000x128xf32, #tpu.memory_space<hbm>> -> memref<10000x128xf32, #tpu.memory_space<hbm>>
    tpu.enqueue_indirect_dma source(%dma_start3A_79 : memref<10000x128xf32, #tpu.memory_space<hbm>>) target(%arg27 : memref<32x128xf32, #tpu.memory_space<vmem>>) offsets(%dma_start3A_76 : memref<32xi32, #tpu.memory_space<vmem>>) semaphore(%arg30 : memref<!tpu.dma_semaphore, #tpu.memory_space<semaphore_mem>>)
    %dma_wait3A_80 = arith.constant 32 : i32
    %dma_wait3A_81 = tpu.memref_slice %arg12[%dma_wait3A_80] : memref<10432xi32, #tpu.memory_space<vmem>> -> memref<32xi32, #tpu.memory_space<vmem>>
    %dma_wait3A_82 = arith.constant 0 : i32
    %dma_wait3A_83 = arith.constant 0 : i32
    %dma_wait3A_84 = tpu.memref_slice %arg2[%dma_wait3A_82, %dma_wait3A_83] : memref<10000x128xf32, #tpu.memory_space<hbm>> -> memref<10000x128xf32, #tpu.memory_space<hbm>>
    tpu.wait_indirect_dma semaphore(%arg21 : memref<!tpu.dma_semaphore, #tpu.memory_space<semaphore_mem>>) src(%dma_wait3A_84 : memref<10000x128xf32, #tpu.memory_space<hbm>>) dst(%arg18 : memref<32x128xf32, #tpu.memory_space<vmem>>)
    %dma_wait3A_85 = arith.constant 32 : i32
    %dma_wait3A_86 = tpu.memref_slice %arg12[%dma_wait3A_85] : memref<10432xi32, #tpu.memory_space<vmem>> -> memref<32xi32, #tpu.memory_space<vmem>>
    %dma_wait3A_87 = arith.constant 0 : i32
    %dma_wait3A_88 = arith.constant 0 : i32
    %dma_wait3A_89 = tpu.memref_slice %arg3[%dma_wait3A_87, %dma_wait3A_88] : memref<10000x128xf32, #tpu.memory_space<hbm>> -> memref<10000x128xf32, #tpu.memory_space<hbm>>
    tpu.wait_indirect_dma semaphore(%arg30 : memref<!tpu.dma_semaphore, #tpu.memory_space<semaphore_mem>>) src(%dma_wait3A_89 : memref<10000x128xf32, #tpu.memory_space<hbm>>) dst(%arg27 : memref<32x128xf32, #tpu.memory_space<vmem>>)
    %get3A_90 = arith.constant 32 : index
    %get3A_91 = tpu.vector_load %arg13[%get3A_90] {strides = array<i32>} : memref<10432xi32, #tpu.memory_space<vmem>>, vector<16xi32>,
    %get3A_92 = vector.shape_cast %get3A_91 : vector<16xi32> to vector<16xi32>
    %swap3A_93 = arith.constant 0 : index
    %swap3A_94 = tpu.vector_load %arg15[%swap3A_93] {strides = array<i32>} : memref<32xi32, #tpu.memory_space<vmem>>, vector<16xi32>,
    %swap3A_95 = vector.shape_cast %swap3A_94 : vector<16xi32> to vector<16xi32>
    %swap3A_96 = vector.shape_cast %get3A_92 : vector<16xi32> to vector<16xi32>
    tpu.vector_store %arg15[%swap3A_93], %swap3A_96 {strides = array<i32>} : memref<32xi32, #tpu.memory_space<vmem>>, vector<16xi32>,
    %get3A_97 = arith.constant 48 : index
    %get3A_98 = tpu.vector_load %arg13[%get3A_97] {strides = array<i32>} : memref<10432xi32, #tpu.memory_space<vmem>>, vector<16xi32>,
    %get3A_99 = vector.shape_cast %get3A_98 : vector<16xi32> to vector<16xi32>
    %swap3A_100 = arith.constant 16 : index
    %swap3A_101 = tpu.vector_load %arg15[%swap3A_100] {strides = array<i32>} : memref<32xi32, #tpu.memory_space<vmem>>, vector<16xi32>,
    %swap3A_102 = vector.shape_cast %swap3A_101 : vector<16xi32> to vector<16xi32>
    %swap3A_103 = vector.shape_cast %get3A_99 : vector<16xi32> to vector<16xi32>
    tpu.vector_store %arg15[%swap3A_100], %swap3A_103 {strides = array<i32>} : memref<32xi32, #tpu.memory_space<vmem>>, vector<16xi32>,
    %dma_start3A_104 = arith.constant 0 : i32
    %dma_start3A_105 = arith.constant 0 : i32
    %dma_start3A_106 = tpu.memref_slice %arg10[%dma_start3A_104, %dma_start3A_105] : memref<5120x128xf32, #tpu.memory_space<vmem_shared>> -> memref<5120x128xf32, #tpu.memory_space<vmem_shared>>
    tpu.enqueue_indirect_dma source(%arg18 : memref<32x128xf32, #tpu.memory_space<vmem>>) target(%dma_start3A_106 : memref<5120x128xf32, #tpu.memory_space<vmem_shared>>) offsets(%arg15 : memref<32xi32, #tpu.memory_space<vmem>>) semaphore(%arg24 : memref<!tpu.dma_semaphore, #tpu.memory_space<semaphore_mem>>) {add = true}
    %dma_start3A_107 = arith.constant 0 : i32
    %dma_start3A_108 = arith.constant 0 : i32
    %dma_start3A_109 = tpu.memref_slice %arg11[%dma_start3A_107, %dma_start3A_108] : memref<5120x128xf32, #tpu.memory_space<vmem_shared>> -> memref<5120x128xf32, #tpu.memory_space<vmem_shared>>
    tpu.enqueue_indirect_dma source(%arg27 : memref<32x128xf32, #tpu.memory_space<vmem>>) target(%dma_start3A_109 : memref<5120x128xf32, #tpu.memory_space<vmem_shared>>) offsets(%arg15 : memref<32xi32, #tpu.memory_space<vmem>>) semaphore(%arg33 : memref<!tpu.dma_semaphore, #tpu.memory_space<semaphore_mem>>) {add = true}
    %dma_start3A_110 = arith.constant 64 : i32
    %dma_start3A_111 = tpu.memref_slice %arg12[%dma_start3A_110] : memref<10432xi32, #tpu.memory_space<vmem>> -> memref<32xi32, #tpu.memory_space<vmem>>
    %dma_start3A_112 = arith.constant 0 : i32
    %dma_start3A_113 = arith.constant 0 : i32
    %dma_start3A_114 = tpu.memref_slice %arg2[%dma_start3A_112, %dma_start3A_113] : memref<10000x128xf32, #tpu.memory_space<hbm>> -> memref<10000x128xf32, #tpu.memory_space<hbm>>
    tpu.enqueue_indirect_dma source(%dma_start3A_114 : memref<10000x128xf32, #tpu.memory_space<hbm>>) target(%arg19 : memref<32x128xf32, #tpu.memory_space<vmem>>) offsets(%dma_start3A_111 : memref<32xi32, #tpu.memory_space<vmem>>) semaphore(%arg22 : memref<!tpu.dma_semaphore, #tpu.memory_space<semaphore_mem>>)
    %dma_start3A_115 = arith.constant 64 : i32
    %dma_start3A_116 = tpu.memref_slice %arg12[%dma_start3A_115] : memref<10432xi32, #tpu.memory_space<vmem>> -> memref<32xi32, #tpu.memory_space<vmem>>
    %dma_start3A_117 = arith.constant 0 : i32
    %dma_start3A_118 = arith.constant 0 : i32
    %dma_start3A_119 = tpu.memref_slice %arg3[%dma_start3A_117, %dma_start3A_118] : memref<10000x128xf32, #tpu.memory_space<hbm>> -> memref<10000x128xf32, #tpu.memory_space<hbm>>
    tpu.enqueue_indirect_dma source(%dma_start3A_119 : memref<10000x128xf32, #tpu.memory_space<hbm>>) target(%arg28 : memref<32x128xf32, #tpu.memory_space<vmem>>) offsets(%dma_start3A_116 : memref<32xi32, #tpu.memory_space<vmem>>) semaphore(%arg31 : memref<!tpu.dma_semaphore, #tpu.memory_space<semaphore_mem>>)
    %dma_wait3A_120 = arith.constant 64 : i32
    %dma_wait3A_121 = tpu.memref_slice %arg12[%dma_wait3A_120] : memref<10432xi32, #tpu.memory_space<vmem>> -> memref<32xi32, #tpu.memory_space<vmem>>
    %dma_wait3A_122 = arith.constant 0 : i32
    %dma_wait3A_123 = arith.constant 0 : i32
    %dma_wait3A_124 = tpu.memref_slice %arg2[%dma_wait3A_122, %dma_wait3A_123] : memref<10000x128xf32, #tpu.memory_space<hbm>> -> memref<10000x128xf32, #tpu.memory_space<hbm>>
    tpu.wait_indirect_dma semaphore(%arg22 : memref<!tpu.dma_semaphore, #tpu.memory_space<semaphore_mem>>) src(%dma_wait3A_124 : memref<10000x128xf32, #tpu.memory_space<hbm>>) dst(%arg19 : memref<32x128xf32, #tpu.memory_space<vmem>>)
    %dma_wait3A_125 = arith.constant 64 : i32
    %dma_wait3A_126 = tpu.memref_slice %arg12[%dma_wait3A_125] : memref<10432xi32, #tpu.memory_space<vmem>> -> memref<32xi32, #tpu.memory_space<vmem>>
    %dma_wait3A_127 = arith.constant 0 : i32
    %dma_wait3A_128 = arith.constant 0 : i32
    %dma_wait3A_129 = tpu.memref_slice %arg3[%dma_wait3A_127, %dma_wait3A_128] : memref<10000x128xf32, #tpu.memory_space<hbm>> -> memref<10000x128xf32, #tpu.memory_space<hbm>>
    tpu.wait_indirect_dma semaphore(%arg31 : memref<!tpu.dma_semaphore, #tpu.memory_space<semaphore_mem>>) src(%dma_wait3A_129 : memref<10000x128xf32, #tpu.memory_space<hbm>>) dst(%arg28 : memref<32x128xf32, #tpu.memory_space<vmem>>)
    %get3A_130 = arith.constant 64 : index
    %get3A_131 = tpu.vector_load %arg13[%get3A_130] {strides = array<i32>} : memref<10432xi32, #tpu.memory_space<vmem>>, vector<16xi32>,
    %get3A_132 = vector.shape_cast %get3A_131 : vector<16xi32> to vector<16xi32>
    %swap3A_133 = arith.constant 0 : index
    %swap3A_134 = tpu.vector_load %arg16[%swap3A_133] {strides = array<i32>} : memref<32xi32, #tpu.memory_space<vmem>>, vector<16xi32>,
    %swap3A_135 = vector.shape_cast %swap3A_134 : vector<16xi32> to vector<16xi32>
    %swap3A_136 = vector.shape_cast %get3A_132 : vector<16xi32> to vector<16xi32>
    tpu.vector_store %arg16[%swap3A_133], %swap3A_136 {strides = array<i32>} : memref<32xi32, #tpu.memory_space<vmem>>, vector<16xi32>,
    %get3A_137 = arith.constant 80 : index
    %get3A_138 = tpu.vector_load %arg13[%get3A_137] {strides = array<i32>} : memref<10432xi32, #tpu.memory_space<vmem>>, vector<16xi32>,
    %get3A_139 = vector.shape_cast %get3A_138 : vector<16xi32> to vector<16xi32>
    %swap3A_140 = arith.constant 16 : index
    %swap3A_141 = tpu.vector_load %arg16[%swap3A_140] {strides = array<i32>} : memref<32xi32, #tpu.memory_space<vmem>>, vector<16xi32>,
    %swap3A_142 = vector.shape_cast %swap3A_141 : vector<16xi32> to vector<16xi32>
    %swap3A_143 = vector.shape_cast %get3A_139 : vector<16xi32> to vector<16xi32>
    tpu.vector_store %arg16[%swap3A_140], %swap3A_143 {strides = array<i32>} : memref<32xi32, #tpu.memory_space<vmem>>, vector<16xi32>,
    %dma_start3A_144 = arith.constant 0 : i32
    %dma_start3A_145 = arith.constant 0 : i32
    %dma_start3A_146 = tpu.memref_slice %arg10[%dma_start3A_144, %dma_start3A_145] : memref<5120x128xf32, #tpu.memory_space<vmem_shared>> -> memref<5120x128xf32, #tpu.memory_space<vmem_shared>>
    tpu.enqueue_indirect_dma source(%arg19 : memref<32x128xf32, #tpu.memory_space<vmem>>) target(%dma_start3A_146 : memref<5120x128xf32, #tpu.memory_space<vmem_shared>>) offsets(%arg16 : memref<32xi32, #tpu.memory_space<vmem>>) semaphore(%arg25 : memref<!tpu.dma_semaphore, #tpu.memory_space<semaphore_mem>>) {add = true}
    %dma_start3A_147 = arith.constant 0 : i32
    %dma_start3A_148 = arith.constant 0 : i32
    %dma_start3A_149 = tpu.memref_slice %arg11[%dma_start3A_147, %dma_start3A_148] : memref<5120x128xf32, #tpu.memory_space<vmem_shared>> -> memref<5120x128xf32, #tpu.memory_space<vmem_shared>>
    tpu.enqueue_indirect_dma source(%arg28 : memref<32x128xf32, #tpu.memory_space<vmem>>) target(%dma_start3A_149 : memref<5120x128xf32, #tpu.memory_space<vmem_shared>>) offsets(%arg16 : memref<32xi32, #tpu.memory_space<vmem>>) semaphore(%arg34 : memref<!tpu.dma_semaphore, #tpu.memory_space<semaphore_mem>>) {add = true}
    %dma_wait3A_150 = arith.constant 0 : i32
    %dma_wait3A_151 = arith.constant 0 : i32
    %dma_wait3A_152 = tpu.memref_slice %arg10[%dma_wait3A_150, %dma_wait3A_151] : memref<5120x128xf32, #tpu.memory_space<vmem_shared>> -> memref<5120x128xf32, #tpu.memory_space<vmem_shared>>
    tpu.wait_indirect_dma semaphore(%arg23 : memref<!tpu.dma_semaphore, #tpu.memory_space<semaphore_mem>>) src(%arg17 : memref<32x128xf32, #tpu.memory_space<vmem>>) dst(%dma_wait3A_152 : memref<5120x128xf32, #tpu.memory_space<vmem_shared>>)
    %dma_wait3A_153 = arith.constant 0 : i32
    %dma_wait3A_154 = arith.constant 0 : i32
    %dma_wait3A_155 = tpu.memref_slice %arg11[%dma_wait3A_153, %dma_wait3A_154] : memref<5120x128xf32, #tpu.memory_space<vmem_shared>> -> memref<5120x128xf32, #tpu.memory_space<vmem_shared>>
    tpu.wait_indirect_dma semaphore(%arg32 : memref<!tpu.dma_semaphore, #tpu.memory_space<semaphore_mem>>) src(%arg26 : memref<32x128xf32, #tpu.memory_space<vmem>>) dst(%dma_wait3A_155 : memref<5120x128xf32, #tpu.memory_space<vmem_shared>>)
    %dma_start3A_156 = arith.constant 96 : i32
    %dma_start3A_157 = tpu.memref_slice %arg12[%dma_start3A_156] : memref<10432xi32, #tpu.memory_space<vmem>> -> memref<32xi32, #tpu.memory_space<vmem>>
    %dma_start3A_158 = arith.constant 0 : i32
    %dma_start3A_159 = arith.constant 0 : i32
    %dma_start3A_160 = tpu.memref_slice %arg2[%dma_start3A_158, %dma_start3A_159] : memref<10000x128xf32, #tpu.memory_space<hbm>> -> memref<10000x128xf32, #tpu.memory_space<hbm>>
    tpu.enqueue_indirect_dma source(%dma_start3A_160 : memref<10000x128xf32, #tpu.memory_space<hbm>>) target(%arg17 : memref<32x128xf32, #tpu.memory_space<vmem>>) offsets(%dma_start3A_157 : memref<32xi32, #tpu.memory_space<vmem>>) semaphore(%arg20 : memref<!tpu.dma_semaphore, #tpu.memory_space<semaphore_mem>>)
    %dma_start3A_161 = arith.constant 96 : i32
    %dma_start3A_162 = tpu.memref_slice %arg12[%dma_start3A_161] : memref<10432xi32, #tpu.memory_space<vmem>> -> memref<32xi32, #tpu.memory_space<vmem>>
    %dma_start3A_163 = arith.constant 0 : i32
    %dma_start3A_164 = arith.constant 0 : i32
    %dma_start3A_165 = tpu.memref_slice %arg3[%dma_start3A_163, %dma_start3A_164] : memref<10000x128xf32, #tpu.memory_space<hbm>> -> memref<10000x128xf32, #tpu.memory_space<hbm>>
    tpu.enqueue_indirect_dma source(%dma_start3A_165 : memref<10000x128xf32, #tpu.memory_space<hbm>>) target(%arg26 : memref<32x128xf32, #tpu.memory_space<vmem>>) offsets(%dma_start3A_162 : memref<32xi32, #tpu.memory_space<vmem>>) semaphore(%arg29 : memref<!tpu.dma_semaphore, #tpu.memory_space<semaphore_mem>>)
    %scan3A_166 = arith.constant 0 : i32
    %scan3A_167 = arith.constant 1 : i32
    %scan3A_168 = arith.constant 106 : i32
    %scan3A_169 = arith.addi %scan3A_167, %scan3A_168 : i32
    %scan3A_170 = arith.constant 1 : i32
    %scan3A_171 = scf.for %scan3A_213 = %scan3A_167 to %scan3A_169 step %scan3A_170 iter_args(%scan3A_214 = %scan3A_166) -> (i32)  : i32 {
      %mul3A_215 = arith.constant 3 : i32
      %mul3A_216 = arith.muli %scan3A_213, %mul3A_215 : i32
      %add3A_217 = arith.constant 0 : i32
      %add3A_218 = arith.addi %mul3A_216, %add3A_217 : i32
      %mul3A_219 = arith.constant 32 : i32
      %mul3A_220 = arith.muli %add3A_218, %mul3A_219 : i32
      %dma_wait3A_221 = tpu.memref_slice %arg12[%mul3A_220] : memref<10432xi32, #tpu.memory_space<vmem>> -> memref<32xi32, #tpu.memory_space<vmem>>
      %dma_wait3A_222 = arith.constant 0 : i32
      %dma_wait3A_223 = arith.constant 0 : i32
      %dma_wait3A_224 = tpu.memref_slice %arg2[%dma_wait3A_222, %dma_wait3A_223] : memref<10000x128xf32, #tpu.memory_space<hbm>> -> memref<10000x128xf32, #tpu.memory_space<hbm>>
      tpu.wait_indirect_dma semaphore(%arg20 : memref<!tpu.dma_semaphore, #tpu.memory_space<semaphore_mem>>) src(%dma_wait3A_224 : memref<10000x128xf32, #tpu.memory_space<hbm>>) dst(%arg17 : memref<32x128xf32, #tpu.memory_space<vmem>>)
      %mul3A_225 = arith.constant 32 : i32
      %mul3A_226 = arith.muli %add3A_218, %mul3A_225 : i32
      %dma_wait3A_227 = tpu.memref_slice %arg12[%mul3A_226] : memref<10432xi32, #tpu.memory_space<vmem>> -> memref<32xi32, #tpu.memory_space<vmem>>
      %dma_wait3A_228 = arith.constant 0 : i32
      %dma_wait3A_229 = arith.constant 0 : i32
      %dma_wait3A_230 = tpu.memref_slice %arg3[%dma_wait3A_228, %dma_wait3A_229] : memref<10000x128xf32, #tpu.memory_space<hbm>> -> memref<10000x128xf32, #tpu.memory_space<hbm>>
      tpu.wait_indirect_dma semaphore(%arg29 : memref<!tpu.dma_semaphore, #tpu.memory_space<semaphore_mem>>) src(%dma_wait3A_230 : memref<10000x128xf32, #tpu.memory_space<hbm>>) dst(%arg26 : memref<32x128xf32, #tpu.memory_space<vmem>>)
      %mul3A_231 = arith.constant 32 : i32
      %mul3A_232 = arith.muli %add3A_218, %mul3A_231 : i32
      %add3A_233 = arith.constant 0 : i32
      %add3A_234 = arith.addi %mul3A_232, %add3A_233 : i32
      %get3A_235 = arith.index_cast %add3A_234 : i32 to index
      %get3A_236 = tpu.vector_load %arg13[%get3A_235] {strides = array<i32>} : memref<10432xi32, #tpu.memory_space<vmem>>, vector<16xi32>,
      %get3A_237 = vector.shape_cast %get3A_236 : vector<16xi32> to vector<16xi32>
      %swap3A_238 = arith.constant 0 : index
      %swap3A_239 = tpu.vector_load %arg14[%swap3A_238] {strides = array<i32>} : memref<32xi32, #tpu.memory_space<vmem>>, vector<16xi32>,
      %swap3A_240 = vector.shape_cast %swap3A_239 : vector<16xi32> to vector<16xi32>
      %swap3A_241 = vector.shape_cast %get3A_237 : vector<16xi32> to vector<16xi32>
      tpu.vector_store %arg14[%swap3A_238], %swap3A_241 {strides = array<i32>} : memref<32xi32, #tpu.memory_space<vmem>>, vector<16xi32>,
      %mul3A_242 = arith.constant 32 : i32
      %mul3A_243 = arith.muli %add3A_218, %mul3A_242 : i32
      %add3A_244 = arith.constant 16 : i32
      %add3A_245 = arith.addi %mul3A_243, %add3A_244 : i32
      %get3A_246 = arith.index_cast %add3A_245 : i32 to index
      %get3A_247 = tpu.vector_load %arg13[%get3A_246] {strides = array<i32>} : memref<10432xi32, #tpu.memory_space<vmem>>, vector<16xi32>,
      %get3A_248 = vector.shape_cast %get3A_247 : vector<16xi32> to vector<16xi32>
      %swap3A_249 = arith.constant 16 : index
      %swap3A_250 = tpu.vector_load %arg14[%swap3A_249] {strides = array<i32>} : memref<32xi32, #tpu.memory_space<vmem>>, vector<16xi32>,
      %swap3A_251 = vector.shape_cast %swap3A_250 : vector<16xi32> to vector<16xi32>
      %swap3A_252 = vector.shape_cast %get3A_248 : vector<16xi32> to vector<16xi32>
      tpu.vector_store %arg14[%swap3A_249], %swap3A_252 {strides = array<i32>} : memref<32xi32, #tpu.memory_space<vmem>>, vector<16xi32>,
      %dma_start3A_253 = arith.constant 0 : i32
      %dma_start3A_254 = arith.constant 0 : i32
      %dma_start3A_255 = tpu.memref_slice %arg10[%dma_start3A_253, %dma_start3A_254] : memref<5120x128xf32, #tpu.memory_space<vmem_shared>> -> memref<5120x128xf32, #tpu.memory_space<vmem_shared>>
      tpu.enqueue_indirect_dma source(%arg17 : memref<32x128xf32, #tpu.memory_space<vmem>>) target(%dma_start3A_255 : memref<5120x128xf32, #tpu.memory_space<vmem_shared>>) offsets(%arg14 : memref<32xi32, #tpu.memory_space<vmem>>) semaphore(%arg23 : memref<!tpu.dma_semaphore, #tpu.memory_space<semaphore_mem>>) {add = true}
      %dma_wait3A_256 = arith.constant 0 : i32
      %dma_wait3A_257 = arith.constant 0 : i32
      %dma_wait3A_258 = tpu.memref_slice %arg10[%dma_wait3A_256, %dma_wait3A_257] : memref<5120x128xf32, #tpu.memory_space<vmem_shared>> -> memref<5120x128xf32, #tpu.memory_space<vmem_shared>>
      tpu.wait_indirect_dma semaphore(%arg24 : memref<!tpu.dma_semaphore, #tpu.memory_space<semaphore_mem>>) src(%arg18 : memref<32x128xf32, #tpu.memory_space<vmem>>) dst(%dma_wait3A_258 : memref<5120x128xf32, #tpu.memory_space<vmem_shared>>)
      %add3A_259 = arith.constant 1 : i32
      %add3A_260 = arith.addi %add3A_218, %add3A_259 : i32
      %mul3A_261 = arith.constant 32 : i32
      %mul3A_262 = arith.muli %add3A_260, %mul3A_261 : i32
      %dma_start3A_263 = tpu.memref_slice %arg12[%mul3A_262] : memref<10432xi32, #tpu.memory_space<vmem>> -> memref<32xi32, #tpu.memory_space<vmem>>
      %dma_start3A_264 = arith.constant 0 : i32
      %dma_start3A_265 = arith.constant 0 : i32
      %dma_start3A_266 = tpu.memref_slice %arg2[%dma_start3A_264, %dma_start3A_265] : memref<10000x128xf32, #tpu.memory_space<hbm>> -> memref<10000x128xf32, #tpu.memory_space<hbm>>
      tpu.enqueue_indirect_dma source(%dma_start3A_266 : memref<10000x128xf32, #tpu.memory_space<hbm>>) target(%arg18 : memref<32x128xf32, #tpu.memory_space<vmem>>) offsets(%dma_start3A_263 : memref<32xi32, #tpu.memory_space<vmem>>) semaphore(%arg21 : memref<!tpu.dma_semaphore, #tpu.memory_space<semaphore_mem>>)
      %dma_start3A_267 = arith.constant 0 : i32
      %dma_start3A_268 = arith.constant 0 : i32
      %dma_start3A_269 = tpu.memref_slice %arg11[%dma_start3A_267, %dma_start3A_268] : memref<5120x128xf32, #tpu.memory_space<vmem_shared>> -> memref<5120x128xf32, #tpu.memory_space<vmem_shared>>
      tpu.enqueue_indirect_dma source(%arg26 : memref<32x128xf32, #tpu.memory_space<vmem>>) target(%dma_start3A_269 : memref<5120x128xf32, #tpu.memory_space<vmem_shared>>) offsets(%arg14 : memref<32xi32, #tpu.memory_space<vmem>>) semaphore(%arg32 : memref<!tpu.dma_semaphore, #tpu.memory_space<semaphore_mem>>) {add = true}
      %dma_wait3A_270 = arith.constant 0 : i32
      %dma_wait3A_271 = arith.constant 0 : i32
      %dma_wait3A_272 = tpu.memref_slice %arg11[%dma_wait3A_270, %dma_wait3A_271] : memref<5120x128xf32, #tpu.memory_space<vmem_shared>> -> memref<5120x128xf32, #tpu.memory_space<vmem_shared>>
      tpu.wait_indirect_dma semaphore(%arg33 : memref<!tpu.dma_semaphore, #tpu.memory_space<semaphore_mem>>) src(%arg27 : memref<32x128xf32, #tpu.memory_space<vmem>>) dst(%dma_wait3A_272 : memref<5120x128xf32, #tpu.memory_space<vmem_shared>>)
      %add3A_273 = arith.constant 1 : i32
      %add3A_274 = arith.addi %add3A_218, %add3A_273 : i32
      %mul3A_275 = arith.constant 32 : i32
      %mul3A_276 = arith.muli %add3A_274, %mul3A_275 : i32
      %dma_start3A_277 = tpu.memref_slice %arg12[%mul3A_276] : memref<10432xi32, #tpu.memory_space<vmem>> -> memref<32xi32, #tpu.memory_space<vmem>>
      %dma_start3A_278 = arith.constant 0 : i32
      %dma_start3A_279 = arith.constant 0 : i32
      %dma_start3A_280 = tpu.memref_slice %arg3[%dma_start3A_278, %dma_start3A_279] : memref<10000x128xf32, #tpu.memory_space<hbm>> -> memref<10000x128xf32, #tpu.memory_space<hbm>>
      tpu.enqueue_indirect_dma source(%dma_start3A_280 : memref<10000x128xf32, #tpu.memory_space<hbm>>) target(%arg27 : memref<32x128xf32, #tpu.memory_space<vmem>>) offsets(%dma_start3A_277 : memref<32xi32, #tpu.memory_space<vmem>>) semaphore(%arg30 : memref<!tpu.dma_semaphore, #tpu.memory_space<semaphore_mem>>)
      %mul3A_281 = arith.constant 3 : i32
      %mul3A_282 = arith.muli %scan3A_213, %mul3A_281 : i32
      %add3A_283 = arith.constant 1 : i32
      %add3A_284 = arith.addi %mul3A_282, %add3A_283 : i32
      %mul3A_285 = arith.constant 32 : i32
      %mul3A_286 = arith.muli %add3A_284, %mul3A_285 : i32
      %dma_wait3A_287 = tpu.memref_slice %arg12[%mul3A_286] : memref<10432xi32, #tpu.memory_space<vmem>> -> memref<32xi32, #tpu.memory_space<vmem>>
      %dma_wait3A_288 = arith.constant 0 : i32
      %dma_wait3A_289 = arith.constant 0 : i32
      %dma_wait3A_290 = tpu.memref_slice %arg2[%dma_wait3A_288, %dma_wait3A_289] : memref<10000x128xf32, #tpu.memory_space<hbm>> -> memref<10000x128xf32, #tpu.memory_space<hbm>>
      tpu.wait_indirect_dma semaphore(%arg21 : memref<!tpu.dma_semaphore, #tpu.memory_space<semaphore_mem>>) src(%dma_wait3A_290 : memref<10000x128xf32, #tpu.memory_space<hbm>>) dst(%arg18 : memref<32x128xf32, #tpu.memory_space<vmem>>)
      %mul3A_291 = arith.constant 32 : i32
      %mul3A_292 = arith.muli %add3A_284, %mul3A_291 : i32
      %dma_wait3A_293 = tpu.memref_slice %arg12[%mul3A_292] : memref<10432xi32, #tpu.memory_space<vmem>> -> memref<32xi32, #tpu.memory_space<vmem>>
      %dma_wait3A_294 = arith.constant 0 : i32
      %dma_wait3A_295 = arith.constant 0 : i32
      %dma_wait3A_296 = tpu.memref_slice %arg3[%dma_wait3A_294, %dma_wait3A_295] : memref<10000x128xf32, #tpu.memory_space<hbm>> -> memref<10000x128xf32, #tpu.memory_space<hbm>>
      tpu.wait_indirect_dma semaphore(%arg30 : memref<!tpu.dma_semaphore, #tpu.memory_space<semaphore_mem>>) src(%dma_wait3A_296 : memref<10000x128xf32, #tpu.memory_space<hbm>>) dst(%arg27 : memref<32x128xf32, #tpu.memory_space<vmem>>)
      %mul3A_297 = arith.constant 32 : i32
      %mul3A_298 = arith.muli %add3A_284, %mul3A_297 : i32
      %add3A_299 = arith.constant 0 : i32
      %add3A_300 = arith.addi %mul3A_298, %add3A_299 : i32
      %get3A_301 = arith.index_cast %add3A_300 : i32 to index
      %get3A_302 = tpu.vector_load %arg13[%get3A_301] {strides = array<i32>} : memref<10432xi32, #tpu.memory_space<vmem>>, vector<16xi32>,
      %get3A_303 = vector.shape_cast %get3A_302 : vector<16xi32> to vector<16xi32>
      %swap3A_304 = arith.constant 0 : index
      %swap3A_305 = tpu.vector_load %arg15[%swap3A_304] {strides = array<i32>} : memref<32xi32, #tpu.memory_space<vmem>>, vector<16xi32>,
      %swap3A_306 = vector.shape_cast %swap3A_305 : vector<16xi32> to vector<16xi32>
      %swap3A_307 = vector.shape_cast %get3A_303 : vector<16xi32> to vector<16xi32>
      tpu.vector_store %arg15[%swap3A_304], %swap3A_307 {strides = array<i32>} : memref<32xi32, #tpu.memory_space<vmem>>, vector<16xi32>,
      %mul3A_308 = arith.constant 32 : i32
      %mul3A_309 = arith.muli %add3A_284, %mul3A_308 : i32
      %add3A_310 = arith.constant 16 : i32
      %add3A_311 = arith.addi %mul3A_309, %add3A_310 : i32
      %get3A_312 = arith.index_cast %add3A_311 : i32 to index
      %get3A_313 = tpu.vector_load %arg13[%get3A_312] {strides = array<i32>} : memref<10432xi32, #tpu.memory_space<vmem>>, vector<16xi32>,
      %get3A_314 = vector.shape_cast %get3A_313 : vector<16xi32> to vector<16xi32>
      %swap3A_315 = arith.constant 16 : index
      %swap3A_316 = tpu.vector_load %arg15[%swap3A_315] {strides = array<i32>} : memref<32xi32, #tpu.memory_space<vmem>>, vector<16xi32>,
      %swap3A_317 = vector.shape_cast %swap3A_316 : vector<16xi32> to vector<16xi32>
      %swap3A_318 = vector.shape_cast %get3A_314 : vector<16xi32> to vector<16xi32>
      tpu.vector_store %arg15[%swap3A_315], %swap3A_318 {strides = array<i32>} : memref<32xi32, #tpu.memory_space<vmem>>, vector<16xi32>,
      %dma_start3A_319 = arith.constant 0 : i32
      %dma_start3A_320 = arith.constant 0 : i32
      %dma_start3A_321 = tpu.memref_slice %arg10[%dma_start3A_319, %dma_start3A_320] : memref<5120x128xf32, #tpu.memory_space<vmem_shared>> -> memref<5120x128xf32, #tpu.memory_space<vmem_shared>>
      tpu.enqueue_indirect_dma source(%arg18 : memref<32x128xf32, #tpu.memory_space<vmem>>) target(%dma_start3A_321 : memref<5120x128xf32, #tpu.memory_space<vmem_shared>>) offsets(%arg15 : memref<32xi32, #tpu.memory_space<vmem>>) semaphore(%arg24 : memref<!tpu.dma_semaphore, #tpu.memory_space<semaphore_mem>>) {add = true}
      %dma_wait3A_322 = arith.constant 0 : i32
      %dma_wait3A_323 = arith.constant 0 : i32
      %dma_wait3A_324 = tpu.memref_slice %arg10[%dma_wait3A_322, %dma_wait3A_323] : memref<5120x128xf32, #tpu.memory_space<vmem_shared>> -> memref<5120x128xf32, #tpu.memory_space<vmem_shared>>
      tpu.wait_indirect_dma semaphore(%arg25 : memref<!tpu.dma_semaphore, #tpu.memory_space<semaphore_mem>>) src(%arg19 : memref<32x128xf32, #tpu.memory_space<vmem>>) dst(%dma_wait3A_324 : memref<5120x128xf32, #tpu.memory_space<vmem_shared>>)
      %add3A_325 = arith.constant 1 : i32
      %add3A_326 = arith.addi %add3A_284, %add3A_325 : i32
      %mul3A_327 = arith.constant 32 : i32
      %mul3A_328 = arith.muli %add3A_326, %mul3A_327 : i32
      %dma_start3A_329 = tpu.memref_slice %arg12[%mul3A_328] : memref<10432xi32, #tpu.memory_space<vmem>> -> memref<32xi32, #tpu.memory_space<vmem>>
      %dma_start3A_330 = arith.constant 0 : i32
      %dma_start3A_331 = arith.constant 0 : i32
      %dma_start3A_332 = tpu.memref_slice %arg2[%dma_start3A_330, %dma_start3A_331] : memref<10000x128xf32, #tpu.memory_space<hbm>> -> memref<10000x128xf32, #tpu.memory_space<hbm>>
      tpu.enqueue_indirect_dma source(%dma_start3A_332 : memref<10000x128xf32, #tpu.memory_space<hbm>>) target(%arg19 : memref<32x128xf32, #tpu.memory_space<vmem>>) offsets(%dma_start3A_329 : memref<32xi32, #tpu.memory_space<vmem>>) semaphore(%arg22 : memref<!tpu.dma_semaphore, #tpu.memory_space<semaphore_mem>>)
      %dma_start3A_333 = arith.constant 0 : i32
      %dma_start3A_334 = arith.constant 0 : i32
      %dma_start3A_335 = tpu.memref_slice %arg11[%dma_start3A_333, %dma_start3A_334] : memref<5120x128xf32, #tpu.memory_space<vmem_shared>> -> memref<5120x128xf32, #tpu.memory_space<vmem_shared>>
      tpu.enqueue_indirect_dma source(%arg27 : memref<32x128xf32, #tpu.memory_space<vmem>>) target(%dma_start3A_335 : memref<5120x128xf32, #tpu.memory_space<vmem_shared>>) offsets(%arg15 : memref<32xi32, #tpu.memory_space<vmem>>) semaphore(%arg33 : memref<!tpu.dma_semaphore, #tpu.memory_space<semaphore_mem>>) {add = true}
      %dma_wait3A_336 = arith.constant 0 : i32
      %dma_wait3A_337 = arith.constant 0 : i32
      %dma_wait3A_338 = tpu.memref_slice %arg11[%dma_wait3A_336, %dma_wait3A_337] : memref<5120x128xf32, #tpu.memory_space<vmem_shared>> -> memref<5120x128xf32, #tpu.memory_space<vmem_shared>>
      tpu.wait_indirect_dma semaphore(%arg34 : memref<!tpu.dma_semaphore, #tpu.memory_space<semaphore_mem>>) src(%arg28 : memref<32x128xf32, #tpu.memory_space<vmem>>) dst(%dma_wait3A_338 : memref<5120x128xf32, #tpu.memory_space<vmem_shared>>)
      %add3A_339 = arith.constant 1 : i32
      %add3A_340 = arith.addi %add3A_284, %add3A_339 : i32
      %mul3A_341 = arith.constant 32 : i32
      %mul3A_342 = arith.muli %add3A_340, %mul3A_341 : i32
      %dma_start3A_343 = tpu.memref_slice %arg12[%mul3A_342] : memref<10432xi32, #tpu.memory_space<vmem>> -> memref<32xi32, #tpu.memory_space<vmem>>
      %dma_start3A_344 = arith.constant 0 : i32
      %dma_start3A_345 = arith.constant 0 : i32
      %dma_start3A_346 = tpu.memref_slice %arg3[%dma_start3A_344, %dma_start3A_345] : memref<10000x128xf32, #tpu.memory_space<hbm>> -> memref<10000x128xf32, #tpu.memory_space<hbm>>
      tpu.enqueue_indirect_dma source(%dma_start3A_346 : memref<10000x128xf32, #tpu.memory_space<hbm>>) target(%arg28 : memref<32x128xf32, #tpu.memory_space<vmem>>) offsets(%dma_start3A_343 : memref<32xi32, #tpu.memory_space<vmem>>) semaphore(%arg31 : memref<!tpu.dma_semaphore, #tpu.memory_space<semaphore_mem>>)
      %mul3A_347 = arith.constant 3 : i32
      %mul3A_348 = arith.muli %scan3A_213, %mul3A_347 : i32
      %add3A_349 = arith.constant 2 : i32
      %add3A_350 = arith.addi %mul3A_348, %add3A_349 : i32
      %mul3A_351 = arith.constant 32 : i32
      %mul3A_352 = arith.muli %add3A_350, %mul3A_351 : i32
      %dma_wait3A_353 = tpu.memref_slice %arg12[%mul3A_352] : memref<10432xi32, #tpu.memory_space<vmem>> -> memref<32xi32, #tpu.memory_space<vmem>>
      %dma_wait3A_354 = arith.constant 0 : i32
      %dma_wait3A_355 = arith.constant 0 : i32
      %dma_wait3A_356 = tpu.memref_slice %arg2[%dma_wait3A_354, %dma_wait3A_355] : memref<10000x128xf32, #tpu.memory_space<hbm>> -> memref<10000x128xf32, #tpu.memory_space<hbm>>
      tpu.wait_indirect_dma semaphore(%arg22 : memref<!tpu.dma_semaphore, #tpu.memory_space<semaphore_mem>>) src(%dma_wait3A_356 : memref<10000x128xf32, #tpu.memory_space<hbm>>) dst(%arg19 : memref<32x128xf32, #tpu.memory_space<vmem>>)
      %mul3A_357 = arith.constant 32 : i32
      %mul3A_358 = arith.muli %add3A_350, %mul3A_357 : i32
      %dma_wait3A_359 = tpu.memref_slice %arg12[%mul3A_358] : memref<10432xi32, #tpu.memory_space<vmem>> -> memref<32xi32, #tpu.memory_space<vmem>>
      %dma_wait3A_360 = arith.constant 0 : i32
      %dma_wait3A_361 = arith.constant 0 : i32
      %dma_wait3A_362 = tpu.memref_slice %arg3[%dma_wait3A_360, %dma_wait3A_361] : memref<10000x128xf32, #tpu.memory_space<hbm>> -> memref<10000x128xf32, #tpu.memory_space<hbm>>
      tpu.wait_indirect_dma semaphore(%arg31 : memref<!tpu.dma_semaphore, #tpu.memory_space<semaphore_mem>>) src(%dma_wait3A_362 : memref<10000x128xf32, #tpu.memory_space<hbm>>) dst(%arg28 : memref<32x128xf32, #tpu.memory_space<vmem>>)
      %mul3A_363 = arith.constant 32 : i32
      %mul3A_364 = arith.muli %add3A_350, %mul3A_363 : i32
      %add3A_365 = arith.constant 0 : i32
      %add3A_366 = arith.addi %mul3A_364, %add3A_365 : i32
      %get3A_367 = arith.index_cast %add3A_366 : i32 to index
      %get3A_368 = tpu.vector_load %arg13[%get3A_367] {strides = array<i32>} : memref<10432xi32, #tpu.memory_space<vmem>>, vector<16xi32>,
      %get3A_369 = vector.shape_cast %get3A_368 : vector<16xi32> to vector<16xi32>
      %swap3A_370 = arith.constant 0 : index
      %swap3A_371 = tpu.vector_load %arg16[%swap3A_370] {strides = array<i32>} : memref<32xi32, #tpu.memory_space<vmem>>, vector<16xi32>,
      %swap3A_372 = vector.shape_cast %swap3A_371 : vector<16xi32> to vector<16xi32>
      %swap3A_373 = vector.shape_cast %get3A_369 : vector<16xi32> to vector<16xi32>
      tpu.vector_store %arg16[%swap3A_370], %swap3A_373 {strides = array<i32>} : memref<32xi32, #tpu.memory_space<vmem>>, vector<16xi32>,
      %mul3A_374 = arith.constant 32 : i32
      %mul3A_375 = arith.muli %add3A_350, %mul3A_374 : i32
      %add3A_376 = arith.constant 16 : i32
      %add3A_377 = arith.addi %mul3A_375, %add3A_376 : i32
      %get3A_378 = arith.index_cast %add3A_377 : i32 to index
      %get3A_379 = tpu.vector_load %arg13[%get3A_378] {strides = array<i32>} : memref<10432xi32, #tpu.memory_space<vmem>>, vector<16xi32>,
      %get3A_380 = vector.shape_cast %get3A_379 : vector<16xi32> to vector<16xi32>
      %swap3A_381 = arith.constant 16 : index
      %swap3A_382 = tpu.vector_load %arg16[%swap3A_381] {strides = array<i32>} : memref<32xi32, #tpu.memory_space<vmem>>, vector<16xi32>,
      %swap3A_383 = vector.shape_cast %swap3A_382 : vector<16xi32> to vector<16xi32>
      %swap3A_384 = vector.shape_cast %get3A_380 : vector<16xi32> to vector<16xi32>
      tpu.vector_store %arg16[%swap3A_381], %swap3A_384 {strides = array<i32>} : memref<32xi32, #tpu.memory_space<vmem>>, vector<16xi32>,
      %dma_start3A_385 = arith.constant 0 : i32
      %dma_start3A_386 = arith.constant 0 : i32
      %dma_start3A_387 = tpu.memref_slice %arg10[%dma_start3A_385, %dma_start3A_386] : memref<5120x128xf32, #tpu.memory_space<vmem_shared>> -> memref<5120x128xf32, #tpu.memory_space<vmem_shared>>
      tpu.enqueue_indirect_dma source(%arg19 : memref<32x128xf32, #tpu.memory_space<vmem>>) target(%dma_start3A_387 : memref<5120x128xf32, #tpu.memory_space<vmem_shared>>) offsets(%arg16 : memref<32xi32, #tpu.memory_space<vmem>>) semaphore(%arg25 : memref<!tpu.dma_semaphore, #tpu.memory_space<semaphore_mem>>) {add = true}
      %dma_wait3A_388 = arith.constant 0 : i32
      %dma_wait3A_389 = arith.constant 0 : i32
      %dma_wait3A_390 = tpu.memref_slice %arg10[%dma_wait3A_388, %dma_wait3A_389] : memref<5120x128xf32, #tpu.memory_space<vmem_shared>> -> memref<5120x128xf32, #tpu.memory_space<vmem_shared>>
      tpu.wait_indirect_dma semaphore(%arg23 : memref<!tpu.dma_semaphore, #tpu.memory_space<semaphore_mem>>) src(%arg17 : memref<32x128xf32, #tpu.memory_space<vmem>>) dst(%dma_wait3A_390 : memref<5120x128xf32, #tpu.memory_space<vmem_shared>>)
      %add3A_391 = arith.constant 1 : i32
      %add3A_392 = arith.addi %add3A_350, %add3A_391 : i32
      %mul3A_393 = arith.constant 32 : i32
      %mul3A_394 = arith.muli %add3A_392, %mul3A_393 : i32
      %dma_start3A_395 = tpu.memref_slice %arg12[%mul3A_394] : memref<10432xi32, #tpu.memory_space<vmem>> -> memref<32xi32, #tpu.memory_space<vmem>>
      %dma_start3A_396 = arith.constant 0 : i32
      %dma_start3A_397 = arith.constant 0 : i32
      %dma_start3A_398 = tpu.memref_slice %arg2[%dma_start3A_396, %dma_start3A_397] : memref<10000x128xf32, #tpu.memory_space<hbm>> -> memref<10000x128xf32, #tpu.memory_space<hbm>>
      tpu.enqueue_indirect_dma source(%dma_start3A_398 : memref<10000x128xf32, #tpu.memory_space<hbm>>) target(%arg17 : memref<32x128xf32, #tpu.memory_space<vmem>>) offsets(%dma_start3A_395 : memref<32xi32, #tpu.memory_space<vmem>>) semaphore(%arg20 : memref<!tpu.dma_semaphore, #tpu.memory_space<semaphore_mem>>)
      %dma_start3A_399 = arith.constant 0 : i32
      %dma_start3A_400 = arith.constant 0 : i32
      %dma_start3A_401 = tpu.memref_slice %arg11[%dma_start3A_399, %dma_start3A_400] : memref<5120x128xf32, #tpu.memory_space<vmem_shared>> -> memref<5120x128xf32, #tpu.memory_space<vmem_shared>>
      tpu.enqueue_indirect_dma source(%arg28 : memref<32x128xf32, #tpu.memory_space<vmem>>) target(%dma_start3A_401 : memref<5120x128xf32, #tpu.memory_space<vmem_shared>>) offsets(%arg16 : memref<32xi32, #tpu.memory_space<vmem>>) semaphore(%arg34 : memref<!tpu.dma_semaphore, #tpu.memory_space<semaphore_mem>>) {add = true}
      %dma_wait3A_402 = arith.constant 0 : i32
      %dma_wait3A_403 = arith.constant 0 : i32
      %dma_wait3A_404 = tpu.memref_slice %arg11[%dma_wait3A_402, %dma_wait3A_403] : memref<5120x128xf32, #tpu.memory_space<vmem_shared>> -> memref<5120x128xf32, #tpu.memory_space<vmem_shared>>
      tpu.wait_indirect_dma semaphore(%arg32 : memref<!tpu.dma_semaphore, #tpu.memory_space<semaphore_mem>>) src(%arg26 : memref<32x128xf32, #tpu.memory_space<vmem>>) dst(%dma_wait3A_404 : memref<5120x128xf32, #tpu.memory_space<vmem_shared>>)
      %add3A_405 = arith.constant 1 : i32
      %add3A_406 = arith.addi %add3A_350, %add3A_405 : i32
      %mul3A_407 = arith.constant 32 : i32
      %mul3A_408 = arith.muli %add3A_406, %mul3A_407 : i32
      %dma_start3A_409 = tpu.memref_slice %arg12[%mul3A_408] : memref<10432xi32, #tpu.memory_space<vmem>> -> memref<32xi32, #tpu.memory_space<vmem>>
      %dma_start3A_410 = arith.constant 0 : i32
      %dma_start3A_411 = arith.constant 0 : i32
      %dma_start3A_412 = tpu.memref_slice %arg3[%dma_start3A_410, %dma_start3A_411] : memref<10000x128xf32, #tpu.memory_space<hbm>> -> memref<10000x128xf32, #tpu.memory_space<hbm>>
      tpu.enqueue_indirect_dma source(%dma_start3A_412 : memref<10000x128xf32, #tpu.memory_space<hbm>>) target(%arg26 : memref<32x128xf32, #tpu.memory_space<vmem>>) offsets(%dma_start3A_409 : memref<32xi32, #tpu.memory_space<vmem>>) semaphore(%arg29 : memref<!tpu.dma_semaphore, #tpu.memory_space<semaphore_mem>>)
      %scan3A_413 = arith.constant 0 : i32
      scf.yield %scan3A_413 : i32
    }
    %scan3A_172 = arith.constant 106 : i32
    %dma_wait3A_173 = arith.constant 0 : i32
    %dma_wait3A_174 = arith.constant 0 : i32
    %dma_wait3A_175 = tpu.memref_slice %arg10[%dma_wait3A_173, %dma_wait3A_174] : memref<5120x128xf32, #tpu.memory_space<vmem_shared>> -> memref<5120x128xf32, #tpu.memory_space<vmem_shared>>
    tpu.wait_indirect_dma semaphore(%arg24 : memref<!tpu.dma_semaphore, #tpu.memory_space<semaphore_mem>>) src(%arg18 : memref<32x128xf32, #tpu.memory_space<vmem>>) dst(%dma_wait3A_175 : memref<5120x128xf32, #tpu.memory_space<vmem_shared>>)
    %dma_wait3A_176 = arith.constant 0 : i32
    %dma_wait3A_177 = arith.constant 0 : i32
    %dma_wait3A_178 = tpu.memref_slice %arg10[%dma_wait3A_176, %dma_wait3A_177] : memref<5120x128xf32, #tpu.memory_space<vmem_shared>> -> memref<5120x128xf32, #tpu.memory_space<vmem_shared>>
    tpu.wait_indirect_dma semaphore(%arg25 : memref<!tpu.dma_semaphore, #tpu.memory_space<semaphore_mem>>) src(%arg19 : memref<32x128xf32, #tpu.memory_space<vmem>>) dst(%dma_wait3A_178 : memref<5120x128xf32, #tpu.memory_space<vmem_shared>>)
    %dma_wait3A_179 = arith.constant 10272 : i32
    %dma_wait3A_180 = tpu.memref_slice %arg12[%dma_wait3A_179] : memref<10432xi32, #tpu.memory_space<vmem>> -> memref<32xi32, #tpu.memory_space<vmem>>
    %dma_wait3A_181 = arith.constant 0 : i32
    %dma_wait3A_182 = arith.constant 0 : i32
    %dma_wait3A_183 = tpu.memref_slice %arg2[%dma_wait3A_181, %dma_wait3A_182] : memref<10000x128xf32, #tpu.memory_space<hbm>> -> memref<10000x128xf32, #tpu.memory_space<hbm>>
    tpu.wait_indirect_dma semaphore(%arg20 : memref<!tpu.dma_semaphore, #tpu.memory_space<semaphore_mem>>) src(%dma_wait3A_183 : memref<10000x128xf32, #tpu.memory_space<hbm>>) dst(%arg17 : memref<32x128xf32, #tpu.memory_space<vmem>>)
    %dma_wait3A_184 = arith.constant 0 : i32
    %dma_wait3A_185 = arith.constant 0 : i32
    %dma_wait3A_186 = tpu.memref_slice %arg11[%dma_wait3A_184, %dma_wait3A_185] : memref<5120x128xf32, #tpu.memory_space<vmem_shared>> -> memref<5120x128xf32, #tpu.memory_space<vmem_shared>>
    tpu.wait_indirect_dma semaphore(%arg33 : memref<!tpu.dma_semaphore, #tpu.memory_space<semaphore_mem>>) src(%arg27 : memref<32x128xf32, #tpu.memory_space<vmem>>) dst(%dma_wait3A_186 : memref<5120x128xf32, #tpu.memory_space<vmem_shared>>)
    %dma_wait3A_187 = arith.constant 0 : i32
    %dma_wait3A_188 = arith.constant 0 : i32
    %dma_wait3A_189 = tpu.memref_slice %arg11[%dma_wait3A_187, %dma_wait3A_188] : memref<5120x128xf32, #tpu.memory_space<vmem_shared>> -> memref<5120x128xf32, #tpu.memory_space<vmem_shared>>
    tpu.wait_indirect_dma semaphore(%arg34 : memref<!tpu.dma_semaphore, #tpu.memory_space<semaphore_mem>>) src(%arg28 : memref<32x128xf32, #tpu.memory_space<vmem>>) dst(%dma_wait3A_189 : memref<5120x128xf32, #tpu.memory_space<vmem_shared>>)
    %dma_wait3A_190 = arith.constant 10272 : i32
    %dma_wait3A_191 = tpu.memref_slice %arg12[%dma_wait3A_190] : memref<10432xi32, #tpu.memory_space<vmem>> -> memref<32xi32, #tpu.memory_space<vmem>>
    %dma_wait3A_192 = arith.constant 0 : i32
    %dma_wait3A_193 = arith.constant 0 : i32
    %dma_wait3A_194 = tpu.memref_slice %arg3[%dma_wait3A_192, %dma_wait3A_193] : memref<10000x128xf32, #tpu.memory_space<hbm>> -> memref<10000x128xf32, #tpu.memory_space<hbm>>
    tpu.wait_indirect_dma semaphore(%arg29 : memref<!tpu.dma_semaphore, #tpu.memory_space<semaphore_mem>>) src(%dma_wait3A_194 : memref<10000x128xf32, #tpu.memory_space<hbm>>) dst(%arg26 : memref<32x128xf32, #tpu.memory_space<vmem>>)
    %barrier3A_195 = arith.constant 0 : index
    tpu.barrier barrier_id(%barrier3A_195)
    %mul3A_196 = arith.constant 5000 : i32
    %mul3A_197 = arith.muli %arg0, %mul3A_196 : i32
    %mul3A_198 = arith.constant 312 : i32
    %mul3A_199 = arith.muli %arg1, %mul3A_198 : i32
    %multiple_of3A_200 = tpu.assume_multiple %mul3A_199, 8 : i32
    %mul3A_201 = arith.constant 312 : i32
    %mul3A_202 = arith.muli %arg1, %mul3A_201 : i32
    %add3A = arith.addi %mul3A_197, %mul3A_202 : i32
    %multiple_of3A_203 = tpu.assume_multiple %add3A, 8 : i32
    "tpu.region"() ({
      %run_scoped3A = tpu.sem_alloc : memref<!tpu.dma_semaphore, #tpu.memory_space<semaphore_mem>>
      %dma_start3A_213 = arith.constant 0 : i32
      %dma_start3A_214 = tpu.memref_slice %arg8[%multiple_of3A_203, %dma_start3A_213] : memref<10000x128xf32, #tpu.memory_space<hbm>> -> memref<312x128xf32, #tpu.memory_space<hbm>>
      %dma_start3A_215 = arith.constant 0 : i32
      %dma_start3A_216 = tpu.memref_slice %arg10[%multiple_of3A_200, %dma_start3A_215] : memref<5120x128xf32, #tpu.memory_space<vmem_shared>> -> memref<312x128xf32, #tpu.memory_space<vmem_shared>>
      tpu.enqueue_dma source(%dma_start3A_216 : memref<312x128xf32, #tpu.memory_space<vmem_shared>>) target(%dma_start3A_214 : memref<312x128xf32, #tpu.memory_space<hbm>>) target_semaphore(%run_scoped3A : memref<!tpu.dma_semaphore, #tpu.memory_space<semaphore_mem>>)
      %dma_wait3A_217 = arith.constant 0 : i32
      %dma_wait3A_218 = tpu.memref_slice %arg8[%multiple_of3A_203, %dma_wait3A_217] : memref<10000x128xf32, #tpu.memory_space<hbm>> -> memref<312x128xf32, #tpu.memory_space<hbm>>
      %dma_wait3A_219 = arith.constant 0 : i32
      %dma_wait3A_220 = tpu.memref_slice %arg10[%multiple_of3A_200, %dma_wait3A_219] : memref<5120x128xf32, #tpu.memory_space<vmem_shared>> -> memref<312x128xf32, #tpu.memory_space<vmem_shared>>
      tpu.wait_dma2 semaphore(%run_scoped3A : memref<!tpu.dma_semaphore, #tpu.memory_space<semaphore_mem>>) src(%dma_wait3A_220 : memref<312x128xf32, #tpu.memory_space<vmem_shared>>) dst(%dma_wait3A_218 : memref<312x128xf32, #tpu.memory_space<hbm>>)
      tpu.yield
    }) : () -> ()
    %mul3A_204 = arith.constant 312 : i32
    %mul3A_205 = arith.muli %arg1, %mul3A_204 : i32
    %multiple_of3A_206 = tpu.assume_multiple %mul3A_205, 8 : i32
    %mul3A_207 = arith.constant 312 : i32
    %mul3A_208 = arith.muli %arg1, %mul3A_207 : i32
    %add3A_209 = arith.addi %mul3A_197, %mul3A_208 : i32
    %multiple_of3A_210 = tpu.assume_multiple %add3A_209, 8 : i32
    "tpu.region"() ({
      %run_scoped3A = tpu.sem_alloc : memref<!tpu.dma_semaphore, #tpu.memory_space<semaphore_mem>>
      %dma_start3A_213 = arith.constant 0 : i32
      %dma_start3A_214 = tpu.memref_slice %arg9[%multiple_of3A_210, %dma_start3A_213] : memref<10000x128xf32, #tpu.memory_space<hbm>> -> memref<312x128xf32, #tpu.memory_space<hbm>>
      %dma_start3A_215 = arith.constant 0 : i32
      %dma_start3A_216 = tpu.memref_slice %arg11[%multiple_of3A_206, %dma_start3A_215] : memref<5120x128xf32, #tpu.memory_space<vmem_shared>> -> memref<312x128xf32, #tpu.memory_space<vmem_shared>>
      tpu.enqueue_dma source(%dma_start3A_216 : memref<312x128xf32, #tpu.memory_space<vmem_shared>>) target(%dma_start3A_214 : memref<312x128xf32, #tpu.memory_space<hbm>>) target_semaphore(%run_scoped3A : memref<!tpu.dma_semaphore, #tpu.memory_space<semaphore_mem>>)
      %dma_wait3A_217 = arith.constant 0 : i32
      %dma_wait3A_218 = tpu.memref_slice %arg9[%multiple_of3A_210, %dma_wait3A_217] : memref<10000x128xf32, #tpu.memory_space<hbm>> -> memref<312x128xf32, #tpu.memory_space<hbm>>
      %dma_wait3A_219 = arith.constant 0 : i32
      %dma_wait3A_220 = tpu.memref_slice %arg11[%multiple_of3A_206, %dma_wait3A_219] : memref<5120x128xf32, #tpu.memory_space<vmem_shared>> -> memref<312x128xf32, #tpu.memory_space<vmem_shared>>
      tpu.wait_dma2 semaphore(%run_scoped3A : memref<!tpu.dma_semaphore, #tpu.memory_space<semaphore_mem>>) src(%dma_wait3A_220 : memref<312x128xf32, #tpu.memory_space<vmem_shared>>) dst(%dma_wait3A_218 : memref<312x128xf32, #tpu.memory_space<hbm>>)
      tpu.yield
    }) : () -> ()
    %eq3A = arith.constant 0 : i32
    %eq3A_211 = arith.cmpi eq, %arg1, %eq3A : i32
    %convert_element_type3A = arith.extui %eq3A_211 : i1 to i32
    %cond3A = arith.constant 0 : i32
    %cond3A_212 = arith.cmpi ne, %convert_element_type3A, %cond3A : i32
    scf.if %cond3A_212 {
      %add3A_213 = arith.constant 4992 : i32
      %add3A_214 = arith.addi %mul3A_197, %add3A_213 : i32
      %multiple_of3A_215 = tpu.assume_multiple %add3A_214, 8 : i32
      "tpu.region"() ({
        %run_scoped3A = tpu.sem_alloc : memref<!tpu.dma_semaphore, #tpu.memory_space<semaphore_mem>>
        %dma_start3A_219 = arith.constant 0 : i32
        %dma_start3A_220 = tpu.memref_slice %arg8[%multiple_of3A_215, %dma_start3A_219] : memref<10000x128xf32, #tpu.memory_space<hbm>> -> memref<8x128xf32, #tpu.memory_space<hbm>>
        %dma_start3A_221 = arith.constant 4992 : i32
        %dma_start3A_222 = arith.constant 0 : i32
        %dma_start3A_223 = tpu.memref_slice %arg10[%dma_start3A_221, %dma_start3A_222] : memref<5120x128xf32, #tpu.memory_space<vmem_shared>> -> memref<8x128xf32, #tpu.memory_space<vmem_shared>>
        tpu.enqueue_dma source(%dma_start3A_223 : memref<8x128xf32, #tpu.memory_space<vmem_shared>>) target(%dma_start3A_220 : memref<8x128xf32, #tpu.memory_space<hbm>>) target_semaphore(%run_scoped3A : memref<!tpu.dma_semaphore, #tpu.memory_space<semaphore_mem>>)
        %dma_wait3A_224 = arith.constant 0 : i32
        %dma_wait3A_225 = tpu.memref_slice %arg8[%multiple_of3A_215, %dma_wait3A_224] : memref<10000x128xf32, #tpu.memory_space<hbm>> -> memref<8x128xf32, #tpu.memory_space<hbm>>
        %dma_wait3A_226 = arith.constant 4992 : i32
        %dma_wait3A_227 = arith.constant 0 : i32
        %dma_wait3A_228 = tpu.memref_slice %arg10[%dma_wait3A_226, %dma_wait3A_227] : memref<5120x128xf32, #tpu.memory_space<vmem_shared>> -> memref<8x128xf32, #tpu.memory_space<vmem_shared>>
        tpu.wait_dma2 semaphore(%run_scoped3A : memref<!tpu.dma_semaphore, #tpu.memory_space<semaphore_mem>>) src(%dma_wait3A_228 : memref<8x128xf32, #tpu.memory_space<vmem_shared>>) dst(%dma_wait3A_225 : memref<8x128xf32, #tpu.memory_space<hbm>>)
        tpu.yield
      }) : () -> ()
      %add3A_216 = arith.constant 4992 : i32
      %add3A_217 = arith.addi %mul3A_197, %add3A_216 : i32
      %multiple_of3A_218 = tpu.assume_multiple %add3A_217, 8 : i32
      "tpu.region"() ({
        %run_scoped3A = tpu.sem_alloc : memref<!tpu.dma_semaphore, #tpu.memory_space<semaphore_mem>>
        %dma_start3A_219 = arith.constant 0 : i32
        %dma_start3A_220 = tpu.memref_slice %arg9[%multiple_of3A_218, %dma_start3A_219] : memref<10000x128xf32, #tpu.memory_space<hbm>> -> memref<8x128xf32, #tpu.memory_space<hbm>>
        %dma_start3A_221 = arith.constant 4992 : i32
        %dma_start3A_222 = arith.constant 0 : i32
        %dma_start3A_223 = tpu.memref_slice %arg11[%dma_start3A_221, %dma_start3A_222] : memref<5120x128xf32, #tpu.memory_space<vmem_shared>> -> memref<8x128xf32, #tpu.memory_space<vmem_shared>>
        tpu.enqueue_dma source(%dma_start3A_223 : memref<8x128xf32, #tpu.memory_space<vmem_shared>>) target(%dma_start3A_220 : memref<8x128xf32, #tpu.memory_space<hbm>>) target_semaphore(%run_scoped3A : memref<!tpu.dma_semaphore, #tpu.memory_space<semaphore_mem>>)
        %dma_wait3A_224 = arith.constant 0 : i32
        %dma_wait3A_225 = tpu.memref_slice %arg9[%multiple_of3A_218, %dma_wait3A_224] : memref<10000x128xf32, #tpu.memory_space<hbm>> -> memref<8x128xf32, #tpu.memory_space<hbm>>
        %dma_wait3A_226 = arith.constant 4992 : i32
        %dma_wait3A_227 = arith.constant 0 : i32
        %dma_wait3A_228 = tpu.memref_slice %arg11[%dma_wait3A_226, %dma_wait3A_227] : memref<5120x128xf32, #tpu.memory_space<vmem_shared>> -> memref<8x128xf32, #tpu.memory_space<vmem_shared>>
        tpu.wait_dma2 semaphore(%run_scoped3A : memref<!tpu.dma_semaphore, #tpu.memory_space<semaphore_mem>>) src(%dma_wait3A_228 : memref<8x128xf32, #tpu.memory_space<vmem_shared>>) dst(%dma_wait3A_225 : memref<8x128xf32, #tpu.memory_space<hbm>>)
        tpu.yield
      }) : () -> ()
    } else {
    }
    return
  }
}

#map = affine_map<(d0, d1) -> (0, 0)>
#map1 = affine_map<(d0, d1) -> (0)>
module attributes {stable_mosaic.version = 14 : i64} {
  func.func @_agg2_body(%arg0: i32, %arg1: i32, %arg2: memref<10000x128xf32, #tpu.memory_space<hbm>>, %arg3: memref<165888xi32, #tpu.memory_space<hbm>>, %arg4: memref<165888xi32, #tpu.memory_space<hbm>>, %arg5: memref<640x128xf32, #tpu.memory_space<hbm>>, %arg6: memref<640x128xf32, #tpu.memory_space<hbm>>, %arg7: memref<10000x128xf32, #tpu.memory_space<hbm>>, %arg8: memref<10000x128xf32, #tpu.memory_space<hbm>>, %arg9: memref<10240x128xf32, #tpu.memory_space<vmem_shared>>, %arg10: memref<5216xi32, #tpu.memory_space<vmem>>, %arg11: memref<5216xi32, #tpu.memory_space<vmem>>, %arg12: memref<32xi32, #tpu.memory_space<vmem>>, %arg13: memref<32xi32, #tpu.memory_space<vmem>>, %arg14: memref<32xi32, #tpu.memory_space<vmem>>, %arg15: memref<32xi32, #tpu.memory_space<vmem>>, %arg16: memref<32xi32, #tpu.memory_space<vmem>>, %arg17: memref<32xi32, #tpu.memory_space<vmem>>, %arg18: memref<32x128xf32, #tpu.memory_space<vmem>>, %arg19: memref<32x128xf32, #tpu.memory_space<vmem>>, %arg20: memref<32x128xf32, #tpu.memory_space<vmem>>, %arg21: memref<32x128xf32, #tpu.memory_space<vmem>>, %arg22: memref<32x128xf32, #tpu.memory_space<vmem>>, %arg23: memref<32x128xf32, #tpu.memory_space<vmem>>, %arg24: memref<!tpu.dma_semaphore, #tpu.memory_space<semaphore_mem>>, %arg25: memref<!tpu.dma_semaphore, #tpu.memory_space<semaphore_mem>>, %arg26: memref<!tpu.dma_semaphore, #tpu.memory_space<semaphore_mem>>, %arg27: memref<!tpu.dma_semaphore, #tpu.memory_space<semaphore_mem>>, %arg28: memref<!tpu.dma_semaphore, #tpu.memory_space<semaphore_mem>>, %arg29: memref<!tpu.dma_semaphore, #tpu.memory_space<semaphore_mem>>, %arg30: memref<!tpu.dma_semaphore, #tpu.memory_space<semaphore_mem>>, %arg31: memref<!tpu.dma_semaphore, #tpu.memory_space<semaphore_mem>>, %arg32: memref<!tpu.dma_semaphore, #tpu.memory_space<semaphore_mem>>, %arg33: memref<!tpu.dma_semaphore, #tpu.memory_space<semaphore_mem>>, %arg34: memref<!tpu.dma_semaphore, #tpu.memory_space<semaphore_mem>>, %arg35: memref<!tpu.dma_semaphore, #tpu.memory_space<semaphore_mem>>) attributes {dimension_semantics = [#tpu.dimension_semantics<core_parallel>, #tpu.dimension_semantics<subcore_parallel>], iteration_bounds = array<i64: 2, 16>, scalar_prefetch = 0 : i64, scratch_operands = 27 : i64, tpu.core_type = #tpu.core_type<sc_vector_subcore>, window_params = [{transform_indices = #map}, {transform_indices = #map1}, {transform_indices = #map1}, {transform_indices = #map}, {transform_indices = #map}, {transform_indices = #map}, {transform_indices = #map}]} {
    %eq3A = arith.constant 0 : i32
    %eq3A_0 = arith.cmpi eq, %arg0, %eq3A : i32
    %convert_element_type3A = arith.extui %eq3A_0 : i1 to i32
    %cond3A = arith.constant 0 : i32
    %cond3A_1 = arith.cmpi ne, %convert_element_type3A, %cond3A : i32
    scf.if %cond3A_1 {
      %mul3A_262 = arith.constant 640 : i32
      %mul3A_263 = arith.muli %arg1, %mul3A_262 : i32
      %multiple_of3A_264 = tpu.assume_multiple %mul3A_263, 640 : i32
      "tpu.region"() ({
        %run_scoped3A = tpu.sem_alloc : memref<!tpu.dma_semaphore, #tpu.memory_space<semaphore_mem>>
        %dma_start3A_265 = arith.constant 0 : i32
        %dma_start3A_266 = tpu.memref_slice %arg9[%multiple_of3A_264, %dma_start3A_265] : memref<10240x128xf32, #tpu.memory_space<vmem_shared>> -> memref<640x128xf32, #tpu.memory_space<vmem_shared>>
        tpu.enqueue_dma source(%arg5 : memref<640x128xf32, #tpu.memory_space<hbm>>) target(%dma_start3A_266 : memref<640x128xf32, #tpu.memory_space<vmem_shared>>) target_semaphore(%run_scoped3A : memref<!tpu.dma_semaphore, #tpu.memory_space<semaphore_mem>>)
        %dma_wait3A_267 = arith.constant 0 : i32
        %dma_wait3A_268 = tpu.memref_slice %arg9[%multiple_of3A_264, %dma_wait3A_267] : memref<10240x128xf32, #tpu.memory_space<vmem_shared>> -> memref<640x128xf32, #tpu.memory_space<vmem_shared>>
        tpu.wait_dma2 semaphore(%run_scoped3A : memref<!tpu.dma_semaphore, #tpu.memory_space<semaphore_mem>>) src(%arg5 : memref<640x128xf32, #tpu.memory_space<hbm>>) dst(%dma_wait3A_268 : memref<640x128xf32, #tpu.memory_space<vmem_shared>>)
        tpu.yield
      }) : () -> ()
    } else {
    }
    %eq3A_2 = arith.constant 1 : i32
    %eq3A_3 = arith.cmpi eq, %arg0, %eq3A_2 : i32
    %convert_element_type3A_4 = arith.extui %eq3A_3 : i1 to i32
    %cond3A_5 = arith.constant 0 : i32
    %cond3A_6 = arith.cmpi ne, %convert_element_type3A_4, %cond3A_5 : i32
    scf.if %cond3A_6 {
      %mul3A_262 = arith.constant 640 : i32
      %mul3A_263 = arith.muli %arg1, %mul3A_262 : i32
      %multiple_of3A_264 = tpu.assume_multiple %mul3A_263, 640 : i32
      "tpu.region"() ({
        %run_scoped3A = tpu.sem_alloc : memref<!tpu.dma_semaphore, #tpu.memory_space<semaphore_mem>>
        %dma_start3A_265 = arith.constant 0 : i32
        %dma_start3A_266 = tpu.memref_slice %arg9[%multiple_of3A_264, %dma_start3A_265] : memref<10240x128xf32, #tpu.memory_space<vmem_shared>> -> memref<640x128xf32, #tpu.memory_space<vmem_shared>>
        tpu.enqueue_dma source(%arg6 : memref<640x128xf32, #tpu.memory_space<hbm>>) target(%dma_start3A_266 : memref<640x128xf32, #tpu.memory_space<vmem_shared>>) target_semaphore(%run_scoped3A : memref<!tpu.dma_semaphore, #tpu.memory_space<semaphore_mem>>)
        %dma_wait3A_267 = arith.constant 0 : i32
        %dma_wait3A_268 = tpu.memref_slice %arg9[%multiple_of3A_264, %dma_wait3A_267] : memref<10240x128xf32, #tpu.memory_space<vmem_shared>> -> memref<640x128xf32, #tpu.memory_space<vmem_shared>>
        tpu.wait_dma2 semaphore(%run_scoped3A : memref<!tpu.dma_semaphore, #tpu.memory_space<semaphore_mem>>) src(%arg6 : memref<640x128xf32, #tpu.memory_space<hbm>>) dst(%dma_wait3A_268 : memref<640x128xf32, #tpu.memory_space<vmem_shared>>)
        tpu.yield
      }) : () -> ()
    } else {
    }
    %mul3A = arith.constant 82944 : i32
    %mul3A_7 = arith.muli %arg0, %mul3A : i32
    %mul3A_8 = arith.constant 5184 : i32
    %mul3A_9 = arith.muli %arg1, %mul3A_8 : i32
    %add3A = arith.addi %mul3A_7, %mul3A_9 : i32
    %multiple_of3A = tpu.assume_multiple %add3A, 5184 : i32
    "tpu.region"() ({
      %run_scoped3A = tpu.sem_alloc : memref<!tpu.dma_semaphore, #tpu.memory_space<semaphore_mem>>
      %dma_start3A_262 = arith.constant 0 : i32
      %dma_start3A_263 = tpu.memref_slice %arg10[%dma_start3A_262] : memref<5216xi32, #tpu.memory_space<vmem>> -> memref<5184xi32, #tpu.memory_space<vmem>>
      %dma_start3A_264 = tpu.memref_slice %arg3[%multiple_of3A] : memref<165888xi32, #tpu.memory_space<hbm>> -> memref<5184xi32, #tpu.memory_space<hbm>>
      %dma_start3A_265 = arith.constant 0 : i32
      %dma_start3A_266 = tpu.memref_slice %arg10[%dma_start3A_265] : memref<5216xi32, #tpu.memory_space<vmem>> -> memref<5184xi32, #tpu.memory_space<vmem>>
      %dma_start3A_267 = tpu.memref_slice %arg3[%multiple_of3A] : memref<165888xi32, #tpu.memory_space<hbm>> -> memref<5184xi32, #tpu.memory_space<hbm>>
      tpu.enqueue_dma source(%dma_start3A_267 : memref<5184xi32, #tpu.memory_space<hbm>>) target(%dma_start3A_266 : memref<5184xi32, #tpu.memory_space<vmem>>) target_semaphore(%run_scoped3A : memref<!tpu.dma_semaphore, #tpu.memory_space<semaphore_mem>>)
      %dma_wait3A_268 = arith.constant 0 : i32
      %dma_wait3A_269 = tpu.memref_slice %arg10[%dma_wait3A_268] : memref<5216xi32, #tpu.memory_space<vmem>> -> memref<5184xi32, #tpu.memory_space<vmem>>
      %dma_wait3A_270 = tpu.memref_slice %arg3[%multiple_of3A] : memref<165888xi32, #tpu.memory_space<hbm>> -> memref<5184xi32, #tpu.memory_space<hbm>>
      %dma_wait3A_271 = arith.constant 0 : i32
      %dma_wait3A_272 = tpu.memref_slice %arg10[%dma_wait3A_271] : memref<5216xi32, #tpu.memory_space<vmem>> -> memref<5184xi32, #tpu.memory_space<vmem>>
      %dma_wait3A_273 = tpu.memref_slice %arg3[%multiple_of3A] : memref<165888xi32, #tpu.memory_space<hbm>> -> memref<5184xi32, #tpu.memory_space<hbm>>
      tpu.wait_dma2 semaphore(%run_scoped3A : memref<!tpu.dma_semaphore, #tpu.memory_space<semaphore_mem>>) src(%dma_wait3A_273 : memref<5184xi32, #tpu.memory_space<hbm>>) dst(%dma_wait3A_272 : memref<5184xi32, #tpu.memory_space<vmem>>)
      tpu.yield
    }) : () -> ()
    "tpu.region"() ({
      %run_scoped3A = tpu.sem_alloc : memref<!tpu.dma_semaphore, #tpu.memory_space<semaphore_mem>>
      %dma_start3A_262 = arith.constant 0 : i32
      %dma_start3A_263 = tpu.memref_slice %arg11[%dma_start3A_262] : memref<5216xi32, #tpu.memory_space<vmem>> -> memref<5184xi32, #tpu.memory_space<vmem>>
      %dma_start3A_264 = tpu.memref_slice %arg4[%multiple_of3A] : memref<165888xi32, #tpu.memory_space<hbm>> -> memref<5184xi32, #tpu.memory_space<hbm>>
      %dma_start3A_265 = arith.constant 0 : i32
      %dma_start3A_266 = tpu.memref_slice %arg11[%dma_start3A_265] : memref<5216xi32, #tpu.memory_space<vmem>> -> memref<5184xi32, #tpu.memory_space<vmem>>
      %dma_start3A_267 = tpu.memref_slice %arg4[%multiple_of3A] : memref<165888xi32, #tpu.memory_space<hbm>> -> memref<5184xi32, #tpu.memory_space<hbm>>
      tpu.enqueue_dma source(%dma_start3A_267 : memref<5184xi32, #tpu.memory_space<hbm>>) target(%dma_start3A_266 : memref<5184xi32, #tpu.memory_space<vmem>>) target_semaphore(%run_scoped3A : memref<!tpu.dma_semaphore, #tpu.memory_space<semaphore_mem>>)
      %dma_wait3A_268 = arith.constant 0 : i32
      %dma_wait3A_269 = tpu.memref_slice %arg11[%dma_wait3A_268] : memref<5216xi32, #tpu.memory_space<vmem>> -> memref<5184xi32, #tpu.memory_space<vmem>>
      %dma_wait3A_270 = tpu.memref_slice %arg4[%multiple_of3A] : memref<165888xi32, #tpu.memory_space<hbm>> -> memref<5184xi32, #tpu.memory_space<hbm>>
      %dma_wait3A_271 = arith.constant 0 : i32
      %dma_wait3A_272 = tpu.memref_slice %arg11[%dma_wait3A_271] : memref<5216xi32, #tpu.memory_space<vmem>> -> memref<5184xi32, #tpu.memory_space<vmem>>
      %dma_wait3A_273 = tpu.memref_slice %arg4[%multiple_of3A] : memref<165888xi32, #tpu.memory_space<hbm>> -> memref<5184xi32, #tpu.memory_space<hbm>>
      tpu.wait_dma2 semaphore(%run_scoped3A : memref<!tpu.dma_semaphore, #tpu.memory_space<semaphore_mem>>) src(%dma_wait3A_273 : memref<5184xi32, #tpu.memory_space<hbm>>) dst(%dma_wait3A_272 : memref<5184xi32, #tpu.memory_space<vmem>>)
      tpu.yield
    }) : () -> ()
    %broadcast_in_dim3A = arith.constant 0 : i32
    %broadcast_in_dim3A_10 = vector.broadcast %broadcast_in_dim3A : i32 to vector<16xi32>
    %broadcast_in_dim3A_11 = arith.constant 10048 : i32
    %broadcast_in_dim3A_12 = vector.broadcast %broadcast_in_dim3A_11 : i32 to vector<16xi32>
    %swap3A = arith.constant 5184 : index
    %swap3A_13 = tpu.vector_load %arg10[%swap3A] {strides = array<i32>} : memref<5216xi32, #tpu.memory_space<vmem>>, vector<16xi32>,
    %swap3A_14 = vector.shape_cast %swap3A_13 : vector<16xi32> to vector<16xi32>
    %swap3A_15 = vector.shape_cast %broadcast_in_dim3A_10 : vector<16xi32> to vector<16xi32>
    tpu.vector_store %arg10[%swap3A], %swap3A_15 {strides = array<i32>} : memref<5216xi32, #tpu.memory_space<vmem>>, vector<16xi32>,
    %swap3A_16 = arith.constant 5184 : index
    %swap3A_17 = tpu.vector_load %arg11[%swap3A_16] {strides = array<i32>} : memref<5216xi32, #tpu.memory_space<vmem>>, vector<16xi32>,
    %swap3A_18 = vector.shape_cast %swap3A_17 : vector<16xi32> to vector<16xi32>
    %swap3A_19 = vector.shape_cast %broadcast_in_dim3A_12 : vector<16xi32> to vector<16xi32>
    tpu.vector_store %arg11[%swap3A_16], %swap3A_19 {strides = array<i32>} : memref<5216xi32, #tpu.memory_space<vmem>>, vector<16xi32>,
    %swap3A_20 = arith.constant 5200 : index
    %swap3A_21 = tpu.vector_load %arg10[%swap3A_20] {strides = array<i32>} : memref<5216xi32, #tpu.memory_space<vmem>>, vector<16xi32>,
    %swap3A_22 = vector.shape_cast %swap3A_21 : vector<16xi32> to vector<16xi32>
    %swap3A_23 = vector.shape_cast %broadcast_in_dim3A_10 : vector<16xi32> to vector<16xi32>
    tpu.vector_store %arg10[%swap3A_20], %swap3A_23 {strides = array<i32>} : memref<5216xi32, #tpu.memory_space<vmem>>, vector<16xi32>,
    %swap3A_24 = arith.constant 5200 : index
    %swap3A_25 = tpu.vector_load %arg11[%swap3A_24] {strides = array<i32>} : memref<5216xi32, #tpu.memory_space<vmem>>, vector<16xi32>,
    %swap3A_26 = vector.shape_cast %swap3A_25 : vector<16xi32> to vector<16xi32>
    %swap3A_27 = vector.shape_cast %broadcast_in_dim3A_12 : vector<16xi32> to vector<16xi32>
    tpu.vector_store %arg11[%swap3A_24], %swap3A_27 {strides = array<i32>} : memref<5216xi32, #tpu.memory_space<vmem>>, vector<16xi32>,
    %barrier3A = arith.constant 0 : index
    tpu.barrier barrier_id(%barrier3A)
    %dma_start3A = arith.constant 0 : i32
    %dma_start3A_28 = tpu.memref_slice %arg10[%dma_start3A] : memref<5216xi32, #tpu.memory_space<vmem>> -> memref<32xi32, #tpu.memory_space<vmem>>
    %dma_start3A_29 = arith.constant 0 : i32
    %dma_start3A_30 = arith.constant 0 : i32
    %dma_start3A_31 = tpu.memref_slice %arg2[%dma_start3A_29, %dma_start3A_30] : memref<10000x128xf32, #tpu.memory_space<hbm>> -> memref<10000x128xf32, #tpu.memory_space<hbm>>
    tpu.enqueue_indirect_dma source(%dma_start3A_31 : memref<10000x128xf32, #tpu.memory_space<hbm>>) target(%arg18 : memref<32x128xf32, #tpu.memory_space<vmem>>) offsets(%dma_start3A_28 : memref<32xi32, #tpu.memory_space<vmem>>) semaphore(%arg24 : memref<!tpu.dma_semaphore, #tpu.memory_space<semaphore_mem>>)
    %dma_start3A_32 = arith.constant 2592 : i32
    %dma_start3A_33 = tpu.memref_slice %arg10[%dma_start3A_32] : memref<5216xi32, #tpu.memory_space<vmem>> -> memref<32xi32, #tpu.memory_space<vmem>>
    %dma_start3A_34 = arith.constant 0 : i32
    %dma_start3A_35 = arith.constant 0 : i32
    %dma_start3A_36 = tpu.memref_slice %arg2[%dma_start3A_34, %dma_start3A_35] : memref<10000x128xf32, #tpu.memory_space<hbm>> -> memref<10000x128xf32, #tpu.memory_space<hbm>>
    tpu.enqueue_indirect_dma source(%dma_start3A_36 : memref<10000x128xf32, #tpu.memory_space<hbm>>) target(%arg21 : memref<32x128xf32, #tpu.memory_space<vmem>>) offsets(%dma_start3A_33 : memref<32xi32, #tpu.memory_space<vmem>>) semaphore(%arg27 : memref<!tpu.dma_semaphore, #tpu.memory_space<semaphore_mem>>)
    %dma_wait3A = arith.constant 0 : i32
    %dma_wait3A_37 = tpu.memref_slice %arg10[%dma_wait3A] : memref<5216xi32, #tpu.memory_space<vmem>> -> memref<32xi32, #tpu.memory_space<vmem>>
    %dma_wait3A_38 = arith.constant 0 : i32
    %dma_wait3A_39 = arith.constant 0 : i32
    %dma_wait3A_40 = tpu.memref_slice %arg2[%dma_wait3A_38, %dma_wait3A_39] : memref<10000x128xf32, #tpu.memory_space<hbm>> -> memref<10000x128xf32, #tpu.memory_space<hbm>>
    tpu.wait_indirect_dma semaphore(%arg24 : memref<!tpu.dma_semaphore, #tpu.memory_space<semaphore_mem>>) src(%dma_wait3A_40 : memref<10000x128xf32, #tpu.memory_space<hbm>>) dst(%arg18 : memref<32x128xf32, #tpu.memory_space<vmem>>)
    %get3A = arith.constant 0 : index
    %get3A_41 = tpu.vector_load %arg11[%get3A] {strides = array<i32>} : memref<5216xi32, #tpu.memory_space<vmem>>, vector<16xi32>,
    %get3A_42 = vector.shape_cast %get3A_41 : vector<16xi32> to vector<16xi32>
    %swap3A_43 = arith.constant 0 : index
    %swap3A_44 = tpu.vector_load %arg12[%swap3A_43] {strides = array<i32>} : memref<32xi32, #tpu.memory_space<vmem>>, vector<16xi32>,
    %swap3A_45 = vector.shape_cast %swap3A_44 : vector<16xi32> to vector<16xi32>
    %swap3A_46 = vector.shape_cast %get3A_42 : vector<16xi32> to vector<16xi32>
    tpu.vector_store %arg12[%swap3A_43], %swap3A_46 {strides = array<i32>} : memref<32xi32, #tpu.memory_space<vmem>>, vector<16xi32>,
    %get3A_47 = arith.constant 16 : index
    %get3A_48 = tpu.vector_load %arg11[%get3A_47] {strides = array<i32>} : memref<5216xi32, #tpu.memory_space<vmem>>, vector<16xi32>,
    %get3A_49 = vector.shape_cast %get3A_48 : vector<16xi32> to vector<16xi32>
    %swap3A_50 = arith.constant 16 : index
    %swap3A_51 = tpu.vector_load %arg12[%swap3A_50] {strides = array<i32>} : memref<32xi32, #tpu.memory_space<vmem>>, vector<16xi32>,
    %swap3A_52 = vector.shape_cast %swap3A_51 : vector<16xi32> to vector<16xi32>
    %swap3A_53 = vector.shape_cast %get3A_49 : vector<16xi32> to vector<16xi32>
    tpu.vector_store %arg12[%swap3A_50], %swap3A_53 {strides = array<i32>} : memref<32xi32, #tpu.memory_space<vmem>>, vector<16xi32>,
    %dma_start3A_54 = arith.constant 0 : i32
    %dma_start3A_55 = arith.constant 0 : i32
    %dma_start3A_56 = tpu.memref_slice %arg9[%dma_start3A_54, %dma_start3A_55] : memref<10240x128xf32, #tpu.memory_space<vmem_shared>> -> memref<10240x128xf32, #tpu.memory_space<vmem_shared>>
    tpu.enqueue_indirect_dma source(%arg18 : memref<32x128xf32, #tpu.memory_space<vmem>>) target(%dma_start3A_56 : memref<10240x128xf32, #tpu.memory_space<vmem_shared>>) offsets(%arg12 : memref<32xi32, #tpu.memory_space<vmem>>) semaphore(%arg30 : memref<!tpu.dma_semaphore, #tpu.memory_space<semaphore_mem>>) {add = true}
    %dma_start3A_57 = arith.constant 32 : i32
    %dma_start3A_58 = tpu.memref_slice %arg10[%dma_start3A_57] : memref<5216xi32, #tpu.memory_space<vmem>> -> memref<32xi32, #tpu.memory_space<vmem>>
    %dma_start3A_59 = arith.constant 0 : i32
    %dma_start3A_60 = arith.constant 0 : i32
    %dma_start3A_61 = tpu.memref_slice %arg2[%dma_start3A_59, %dma_start3A_60] : memref<10000x128xf32, #tpu.memory_space<hbm>> -> memref<10000x128xf32, #tpu.memory_space<hbm>>
    tpu.enqueue_indirect_dma source(%dma_start3A_61 : memref<10000x128xf32, #tpu.memory_space<hbm>>) target(%arg19 : memref<32x128xf32, #tpu.memory_space<vmem>>) offsets(%dma_start3A_58 : memref<32xi32, #tpu.memory_space<vmem>>) semaphore(%arg25 : memref<!tpu.dma_semaphore, #tpu.memory_space<semaphore_mem>>)
    %dma_wait3A_62 = arith.constant 2592 : i32
    %dma_wait3A_63 = tpu.memref_slice %arg10[%dma_wait3A_62] : memref<5216xi32, #tpu.memory_space<vmem>> -> memref<32xi32, #tpu.memory_space<vmem>>
    %dma_wait3A_64 = arith.constant 0 : i32
    %dma_wait3A_65 = arith.constant 0 : i32
    %dma_wait3A_66 = tpu.memref_slice %arg2[%dma_wait3A_64, %dma_wait3A_65] : memref<10000x128xf32, #tpu.memory_space<hbm>> -> memref<10000x128xf32, #tpu.memory_space<hbm>>
    tpu.wait_indirect_dma semaphore(%arg27 : memref<!tpu.dma_semaphore, #tpu.memory_space<semaphore_mem>>) src(%dma_wait3A_66 : memref<10000x128xf32, #tpu.memory_space<hbm>>) dst(%arg21 : memref<32x128xf32, #tpu.memory_space<vmem>>)
    %get3A_67 = arith.constant 2592 : index
    %get3A_68 = tpu.vector_load %arg11[%get3A_67] {strides = array<i32>} : memref<5216xi32, #tpu.memory_space<vmem>>, vector<16xi32>,
    %get3A_69 = vector.shape_cast %get3A_68 : vector<16xi32> to vector<16xi32>
    %swap3A_70 = arith.constant 0 : index
    %swap3A_71 = tpu.vector_load %arg15[%swap3A_70] {strides = array<i32>} : memref<32xi32, #tpu.memory_space<vmem>>, vector<16xi32>,
    %swap3A_72 = vector.shape_cast %swap3A_71 : vector<16xi32> to vector<16xi32>
    %swap3A_73 = vector.shape_cast %get3A_69 : vector<16xi32> to vector<16xi32>
    tpu.vector_store %arg15[%swap3A_70], %swap3A_73 {strides = array<i32>} : memref<32xi32, #tpu.memory_space<vmem>>, vector<16xi32>,
    %get3A_74 = arith.constant 2608 : index
    %get3A_75 = tpu.vector_load %arg11[%get3A_74] {strides = array<i32>} : memref<5216xi32, #tpu.memory_space<vmem>>, vector<16xi32>,
    %get3A_76 = vector.shape_cast %get3A_75 : vector<16xi32> to vector<16xi32>
    %swap3A_77 = arith.constant 16 : index
    %swap3A_78 = tpu.vector_load %arg15[%swap3A_77] {strides = array<i32>} : memref<32xi32, #tpu.memory_space<vmem>>, vector<16xi32>,
    %swap3A_79 = vector.shape_cast %swap3A_78 : vector<16xi32> to vector<16xi32>
    %swap3A_80 = vector.shape_cast %get3A_76 : vector<16xi32> to vector<16xi32>
    tpu.vector_store %arg15[%swap3A_77], %swap3A_80 {strides = array<i32>} : memref<32xi32, #tpu.memory_space<vmem>>, vector<16xi32>,
    %dma_start3A_81 = arith.constant 0 : i32
    %dma_start3A_82 = arith.constant 0 : i32
    %dma_start3A_83 = tpu.memref_slice %arg9[%dma_start3A_81, %dma_start3A_82] : memref<10240x128xf32, #tpu.memory_space<vmem_shared>> -> memref<10240x128xf32, #tpu.memory_space<vmem_shared>>
    tpu.enqueue_indirect_dma source(%arg21 : memref<32x128xf32, #tpu.memory_space<vmem>>) target(%dma_start3A_83 : memref<10240x128xf32, #tpu.memory_space<vmem_shared>>) offsets(%arg15 : memref<32xi32, #tpu.memory_space<vmem>>) semaphore(%arg33 : memref<!tpu.dma_semaphore, #tpu.memory_space<semaphore_mem>>) {add = true}
    %dma_start3A_84 = arith.constant 2624 : i32
    %dma_start3A_85 = tpu.memref_slice %arg10[%dma_start3A_84] : memref<5216xi32, #tpu.memory_space<vmem>> -> memref<32xi32, #tpu.memory_space<vmem>>
    %dma_start3A_86 = arith.constant 0 : i32
    %dma_start3A_87 = arith.constant 0 : i32
    %dma_start3A_88 = tpu.memref_slice %arg2[%dma_start3A_86, %dma_start3A_87] : memref<10000x128xf32, #tpu.memory_space<hbm>> -> memref<10000x128xf32, #tpu.memory_space<hbm>>
    tpu.enqueue_indirect_dma source(%dma_start3A_88 : memref<10000x128xf32, #tpu.memory_space<hbm>>) target(%arg22 : memref<32x128xf32, #tpu.memory_space<vmem>>) offsets(%dma_start3A_85 : memref<32xi32, #tpu.memory_space<vmem>>) semaphore(%arg28 : memref<!tpu.dma_semaphore, #tpu.memory_space<semaphore_mem>>)
    %dma_wait3A_89 = arith.constant 32 : i32
    %dma_wait3A_90 = tpu.memref_slice %arg10[%dma_wait3A_89] : memref<5216xi32, #tpu.memory_space<vmem>> -> memref<32xi32, #tpu.memory_space<vmem>>
    %dma_wait3A_91 = arith.constant 0 : i32
    %dma_wait3A_92 = arith.constant 0 : i32
    %dma_wait3A_93 = tpu.memref_slice %arg2[%dma_wait3A_91, %dma_wait3A_92] : memref<10000x128xf32, #tpu.memory_space<hbm>> -> memref<10000x128xf32, #tpu.memory_space<hbm>>
    tpu.wait_indirect_dma semaphore(%arg25 : memref<!tpu.dma_semaphore, #tpu.memory_space<semaphore_mem>>) src(%dma_wait3A_93 : memref<10000x128xf32, #tpu.memory_space<hbm>>) dst(%arg19 : memref<32x128xf32, #tpu.memory_space<vmem>>)
    %get3A_94 = arith.constant 32 : index
    %get3A_95 = tpu.vector_load %arg11[%get3A_94] {strides = array<i32>} : memref<5216xi32, #tpu.memory_space<vmem>>, vector<16xi32>,
    %get3A_96 = vector.shape_cast %get3A_95 : vector<16xi32> to vector<16xi32>
    %swap3A_97 = arith.constant 0 : index
    %swap3A_98 = tpu.vector_load %arg13[%swap3A_97] {strides = array<i32>} : memref<32xi32, #tpu.memory_space<vmem>>, vector<16xi32>,
    %swap3A_99 = vector.shape_cast %swap3A_98 : vector<16xi32> to vector<16xi32>
    %swap3A_100 = vector.shape_cast %get3A_96 : vector<16xi32> to vector<16xi32>
    tpu.vector_store %arg13[%swap3A_97], %swap3A_100 {strides = array<i32>} : memref<32xi32, #tpu.memory_space<vmem>>, vector<16xi32>,
    %get3A_101 = arith.constant 48 : index
    %get3A_102 = tpu.vector_load %arg11[%get3A_101] {strides = array<i32>} : memref<5216xi32, #tpu.memory_space<vmem>>, vector<16xi32>,
    %get3A_103 = vector.shape_cast %get3A_102 : vector<16xi32> to vector<16xi32>
    %swap3A_104 = arith.constant 16 : index
    %swap3A_105 = tpu.vector_load %arg13[%swap3A_104] {strides = array<i32>} : memref<32xi32, #tpu.memory_space<vmem>>, vector<16xi32>,
    %swap3A_106 = vector.shape_cast %swap3A_105 : vector<16xi32> to vector<16xi32>
    %swap3A_107 = vector.shape_cast %get3A_103 : vector<16xi32> to vector<16xi32>
    tpu.vector_store %arg13[%swap3A_104], %swap3A_107 {strides = array<i32>} : memref<32xi32, #tpu.memory_space<vmem>>, vector<16xi32>,
    %dma_start3A_108 = arith.constant 0 : i32
    %dma_start3A_109 = arith.constant 0 : i32
    %dma_start3A_110 = tpu.memref_slice %arg9[%dma_start3A_108, %dma_start3A_109] : memref<10240x128xf32, #tpu.memory_space<vmem_shared>> -> memref<10240x128xf32, #tpu.memory_space<vmem_shared>>
    tpu.enqueue_indirect_dma source(%arg19 : memref<32x128xf32, #tpu.memory_space<vmem>>) target(%dma_start3A_110 : memref<10240x128xf32, #tpu.memory_space<vmem_shared>>) offsets(%arg13 : memref<32xi32, #tpu.memory_space<vmem>>) semaphore(%arg31 : memref<!tpu.dma_semaphore, #tpu.memory_space<semaphore_mem>>) {add = true}
    %dma_start3A_111 = arith.constant 64 : i32
    %dma_start3A_112 = tpu.memref_slice %arg10[%dma_start3A_111] : memref<5216xi32, #tpu.memory_space<vmem>> -> memref<32xi32, #tpu.memory_space<vmem>>
    %dma_start3A_113 = arith.constant 0 : i32
    %dma_start3A_114 = arith.constant 0 : i32
    %dma_start3A_115 = tpu.memref_slice %arg2[%dma_start3A_113, %dma_start3A_114] : memref<10000x128xf32, #tpu.memory_space<hbm>> -> memref<10000x128xf32, #tpu.memory_space<hbm>>
    tpu.enqueue_indirect_dma source(%dma_start3A_115 : memref<10000x128xf32, #tpu.memory_space<hbm>>) target(%arg20 : memref<32x128xf32, #tpu.memory_space<vmem>>) offsets(%dma_start3A_112 : memref<32xi32, #tpu.memory_space<vmem>>) semaphore(%arg26 : memref<!tpu.dma_semaphore, #tpu.memory_space<semaphore_mem>>)
    %dma_wait3A_116 = arith.constant 2624 : i32
    %dma_wait3A_117 = tpu.memref_slice %arg10[%dma_wait3A_116] : memref<5216xi32, #tpu.memory_space<vmem>> -> memref<32xi32, #tpu.memory_space<vmem>>
    %dma_wait3A_118 = arith.constant 0 : i32
    %dma_wait3A_119 = arith.constant 0 : i32
    %dma_wait3A_120 = tpu.memref_slice %arg2[%dma_wait3A_118, %dma_wait3A_119] : memref<10000x128xf32, #tpu.memory_space<hbm>> -> memref<10000x128xf32, #tpu.memory_space<hbm>>
    tpu.wait_indirect_dma semaphore(%arg28 : memref<!tpu.dma_semaphore, #tpu.memory_space<semaphore_mem>>) src(%dma_wait3A_120 : memref<10000x128xf32, #tpu.memory_space<hbm>>) dst(%arg22 : memref<32x128xf32, #tpu.memory_space<vmem>>)
    %get3A_121 = arith.constant 2624 : index
    %get3A_122 = tpu.vector_load %arg11[%get3A_121] {strides = array<i32>} : memref<5216xi32, #tpu.memory_space<vmem>>, vector<16xi32>,
    %get3A_123 = vector.shape_cast %get3A_122 : vector<16xi32> to vector<16xi32>
    %swap3A_124 = arith.constant 0 : index
    %swap3A_125 = tpu.vector_load %arg16[%swap3A_124] {strides = array<i32>} : memref<32xi32, #tpu.memory_space<vmem>>, vector<16xi32>,
    %swap3A_126 = vector.shape_cast %swap3A_125 : vector<16xi32> to vector<16xi32>
    %swap3A_127 = vector.shape_cast %get3A_123 : vector<16xi32> to vector<16xi32>
    tpu.vector_store %arg16[%swap3A_124], %swap3A_127 {strides = array<i32>} : memref<32xi32, #tpu.memory_space<vmem>>, vector<16xi32>,
    %get3A_128 = arith.constant 2640 : index
    %get3A_129 = tpu.vector_load %arg11[%get3A_128] {strides = array<i32>} : memref<5216xi32, #tpu.memory_space<vmem>>, vector<16xi32>,
    %get3A_130 = vector.shape_cast %get3A_129 : vector<16xi32> to vector<16xi32>
    %swap3A_131 = arith.constant 16 : index
    %swap3A_132 = tpu.vector_load %arg16[%swap3A_131] {strides = array<i32>} : memref<32xi32, #tpu.memory_space<vmem>>, vector<16xi32>,
    %swap3A_133 = vector.shape_cast %swap3A_132 : vector<16xi32> to vector<16xi32>
    %swap3A_134 = vector.shape_cast %get3A_130 : vector<16xi32> to vector<16xi32>
    tpu.vector_store %arg16[%swap3A_131], %swap3A_134 {strides = array<i32>} : memref<32xi32, #tpu.memory_space<vmem>>, vector<16xi32>,
    %dma_start3A_135 = arith.constant 0 : i32
    %dma_start3A_136 = arith.constant 0 : i32
    %dma_start3A_137 = tpu.memref_slice %arg9[%dma_start3A_135, %dma_start3A_136] : memref<10240x128xf32, #tpu.memory_space<vmem_shared>> -> memref<10240x128xf32, #tpu.memory_space<vmem_shared>>
    tpu.enqueue_indirect_dma source(%arg22 : memref<32x128xf32, #tpu.memory_space<vmem>>) target(%dma_start3A_137 : memref<10240x128xf32, #tpu.memory_space<vmem_shared>>) offsets(%arg16 : memref<32xi32, #tpu.memory_space<vmem>>) semaphore(%arg34 : memref<!tpu.dma_semaphore, #tpu.memory_space<semaphore_mem>>) {add = true}
    %dma_start3A_138 = arith.constant 2656 : i32
    %dma_start3A_139 = tpu.memref_slice %arg10[%dma_start3A_138] : memref<5216xi32, #tpu.memory_space<vmem>> -> memref<32xi32, #tpu.memory_space<vmem>>
    %dma_start3A_140 = arith.constant 0 : i32
    %dma_start3A_141 = arith.constant 0 : i32
    %dma_start3A_142 = tpu.memref_slice %arg2[%dma_start3A_140, %dma_start3A_141] : memref<10000x128xf32, #tpu.memory_space<hbm>> -> memref<10000x128xf32, #tpu.memory_space<hbm>>
    tpu.enqueue_indirect_dma source(%dma_start3A_142 : memref<10000x128xf32, #tpu.memory_space<hbm>>) target(%arg23 : memref<32x128xf32, #tpu.memory_space<vmem>>) offsets(%dma_start3A_139 : memref<32xi32, #tpu.memory_space<vmem>>) semaphore(%arg29 : memref<!tpu.dma_semaphore, #tpu.memory_space<semaphore_mem>>)
    %dma_wait3A_143 = arith.constant 64 : i32
    %dma_wait3A_144 = tpu.memref_slice %arg10[%dma_wait3A_143] : memref<5216xi32, #tpu.memory_space<vmem>> -> memref<32xi32, #tpu.memory_space<vmem>>
    %dma_wait3A_145 = arith.constant 0 : i32
    %dma_wait3A_146 = arith.constant 0 : i32
    %dma_wait3A_147 = tpu.memref_slice %arg2[%dma_wait3A_145, %dma_wait3A_146] : memref<10000x128xf32, #tpu.memory_space<hbm>> -> memref<10000x128xf32, #tpu.memory_space<hbm>>
    tpu.wait_indirect_dma semaphore(%arg26 : memref<!tpu.dma_semaphore, #tpu.memory_space<semaphore_mem>>) src(%dma_wait3A_147 : memref<10000x128xf32, #tpu.memory_space<hbm>>) dst(%arg20 : memref<32x128xf32, #tpu.memory_space<vmem>>)
    %get3A_148 = arith.constant 64 : index
    %get3A_149 = tpu.vector_load %arg11[%get3A_148] {strides = array<i32>} : memref<5216xi32, #tpu.memory_space<vmem>>, vector<16xi32>,
    %get3A_150 = vector.shape_cast %get3A_149 : vector<16xi32> to vector<16xi32>
    %swap3A_151 = arith.constant 0 : index
    %swap3A_152 = tpu.vector_load %arg14[%swap3A_151] {strides = array<i32>} : memref<32xi32, #tpu.memory_space<vmem>>, vector<16xi32>,
    %swap3A_153 = vector.shape_cast %swap3A_152 : vector<16xi32> to vector<16xi32>
    %swap3A_154 = vector.shape_cast %get3A_150 : vector<16xi32> to vector<16xi32>
    tpu.vector_store %arg14[%swap3A_151], %swap3A_154 {strides = array<i32>} : memref<32xi32, #tpu.memory_space<vmem>>, vector<16xi32>,
    %get3A_155 = arith.constant 80 : index
    %get3A_156 = tpu.vector_load %arg11[%get3A_155] {strides = array<i32>} : memref<5216xi32, #tpu.memory_space<vmem>>, vector<16xi32>,
    %get3A_157 = vector.shape_cast %get3A_156 : vector<16xi32> to vector<16xi32>
    %swap3A_158 = arith.constant 16 : index
    %swap3A_159 = tpu.vector_load %arg14[%swap3A_158] {strides = array<i32>} : memref<32xi32, #tpu.memory_space<vmem>>, vector<16xi32>,
    %swap3A_160 = vector.shape_cast %swap3A_159 : vector<16xi32> to vector<16xi32>
    %swap3A_161 = vector.shape_cast %get3A_157 : vector<16xi32> to vector<16xi32>
    tpu.vector_store %arg14[%swap3A_158], %swap3A_161 {strides = array<i32>} : memref<32xi32, #tpu.memory_space<vmem>>, vector<16xi32>,
    %dma_start3A_162 = arith.constant 0 : i32
    %dma_start3A_163 = arith.constant 0 : i32
    %dma_start3A_164 = tpu.memref_slice %arg9[%dma_start3A_162, %dma_start3A_163] : memref<10240x128xf32, #tpu.memory_space<vmem_shared>> -> memref<10240x128xf32, #tpu.memory_space<vmem_shared>>
    tpu.enqueue_indirect_dma source(%arg20 : memref<32x128xf32, #tpu.memory_space<vmem>>) target(%dma_start3A_164 : memref<10240x128xf32, #tpu.memory_space<vmem_shared>>) offsets(%arg14 : memref<32xi32, #tpu.memory_space<vmem>>) semaphore(%arg32 : memref<!tpu.dma_semaphore, #tpu.memory_space<semaphore_mem>>) {add = true}
    %dma_wait3A_165 = arith.constant 0 : i32
    %dma_wait3A_166 = arith.constant 0 : i32
    %dma_wait3A_167 = tpu.memref_slice %arg9[%dma_wait3A_165, %dma_wait3A_166] : memref<10240x128xf32, #tpu.memory_space<vmem_shared>> -> memref<10240x128xf32, #tpu.memory_space<vmem_shared>>
    tpu.wait_indirect_dma semaphore(%arg30 : memref<!tpu.dma_semaphore, #tpu.memory_space<semaphore_mem>>) src(%arg18 : memref<32x128xf32, #tpu.memory_space<vmem>>) dst(%dma_wait3A_167 : memref<10240x128xf32, #tpu.memory_space<vmem_shared>>)
    %dma_start3A_168 = arith.constant 96 : i32
    %dma_start3A_169 = tpu.memref_slice %arg10[%dma_start3A_168] : memref<5216xi32, #tpu.memory_space<vmem>> -> memref<32xi32, #tpu.memory_space<vmem>>
    %dma_start3A_170 = arith.constant 0 : i32
    %dma_start3A_171 = arith.constant 0 : i32
    %dma_start3A_172 = tpu.memref_slice %arg2[%dma_start3A_170, %dma_start3A_171] : memref<10000x128xf32, #tpu.memory_space<hbm>> -> memref<10000x128xf32, #tpu.memory_space<hbm>>
    tpu.enqueue_indirect_dma source(%dma_start3A_172 : memref<10000x128xf32, #tpu.memory_space<hbm>>) target(%arg18 : memref<32x128xf32, #tpu.memory_space<vmem>>) offsets(%dma_start3A_169 : memref<32xi32, #tpu.memory_space<vmem>>) semaphore(%arg24 : memref<!tpu.dma_semaphore, #tpu.memory_space<semaphore_mem>>)
    %dma_wait3A_173 = arith.constant 2656 : i32
    %dma_wait3A_174 = tpu.memref_slice %arg10[%dma_wait3A_173] : memref<5216xi32, #tpu.memory_space<vmem>> -> memref<32xi32, #tpu.memory_space<vmem>>
    %dma_wait3A_175 = arith.constant 0 : i32
    %dma_wait3A_176 = arith.constant 0 : i32
    %dma_wait3A_177 = tpu.memref_slice %arg2[%dma_wait3A_175, %dma_wait3A_176] : memref<10000x128xf32, #tpu.memory_space<hbm>> -> memref<10000x128xf32, #tpu.memory_space<hbm>>
    tpu.wait_indirect_dma semaphore(%arg29 : memref<!tpu.dma_semaphore, #tpu.memory_space<semaphore_mem>>) src(%dma_wait3A_177 : memref<10000x128xf32, #tpu.memory_space<hbm>>) dst(%arg23 : memref<32x128xf32, #tpu.memory_space<vmem>>)
    %get3A_178 = arith.constant 2656 : index
    %get3A_179 = tpu.vector_load %arg11[%get3A_178] {strides = array<i32>} : memref<5216xi32, #tpu.memory_space<vmem>>, vector<16xi32>,
    %get3A_180 = vector.shape_cast %get3A_179 : vector<16xi32> to vector<16xi32>
    %swap3A_181 = arith.constant 0 : index
    %swap3A_182 = tpu.vector_load %arg17[%swap3A_181] {strides = array<i32>} : memref<32xi32, #tpu.memory_space<vmem>>, vector<16xi32>,
    %swap3A_183 = vector.shape_cast %swap3A_182 : vector<16xi32> to vector<16xi32>
    %swap3A_184 = vector.shape_cast %get3A_180 : vector<16xi32> to vector<16xi32>
    tpu.vector_store %arg17[%swap3A_181], %swap3A_184 {strides = array<i32>} : memref<32xi32, #tpu.memory_space<vmem>>, vector<16xi32>,
    %get3A_185 = arith.constant 2672 : index
    %get3A_186 = tpu.vector_load %arg11[%get3A_185] {strides = array<i32>} : memref<5216xi32, #tpu.memory_space<vmem>>, vector<16xi32>,
    %get3A_187 = vector.shape_cast %get3A_186 : vector<16xi32> to vector<16xi32>
    %swap3A_188 = arith.constant 16 : index
    %swap3A_189 = tpu.vector_load %arg17[%swap3A_188] {strides = array<i32>} : memref<32xi32, #tpu.memory_space<vmem>>, vector<16xi32>,
    %swap3A_190 = vector.shape_cast %swap3A_189 : vector<16xi32> to vector<16xi32>
    %swap3A_191 = vector.shape_cast %get3A_187 : vector<16xi32> to vector<16xi32>
    tpu.vector_store %arg17[%swap3A_188], %swap3A_191 {strides = array<i32>} : memref<32xi32, #tpu.memory_space<vmem>>, vector<16xi32>,
    %dma_start3A_192 = arith.constant 0 : i32
    %dma_start3A_193 = arith.constant 0 : i32
    %dma_start3A_194 = tpu.memref_slice %arg9[%dma_start3A_192, %dma_start3A_193] : memref<10240x128xf32, #tpu.memory_space<vmem_shared>> -> memref<10240x128xf32, #tpu.memory_space<vmem_shared>>
    tpu.enqueue_indirect_dma source(%arg23 : memref<32x128xf32, #tpu.memory_space<vmem>>) target(%dma_start3A_194 : memref<10240x128xf32, #tpu.memory_space<vmem_shared>>) offsets(%arg17 : memref<32xi32, #tpu.memory_space<vmem>>) semaphore(%arg35 : memref<!tpu.dma_semaphore, #tpu.memory_space<semaphore_mem>>) {add = true}
    %dma_wait3A_195 = arith.constant 0 : i32
    %dma_wait3A_196 = arith.constant 0 : i32
    %dma_wait3A_197 = tpu.memref_slice %arg9[%dma_wait3A_195, %dma_wait3A_196] : memref<10240x128xf32, #tpu.memory_space<vmem_shared>> -> memref<10240x128xf32, #tpu.memory_space<vmem_shared>>
    tpu.wait_indirect_dma semaphore(%arg33 : memref<!tpu.dma_semaphore, #tpu.memory_space<semaphore_mem>>) src(%arg21 : memref<32x128xf32, #tpu.memory_space<vmem>>) dst(%dma_wait3A_197 : memref<10240x128xf32, #tpu.memory_space<vmem_shared>>)
    %dma_start3A_198 = arith.constant 2688 : i32
    %dma_start3A_199 = tpu.memref_slice %arg10[%dma_start3A_198] : memref<5216xi32, #tpu.memory_space<vmem>> -> memref<32xi32, #tpu.memory_space<vmem>>
    %dma_start3A_200 = arith.constant 0 : i32
    %dma_start3A_201 = arith.constant 0 : i32
    %dma_start3A_202 = tpu.memref_slice %arg2[%dma_start3A_200, %dma_start3A_201] : memref<10000x128xf32, #tpu.memory_space<hbm>> -> memref<10000x128xf32, #tpu.memory_space<hbm>>
    tpu.enqueue_indirect_dma source(%dma_start3A_202 : memref<10000x128xf32, #tpu.memory_space<hbm>>) target(%arg21 : memref<32x128xf32, #tpu.memory_space<vmem>>) offsets(%dma_start3A_199 : memref<32xi32, #tpu.memory_space<vmem>>) semaphore(%arg27 : memref<!tpu.dma_semaphore, #tpu.memory_space<semaphore_mem>>)
    %scan3A = arith.constant 0 : i32
    %scan3A_203 = arith.constant 1 : i32
    %scan3A_204 = arith.constant 26 : i32
    %scan3A_205 = arith.addi %scan3A_203, %scan3A_204 : i32
    %scan3A_206 = arith.constant 1 : i32
    %scan3A_207 = scf.for %scan3A_262 = %scan3A_203 to %scan3A_205 step %scan3A_206 iter_args(%scan3A_263 = %scan3A) -> (i32)  : i32 {
      %mul3A_264 = arith.constant 3 : i32
      %mul3A_265 = arith.muli %scan3A_262, %mul3A_264 : i32
      %add3A_266 = arith.constant 0 : i32
      %add3A_267 = arith.addi %mul3A_265, %add3A_266 : i32
      %add3A_268 = arith.constant 0 : i32
      %add3A_269 = arith.addi %add3A_268, %add3A_267 : i32
      %mul3A_270 = arith.constant 32 : i32
      %mul3A_271 = arith.muli %add3A_269, %mul3A_270 : i32
      %dma_wait3A_272 = tpu.memref_slice %arg10[%mul3A_271] : memref<5216xi32, #tpu.memory_space<vmem>> -> memref<32xi32, #tpu.memory_space<vmem>>
      %dma_wait3A_273 = arith.constant 0 : i32
      %dma_wait3A_274 = arith.constant 0 : i32
      %dma_wait3A_275 = tpu.memref_slice %arg2[%dma_wait3A_273, %dma_wait3A_274] : memref<10000x128xf32, #tpu.memory_space<hbm>> -> memref<10000x128xf32, #tpu.memory_space<hbm>>
      tpu.wait_indirect_dma semaphore(%arg24 : memref<!tpu.dma_semaphore, #tpu.memory_space<semaphore_mem>>) src(%dma_wait3A_275 : memref<10000x128xf32, #tpu.memory_space<hbm>>) dst(%arg18 : memref<32x128xf32, #tpu.memory_space<vmem>>)
      %add3A_276 = arith.constant 0 : i32
      %add3A_277 = arith.addi %add3A_276, %add3A_267 : i32
      %mul3A_278 = arith.constant 32 : i32
      %mul3A_279 = arith.muli %add3A_277, %mul3A_278 : i32
      %add3A_280 = arith.constant 0 : i32
      %add3A_281 = arith.addi %mul3A_279, %add3A_280 : i32
      %get3A_282 = arith.index_cast %add3A_281 : i32 to index
      %get3A_283 = tpu.vector_load %arg11[%get3A_282] {strides = array<i32>} : memref<5216xi32, #tpu.memory_space<vmem>>, vector<16xi32>,
      %get3A_284 = vector.shape_cast %get3A_283 : vector<16xi32> to vector<16xi32>
      %swap3A_285 = arith.constant 0 : index
      %swap3A_286 = tpu.vector_load %arg12[%swap3A_285] {strides = array<i32>} : memref<32xi32, #tpu.memory_space<vmem>>, vector<16xi32>,
      %swap3A_287 = vector.shape_cast %swap3A_286 : vector<16xi32> to vector<16xi32>
      %swap3A_288 = vector.shape_cast %get3A_284 : vector<16xi32> to vector<16xi32>
      tpu.vector_store %arg12[%swap3A_285], %swap3A_288 {strides = array<i32>} : memref<32xi32, #tpu.memory_space<vmem>>, vector<16xi32>,
      %add3A_289 = arith.constant 0 : i32
      %add3A_290 = arith.addi %add3A_289, %add3A_267 : i32
      %mul3A_291 = arith.constant 32 : i32
      %mul3A_292 = arith.muli %add3A_290, %mul3A_291 : i32
      %add3A_293 = arith.constant 16 : i32
      %add3A_294 = arith.addi %mul3A_292, %add3A_293 : i32
      %get3A_295 = arith.index_cast %add3A_294 : i32 to index
      %get3A_296 = tpu.vector_load %arg11[%get3A_295] {strides = array<i32>} : memref<5216xi32, #tpu.memory_space<vmem>>, vector<16xi32>,
      %get3A_297 = vector.shape_cast %get3A_296 : vector<16xi32> to vector<16xi32>
      %swap3A_298 = arith.constant 16 : index
      %swap3A_299 = tpu.vector_load %arg12[%swap3A_298] {strides = array<i32>} : memref<32xi32, #tpu.memory_space<vmem>>, vector<16xi32>,
      %swap3A_300 = vector.shape_cast %swap3A_299 : vector<16xi32> to vector<16xi32>
      %swap3A_301 = vector.shape_cast %get3A_297 : vector<16xi32> to vector<16xi32>
      tpu.vector_store %arg12[%swap3A_298], %swap3A_301 {strides = array<i32>} : memref<32xi32, #tpu.memory_space<vmem>>, vector<16xi32>,
      %dma_start3A_302 = arith.constant 0 : i32
      %dma_start3A_303 = arith.constant 0 : i32
      %dma_start3A_304 = tpu.memref_slice %arg9[%dma_start3A_302, %dma_start3A_303] : memref<10240x128xf32, #tpu.memory_space<vmem_shared>> -> memref<10240x128xf32, #tpu.memory_space<vmem_shared>>
      tpu.enqueue_indirect_dma source(%arg18 : memref<32x128xf32, #tpu.memory_space<vmem>>) target(%dma_start3A_304 : memref<10240x128xf32, #tpu.memory_space<vmem_shared>>) offsets(%arg12 : memref<32xi32, #tpu.memory_space<vmem>>) semaphore(%arg30 : memref<!tpu.dma_semaphore, #tpu.memory_space<semaphore_mem>>) {add = true}
      %dma_wait3A_305 = arith.constant 0 : i32
      %dma_wait3A_306 = arith.constant 0 : i32
      %dma_wait3A_307 = tpu.memref_slice %arg9[%dma_wait3A_305, %dma_wait3A_306] : memref<10240x128xf32, #tpu.memory_space<vmem_shared>> -> memref<10240x128xf32, #tpu.memory_space<vmem_shared>>
      tpu.wait_indirect_dma semaphore(%arg31 : memref<!tpu.dma_semaphore, #tpu.memory_space<semaphore_mem>>) src(%arg19 : memref<32x128xf32, #tpu.memory_space<vmem>>) dst(%dma_wait3A_307 : memref<10240x128xf32, #tpu.memory_space<vmem_shared>>)
      %add3A_308 = arith.constant 1 : i32
      %add3A_309 = arith.addi %add3A_267, %add3A_308 : i32
      %add3A_310 = arith.constant 0 : i32
      %add3A_311 = arith.addi %add3A_310, %add3A_309 : i32
      %mul3A_312 = arith.constant 32 : i32
      %mul3A_313 = arith.muli %add3A_311, %mul3A_312 : i32
      %dma_start3A_314 = tpu.memref_slice %arg10[%mul3A_313] : memref<5216xi32, #tpu.memory_space<vmem>> -> memref<32xi32, #tpu.memory_space<vmem>>
      %dma_start3A_315 = arith.constant 0 : i32
      %dma_start3A_316 = arith.constant 0 : i32
      %dma_start3A_317 = tpu.memref_slice %arg2[%dma_start3A_315, %dma_start3A_316] : memref<10000x128xf32, #tpu.memory_space<hbm>> -> memref<10000x128xf32, #tpu.memory_space<hbm>>
      tpu.enqueue_indirect_dma source(%dma_start3A_317 : memref<10000x128xf32, #tpu.memory_space<hbm>>) target(%arg19 : memref<32x128xf32, #tpu.memory_space<vmem>>) offsets(%dma_start3A_314 : memref<32xi32, #tpu.memory_space<vmem>>) semaphore(%arg25 : memref<!tpu.dma_semaphore, #tpu.memory_space<semaphore_mem>>)
      %add3A_318 = arith.constant 81 : i32
      %add3A_319 = arith.addi %add3A_318, %add3A_267 : i32
      %mul3A_320 = arith.constant 32 : i32
      %mul3A_321 = arith.muli %add3A_319, %mul3A_320 : i32
      %dma_wait3A_322 = tpu.memref_slice %arg10[%mul3A_321] : memref<5216xi32, #tpu.memory_space<vmem>> -> memref<32xi32, #tpu.memory_space<vmem>>
      %dma_wait3A_323 = arith.constant 0 : i32
      %dma_wait3A_324 = arith.constant 0 : i32
      %dma_wait3A_325 = tpu.memref_slice %arg2[%dma_wait3A_323, %dma_wait3A_324] : memref<10000x128xf32, #tpu.memory_space<hbm>> -> memref<10000x128xf32, #tpu.memory_space<hbm>>
      tpu.wait_indirect_dma semaphore(%arg27 : memref<!tpu.dma_semaphore, #tpu.memory_space<semaphore_mem>>) src(%dma_wait3A_325 : memref<10000x128xf32, #tpu.memory_space<hbm>>) dst(%arg21 : memref<32x128xf32, #tpu.memory_space<vmem>>)
      %add3A_326 = arith.constant 81 : i32
      %add3A_327 = arith.addi %add3A_326, %add3A_267 : i32
      %mul3A_328 = arith.constant 32 : i32
      %mul3A_329 = arith.muli %add3A_327, %mul3A_328 : i32
      %add3A_330 = arith.constant 0 : i32
      %add3A_331 = arith.addi %mul3A_329, %add3A_330 : i32
      %get3A_332 = arith.index_cast %add3A_331 : i32 to index
      %get3A_333 = tpu.vector_load %arg11[%get3A_332] {strides = array<i32>} : memref<5216xi32, #tpu.memory_space<vmem>>, vector<16xi32>,
      %get3A_334 = vector.shape_cast %get3A_333 : vector<16xi32> to vector<16xi32>
      %swap3A_335 = arith.constant 0 : index
      %swap3A_336 = tpu.vector_load %arg15[%swap3A_335] {strides = array<i32>} : memref<32xi32, #tpu.memory_space<vmem>>, vector<16xi32>,
      %swap3A_337 = vector.shape_cast %swap3A_336 : vector<16xi32> to vector<16xi32>
      %swap3A_338 = vector.shape_cast %get3A_334 : vector<16xi32> to vector<16xi32>
      tpu.vector_store %arg15[%swap3A_335], %swap3A_338 {strides = array<i32>} : memref<32xi32, #tpu.memory_space<vmem>>, vector<16xi32>,
      %add3A_339 = arith.constant 81 : i32
      %add3A_340 = arith.addi %add3A_339, %add3A_267 : i32
      %mul3A_341 = arith.constant 32 : i32
      %mul3A_342 = arith.muli %add3A_340, %mul3A_341 : i32
      %add3A_343 = arith.constant 16 : i32
      %add3A_344 = arith.addi %mul3A_342, %add3A_343 : i32
      %get3A_345 = arith.index_cast %add3A_344 : i32 to index
      %get3A_346 = tpu.vector_load %arg11[%get3A_345] {strides = array<i32>} : memref<5216xi32, #tpu.memory_space<vmem>>, vector<16xi32>,
      %get3A_347 = vector.shape_cast %get3A_346 : vector<16xi32> to vector<16xi32>
      %swap3A_348 = arith.constant 16 : index
      %swap3A_349 = tpu.vector_load %arg15[%swap3A_348] {strides = array<i32>} : memref<32xi32, #tpu.memory_space<vmem>>, vector<16xi32>,
      %swap3A_350 = vector.shape_cast %swap3A_349 : vector<16xi32> to vector<16xi32>
      %swap3A_351 = vector.shape_cast %get3A_347 : vector<16xi32> to vector<16xi32>
      tpu.vector_store %arg15[%swap3A_348], %swap3A_351 {strides = array<i32>} : memref<32xi32, #tpu.memory_space<vmem>>, vector<16xi32>,
      %dma_start3A_352 = arith.constant 0 : i32
      %dma_start3A_353 = arith.constant 0 : i32
      %dma_start3A_354 = tpu.memref_slice %arg9[%dma_start3A_352, %dma_start3A_353] : memref<10240x128xf32, #tpu.memory_space<vmem_shared>> -> memref<10240x128xf32, #tpu.memory_space<vmem_shared>>
      tpu.enqueue_indirect_dma source(%arg21 : memref<32x128xf32, #tpu.memory_space<vmem>>) target(%dma_start3A_354 : memref<10240x128xf32, #tpu.memory_space<vmem_shared>>) offsets(%arg15 : memref<32xi32, #tpu.memory_space<vmem>>) semaphore(%arg33 : memref<!tpu.dma_semaphore, #tpu.memory_space<semaphore_mem>>) {add = true}
      %dma_wait3A_355 = arith.constant 0 : i32
      %dma_wait3A_356 = arith.constant 0 : i32
      %dma_wait3A_357 = tpu.memref_slice %arg9[%dma_wait3A_355, %dma_wait3A_356] : memref<10240x128xf32, #tpu.memory_space<vmem_shared>> -> memref<10240x128xf32, #tpu.memory_space<vmem_shared>>
      tpu.wait_indirect_dma semaphore(%arg34 : memref<!tpu.dma_semaphore, #tpu.memory_space<semaphore_mem>>) src(%arg22 : memref<32x128xf32, #tpu.memory_space<vmem>>) dst(%dma_wait3A_357 : memref<10240x128xf32, #tpu.memory_space<vmem_shared>>)
      %add3A_358 = arith.constant 1 : i32
      %add3A_359 = arith.addi %add3A_267, %add3A_358 : i32
      %add3A_360 = arith.constant 81 : i32
      %add3A_361 = arith.addi %add3A_360, %add3A_359 : i32
      %mul3A_362 = arith.constant 32 : i32
      %mul3A_363 = arith.muli %add3A_361, %mul3A_362 : i32
      %dma_start3A_364 = tpu.memref_slice %arg10[%mul3A_363] : memref<5216xi32, #tpu.memory_space<vmem>> -> memref<32xi32, #tpu.memory_space<vmem>>
      %dma_start3A_365 = arith.constant 0 : i32
      %dma_start3A_366 = arith.constant 0 : i32
      %dma_start3A_367 = tpu.memref_slice %arg2[%dma_start3A_365, %dma_start3A_366] : memref<10000x128xf32, #tpu.memory_space<hbm>> -> memref<10000x128xf32, #tpu.memory_space<hbm>>
      tpu.enqueue_indirect_dma source(%dma_start3A_367 : memref<10000x128xf32, #tpu.memory_space<hbm>>) target(%arg22 : memref<32x128xf32, #tpu.memory_space<vmem>>) offsets(%dma_start3A_364 : memref<32xi32, #tpu.memory_space<vmem>>) semaphore(%arg28 : memref<!tpu.dma_semaphore, #tpu.memory_space<semaphore_mem>>)
      %mul3A_368 = arith.constant 3 : i32
      %mul3A_369 = arith.muli %scan3A_262, %mul3A_368 : i32
      %add3A_370 = arith.constant 1 : i32
      %add3A_371 = arith.addi %mul3A_369, %add3A_370 : i32
      %add3A_372 = arith.constant 0 : i32
      %add3A_373 = arith.addi %add3A_372, %add3A_371 : i32
      %mul3A_374 = arith.constant 32 : i32
      %mul3A_375 = arith.muli %add3A_373, %mul3A_374 : i32
      %dma_wait3A_376 = tpu.memref_slice %arg10[%mul3A_375] : memref<5216xi32, #tpu.memory_space<vmem>> -> memref<32xi32, #tpu.memory_space<vmem>>
      %dma_wait3A_377 = arith.constant 0 : i32
      %dma_wait3A_378 = arith.constant 0 : i32
      %dma_wait3A_379 = tpu.memref_slice %arg2[%dma_wait3A_377, %dma_wait3A_378] : memref<10000x128xf32, #tpu.memory_space<hbm>> -> memref<10000x128xf32, #tpu.memory_space<hbm>>
      tpu.wait_indirect_dma semaphore(%arg25 : memref<!tpu.dma_semaphore, #tpu.memory_space<semaphore_mem>>) src(%dma_wait3A_379 : memref<10000x128xf32, #tpu.memory_space<hbm>>) dst(%arg19 : memref<32x128xf32, #tpu.memory_space<vmem>>)
      %add3A_380 = arith.constant 0 : i32
      %add3A_381 = arith.addi %add3A_380, %add3A_371 : i32
      %mul3A_382 = arith.constant 32 : i32
      %mul3A_383 = arith.muli %add3A_381, %mul3A_382 : i32
      %add3A_384 = arith.constant 0 : i32
      %add3A_385 = arith.addi %mul3A_383, %add3A_384 : i32
      %get3A_386 = arith.index_cast %add3A_385 : i32 to index
      %get3A_387 = tpu.vector_load %arg11[%get3A_386] {strides = array<i32>} : memref<5216xi32, #tpu.memory_space<vmem>>, vector<16xi32>,
      %get3A_388 = vector.shape_cast %get3A_387 : vector<16xi32> to vector<16xi32>
      %swap3A_389 = arith.constant 0 : index
      %swap3A_390 = tpu.vector_load %arg13[%swap3A_389] {strides = array<i32>} : memref<32xi32, #tpu.memory_space<vmem>>, vector<16xi32>,
      %swap3A_391 = vector.shape_cast %swap3A_390 : vector<16xi32> to vector<16xi32>
      %swap3A_392 = vector.shape_cast %get3A_388 : vector<16xi32> to vector<16xi32>
      tpu.vector_store %arg13[%swap3A_389], %swap3A_392 {strides = array<i32>} : memref<32xi32, #tpu.memory_space<vmem>>, vector<16xi32>,
      %add3A_393 = arith.constant 0 : i32
      %add3A_394 = arith.addi %add3A_393, %add3A_371 : i32
      %mul3A_395 = arith.constant 32 : i32
      %mul3A_396 = arith.muli %add3A_394, %mul3A_395 : i32
      %add3A_397 = arith.constant 16 : i32
      %add3A_398 = arith.addi %mul3A_396, %add3A_397 : i32
      %get3A_399 = arith.index_cast %add3A_398 : i32 to index
      %get3A_400 = tpu.vector_load %arg11[%get3A_399] {strides = array<i32>} : memref<5216xi32, #tpu.memory_space<vmem>>, vector<16xi32>,
      %get3A_401 = vector.shape_cast %get3A_400 : vector<16xi32> to vector<16xi32>
      %swap3A_402 = arith.constant 16 : index
      %swap3A_403 = tpu.vector_load %arg13[%swap3A_402] {strides = array<i32>} : memref<32xi32, #tpu.memory_space<vmem>>, vector<16xi32>,
      %swap3A_404 = vector.shape_cast %swap3A_403 : vector<16xi32> to vector<16xi32>
      %swap3A_405 = vector.shape_cast %get3A_401 : vector<16xi32> to vector<16xi32>
      tpu.vector_store %arg13[%swap3A_402], %swap3A_405 {strides = array<i32>} : memref<32xi32, #tpu.memory_space<vmem>>, vector<16xi32>,
      %dma_start3A_406 = arith.constant 0 : i32
      %dma_start3A_407 = arith.constant 0 : i32
      %dma_start3A_408 = tpu.memref_slice %arg9[%dma_start3A_406, %dma_start3A_407] : memref<10240x128xf32, #tpu.memory_space<vmem_shared>> -> memref<10240x128xf32, #tpu.memory_space<vmem_shared>>
      tpu.enqueue_indirect_dma source(%arg19 : memref<32x128xf32, #tpu.memory_space<vmem>>) target(%dma_start3A_408 : memref<10240x128xf32, #tpu.memory_space<vmem_shared>>) offsets(%arg13 : memref<32xi32, #tpu.memory_space<vmem>>) semaphore(%arg31 : memref<!tpu.dma_semaphore, #tpu.memory_space<semaphore_mem>>) {add = true}
      %dma_wait3A_409 = arith.constant 0 : i32
      %dma_wait3A_410 = arith.constant 0 : i32
      %dma_wait3A_411 = tpu.memref_slice %arg9[%dma_wait3A_409, %dma_wait3A_410] : memref<10240x128xf32, #tpu.memory_space<vmem_shared>> -> memref<10240x128xf32, #tpu.memory_space<vmem_shared>>
      tpu.wait_indirect_dma semaphore(%arg32 : memref<!tpu.dma_semaphore, #tpu.memory_space<semaphore_mem>>) src(%arg20 : memref<32x128xf32, #tpu.memory_space<vmem>>) dst(%dma_wait3A_411 : memref<10240x128xf32, #tpu.memory_space<vmem_shared>>)
      %add3A_412 = arith.constant 1 : i32
      %add3A_413 = arith.addi %add3A_371, %add3A_412 : i32
      %add3A_414 = arith.constant 0 : i32
      %add3A_415 = arith.addi %add3A_414, %add3A_413 : i32
      %mul3A_416 = arith.constant 32 : i32
      %mul3A_417 = arith.muli %add3A_415, %mul3A_416 : i32
      %dma_start3A_418 = tpu.memref_slice %arg10[%mul3A_417] : memref<5216xi32, #tpu.memory_space<vmem>> -> memref<32xi32, #tpu.memory_space<vmem>>
      %dma_start3A_419 = arith.constant 0 : i32
      %dma_start3A_420 = arith.constant 0 : i32
      %dma_start3A_421 = tpu.memref_slice %arg2[%dma_start3A_419, %dma_start3A_420] : memref<10000x128xf32, #tpu.memory_space<hbm>> -> memref<10000x128xf32, #tpu.memory_space<hbm>>
      tpu.enqueue_indirect_dma source(%dma_start3A_421 : memref<10000x128xf32, #tpu.memory_space<hbm>>) target(%arg20 : memref<32x128xf32, #tpu.memory_space<vmem>>) offsets(%dma_start3A_418 : memref<32xi32, #tpu.memory_space<vmem>>) semaphore(%arg26 : memref<!tpu.dma_semaphore, #tpu.memory_space<semaphore_mem>>)
      %add3A_422 = arith.constant 81 : i32
      %add3A_423 = arith.addi %add3A_422, %add3A_371 : i32
      %mul3A_424 = arith.constant 32 : i32
      %mul3A_425 = arith.muli %add3A_423, %mul3A_424 : i32
      %dma_wait3A_426 = tpu.memref_slice %arg10[%mul3A_425] : memref<5216xi32, #tpu.memory_space<vmem>> -> memref<32xi32, #tpu.memory_space<vmem>>
      %dma_wait3A_427 = arith.constant 0 : i32
      %dma_wait3A_428 = arith.constant 0 : i32
      %dma_wait3A_429 = tpu.memref_slice %arg2[%dma_wait3A_427, %dma_wait3A_428] : memref<10000x128xf32, #tpu.memory_space<hbm>> -> memref<10000x128xf32, #tpu.memory_space<hbm>>
      tpu.wait_indirect_dma semaphore(%arg28 : memref<!tpu.dma_semaphore, #tpu.memory_space<semaphore_mem>>) src(%dma_wait3A_429 : memref<10000x128xf32, #tpu.memory_space<hbm>>) dst(%arg22 : memref<32x128xf32, #tpu.memory_space<vmem>>)
      %add3A_430 = arith.constant 81 : i32
      %add3A_431 = arith.addi %add3A_430, %add3A_371 : i32
      %mul3A_432 = arith.constant 32 : i32
      %mul3A_433 = arith.muli %add3A_431, %mul3A_432 : i32
      %add3A_434 = arith.constant 0 : i32
      %add3A_435 = arith.addi %mul3A_433, %add3A_434 : i32
      %get3A_436 = arith.index_cast %add3A_435 : i32 to index
      %get3A_437 = tpu.vector_load %arg11[%get3A_436] {strides = array<i32>} : memref<5216xi32, #tpu.memory_space<vmem>>, vector<16xi32>,
      %get3A_438 = vector.shape_cast %get3A_437 : vector<16xi32> to vector<16xi32>
      %swap3A_439 = arith.constant 0 : index
      %swap3A_440 = tpu.vector_load %arg16[%swap3A_439] {strides = array<i32>} : memref<32xi32, #tpu.memory_space<vmem>>, vector<16xi32>,
      %swap3A_441 = vector.shape_cast %swap3A_440 : vector<16xi32> to vector<16xi32>
      %swap3A_442 = vector.shape_cast %get3A_438 : vector<16xi32> to vector<16xi32>
      tpu.vector_store %arg16[%swap3A_439], %swap3A_442 {strides = array<i32>} : memref<32xi32, #tpu.memory_space<vmem>>, vector<16xi32>,
      %add3A_443 = arith.constant 81 : i32
      %add3A_444 = arith.addi %add3A_443, %add3A_371 : i32
      %mul3A_445 = arith.constant 32 : i32
      %mul3A_446 = arith.muli %add3A_444, %mul3A_445 : i32
      %add3A_447 = arith.constant 16 : i32
      %add3A_448 = arith.addi %mul3A_446, %add3A_447 : i32
      %get3A_449 = arith.index_cast %add3A_448 : i32 to index
      %get3A_450 = tpu.vector_load %arg11[%get3A_449] {strides = array<i32>} : memref<5216xi32, #tpu.memory_space<vmem>>, vector<16xi32>,
      %get3A_451 = vector.shape_cast %get3A_450 : vector<16xi32> to vector<16xi32>
      %swap3A_452 = arith.constant 16 : index
      %swap3A_453 = tpu.vector_load %arg16[%swap3A_452] {strides = array<i32>} : memref<32xi32, #tpu.memory_space<vmem>>, vector<16xi32>,
      %swap3A_454 = vector.shape_cast %swap3A_453 : vector<16xi32> to vector<16xi32>
      %swap3A_455 = vector.shape_cast %get3A_451 : vector<16xi32> to vector<16xi32>
      tpu.vector_store %arg16[%swap3A_452], %swap3A_455 {strides = array<i32>} : memref<32xi32, #tpu.memory_space<vmem>>, vector<16xi32>,
      %dma_start3A_456 = arith.constant 0 : i32
      %dma_start3A_457 = arith.constant 0 : i32
      %dma_start3A_458 = tpu.memref_slice %arg9[%dma_start3A_456, %dma_start3A_457] : memref<10240x128xf32, #tpu.memory_space<vmem_shared>> -> memref<10240x128xf32, #tpu.memory_space<vmem_shared>>
      tpu.enqueue_indirect_dma source(%arg22 : memref<32x128xf32, #tpu.memory_space<vmem>>) target(%dma_start3A_458 : memref<10240x128xf32, #tpu.memory_space<vmem_shared>>) offsets(%arg16 : memref<32xi32, #tpu.memory_space<vmem>>) semaphore(%arg34 : memref<!tpu.dma_semaphore, #tpu.memory_space<semaphore_mem>>) {add = true}
      %dma_wait3A_459 = arith.constant 0 : i32
      %dma_wait3A_460 = arith.constant 0 : i32
      %dma_wait3A_461 = tpu.memref_slice %arg9[%dma_wait3A_459, %dma_wait3A_460] : memref<10240x128xf32, #tpu.memory_space<vmem_shared>> -> memref<10240x128xf32, #tpu.memory_space<vmem_shared>>
      tpu.wait_indirect_dma semaphore(%arg35 : memref<!tpu.dma_semaphore, #tpu.memory_space<semaphore_mem>>) src(%arg23 : memref<32x128xf32, #tpu.memory_space<vmem>>) dst(%dma_wait3A_461 : memref<10240x128xf32, #tpu.memory_space<vmem_shared>>)
      %add3A_462 = arith.constant 1 : i32
      %add3A_463 = arith.addi %add3A_371, %add3A_462 : i32
      %add3A_464 = arith.constant 81 : i32
      %add3A_465 = arith.addi %add3A_464, %add3A_463 : i32
      %mul3A_466 = arith.constant 32 : i32
      %mul3A_467 = arith.muli %add3A_465, %mul3A_466 : i32
      %dma_start3A_468 = tpu.memref_slice %arg10[%mul3A_467] : memref<5216xi32, #tpu.memory_space<vmem>> -> memref<32xi32, #tpu.memory_space<vmem>>
      %dma_start3A_469 = arith.constant 0 : i32
      %dma_start3A_470 = arith.constant 0 : i32
      %dma_start3A_471 = tpu.memref_slice %arg2[%dma_start3A_469, %dma_start3A_470] : memref<10000x128xf32, #tpu.memory_space<hbm>> -> memref<10000x128xf32, #tpu.memory_space<hbm>>
      tpu.enqueue_indirect_dma source(%dma_start3A_471 : memref<10000x128xf32, #tpu.memory_space<hbm>>) target(%arg23 : memref<32x128xf32, #tpu.memory_space<vmem>>) offsets(%dma_start3A_468 : memref<32xi32, #tpu.memory_space<vmem>>) semaphore(%arg29 : memref<!tpu.dma_semaphore, #tpu.memory_space<semaphore_mem>>)
      %mul3A_472 = arith.constant 3 : i32
      %mul3A_473 = arith.muli %scan3A_262, %mul3A_472 : i32
      %add3A_474 = arith.constant 2 : i32
      %add3A_475 = arith.addi %mul3A_473, %add3A_474 : i32
      %add3A_476 = arith.constant 0 : i32
      %add3A_477 = arith.addi %add3A_476, %add3A_475 : i32
      %mul3A_478 = arith.constant 32 : i32
      %mul3A_479 = arith.muli %add3A_477, %mul3A_478 : i32
      %dma_wait3A_480 = tpu.memref_slice %arg10[%mul3A_479] : memref<5216xi32, #tpu.memory_space<vmem>> -> memref<32xi32, #tpu.memory_space<vmem>>
      %dma_wait3A_481 = arith.constant 0 : i32
      %dma_wait3A_482 = arith.constant 0 : i32
      %dma_wait3A_483 = tpu.memref_slice %arg2[%dma_wait3A_481, %dma_wait3A_482] : memref<10000x128xf32, #tpu.memory_space<hbm>> -> memref<10000x128xf32, #tpu.memory_space<hbm>>
      tpu.wait_indirect_dma semaphore(%arg26 : memref<!tpu.dma_semaphore, #tpu.memory_space<semaphore_mem>>) src(%dma_wait3A_483 : memref<10000x128xf32, #tpu.memory_space<hbm>>) dst(%arg20 : memref<32x128xf32, #tpu.memory_space<vmem>>)
      %add3A_484 = arith.constant 0 : i32
      %add3A_485 = arith.addi %add3A_484, %add3A_475 : i32
      %mul3A_486 = arith.constant 32 : i32
      %mul3A_487 = arith.muli %add3A_485, %mul3A_486 : i32
      %add3A_488 = arith.constant 0 : i32
      %add3A_489 = arith.addi %mul3A_487, %add3A_488 : i32
      %get3A_490 = arith.index_cast %add3A_489 : i32 to index
      %get3A_491 = tpu.vector_load %arg11[%get3A_490] {strides = array<i32>} : memref<5216xi32, #tpu.memory_space<vmem>>, vector<16xi32>,
      %get3A_492 = vector.shape_cast %get3A_491 : vector<16xi32> to vector<16xi32>
      %swap3A_493 = arith.constant 0 : index
      %swap3A_494 = tpu.vector_load %arg14[%swap3A_493] {strides = array<i32>} : memref<32xi32, #tpu.memory_space<vmem>>, vector<16xi32>,
      %swap3A_495 = vector.shape_cast %swap3A_494 : vector<16xi32> to vector<16xi32>
      %swap3A_496 = vector.shape_cast %get3A_492 : vector<16xi32> to vector<16xi32>
      tpu.vector_store %arg14[%swap3A_493], %swap3A_496 {strides = array<i32>} : memref<32xi32, #tpu.memory_space<vmem>>, vector<16xi32>,
      %add3A_497 = arith.constant 0 : i32
      %add3A_498 = arith.addi %add3A_497, %add3A_475 : i32
      %mul3A_499 = arith.constant 32 : i32
      %mul3A_500 = arith.muli %add3A_498, %mul3A_499 : i32
      %add3A_501 = arith.constant 16 : i32
      %add3A_502 = arith.addi %mul3A_500, %add3A_501 : i32
      %get3A_503 = arith.index_cast %add3A_502 : i32 to index
      %get3A_504 = tpu.vector_load %arg11[%get3A_503] {strides = array<i32>} : memref<5216xi32, #tpu.memory_space<vmem>>, vector<16xi32>,
      %get3A_505 = vector.shape_cast %get3A_504 : vector<16xi32> to vector<16xi32>
      %swap3A_506 = arith.constant 16 : index
      %swap3A_507 = tpu.vector_load %arg14[%swap3A_506] {strides = array<i32>} : memref<32xi32, #tpu.memory_space<vmem>>, vector<16xi32>,
      %swap3A_508 = vector.shape_cast %swap3A_507 : vector<16xi32> to vector<16xi32>
      %swap3A_509 = vector.shape_cast %get3A_505 : vector<16xi32> to vector<16xi32>
      tpu.vector_store %arg14[%swap3A_506], %swap3A_509 {strides = array<i32>} : memref<32xi32, #tpu.memory_space<vmem>>, vector<16xi32>,
      %dma_start3A_510 = arith.constant 0 : i32
      %dma_start3A_511 = arith.constant 0 : i32
      %dma_start3A_512 = tpu.memref_slice %arg9[%dma_start3A_510, %dma_start3A_511] : memref<10240x128xf32, #tpu.memory_space<vmem_shared>> -> memref<10240x128xf32, #tpu.memory_space<vmem_shared>>
      tpu.enqueue_indirect_dma source(%arg20 : memref<32x128xf32, #tpu.memory_space<vmem>>) target(%dma_start3A_512 : memref<10240x128xf32, #tpu.memory_space<vmem_shared>>) offsets(%arg14 : memref<32xi32, #tpu.memory_space<vmem>>) semaphore(%arg32 : memref<!tpu.dma_semaphore, #tpu.memory_space<semaphore_mem>>) {add = true}
      %dma_wait3A_513 = arith.constant 0 : i32
      %dma_wait3A_514 = arith.constant 0 : i32
      %dma_wait3A_515 = tpu.memref_slice %arg9[%dma_wait3A_513, %dma_wait3A_514] : memref<10240x128xf32, #tpu.memory_space<vmem_shared>> -> memref<10240x128xf32, #tpu.memory_space<vmem_shared>>
      tpu.wait_indirect_dma semaphore(%arg30 : memref<!tpu.dma_semaphore, #tpu.memory_space<semaphore_mem>>) src(%arg18 : memref<32x128xf32, #tpu.memory_space<vmem>>) dst(%dma_wait3A_515 : memref<10240x128xf32, #tpu.memory_space<vmem_shared>>)
      %add3A_516 = arith.constant 1 : i32
      %add3A_517 = arith.addi %add3A_475, %add3A_516 : i32
      %add3A_518 = arith.constant 0 : i32
      %add3A_519 = arith.addi %add3A_518, %add3A_517 : i32
      %mul3A_520 = arith.constant 32 : i32
      %mul3A_521 = arith.muli %add3A_519, %mul3A_520 : i32
      %dma_start3A_522 = tpu.memref_slice %arg10[%mul3A_521] : memref<5216xi32, #tpu.memory_space<vmem>> -> memref<32xi32, #tpu.memory_space<vmem>>
      %dma_start3A_523 = arith.constant 0 : i32
      %dma_start3A_524 = arith.constant 0 : i32
      %dma_start3A_525 = tpu.memref_slice %arg2[%dma_start3A_523, %dma_start3A_524] : memref<10000x128xf32, #tpu.memory_space<hbm>> -> memref<10000x128xf32, #tpu.memory_space<hbm>>
      tpu.enqueue_indirect_dma source(%dma_start3A_525 : memref<10000x128xf32, #tpu.memory_space<hbm>>) target(%arg18 : memref<32x128xf32, #tpu.memory_space<vmem>>) offsets(%dma_start3A_522 : memref<32xi32, #tpu.memory_space<vmem>>) semaphore(%arg24 : memref<!tpu.dma_semaphore, #tpu.memory_space<semaphore_mem>>)
      %add3A_526 = arith.constant 81 : i32
      %add3A_527 = arith.addi %add3A_526, %add3A_475 : i32
      %mul3A_528 = arith.constant 32 : i32
      %mul3A_529 = arith.muli %add3A_527, %mul3A_528 : i32
      %dma_wait3A_530 = tpu.memref_slice %arg10[%mul3A_529] : memref<5216xi32, #tpu.memory_space<vmem>> -> memref<32xi32, #tpu.memory_space<vmem>>
      %dma_wait3A_531 = arith.constant 0 : i32
      %dma_wait3A_532 = arith.constant 0 : i32
      %dma_wait3A_533 = tpu.memref_slice %arg2[%dma_wait3A_531, %dma_wait3A_532] : memref<10000x128xf32, #tpu.memory_space<hbm>> -> memref<10000x128xf32, #tpu.memory_space<hbm>>
      tpu.wait_indirect_dma semaphore(%arg29 : memref<!tpu.dma_semaphore, #tpu.memory_space<semaphore_mem>>) src(%dma_wait3A_533 : memref<10000x128xf32, #tpu.memory_space<hbm>>) dst(%arg23 : memref<32x128xf32, #tpu.memory_space<vmem>>)
      %add3A_534 = arith.constant 81 : i32
      %add3A_535 = arith.addi %add3A_534, %add3A_475 : i32
      %mul3A_536 = arith.constant 32 : i32
      %mul3A_537 = arith.muli %add3A_535, %mul3A_536 : i32
      %add3A_538 = arith.constant 0 : i32
      %add3A_539 = arith.addi %mul3A_537, %add3A_538 : i32
      %get3A_540 = arith.index_cast %add3A_539 : i32 to index
      %get3A_541 = tpu.vector_load %arg11[%get3A_540] {strides = array<i32>} : memref<5216xi32, #tpu.memory_space<vmem>>, vector<16xi32>,
      %get3A_542 = vector.shape_cast %get3A_541 : vector<16xi32> to vector<16xi32>
      %swap3A_543 = arith.constant 0 : index
      %swap3A_544 = tpu.vector_load %arg17[%swap3A_543] {strides = array<i32>} : memref<32xi32, #tpu.memory_space<vmem>>, vector<16xi32>,
      %swap3A_545 = vector.shape_cast %swap3A_544 : vector<16xi32> to vector<16xi32>
      %swap3A_546 = vector.shape_cast %get3A_542 : vector<16xi32> to vector<16xi32>
      tpu.vector_store %arg17[%swap3A_543], %swap3A_546 {strides = array<i32>} : memref<32xi32, #tpu.memory_space<vmem>>, vector<16xi32>,
      %add3A_547 = arith.constant 81 : i32
      %add3A_548 = arith.addi %add3A_547, %add3A_475 : i32
      %mul3A_549 = arith.constant 32 : i32
      %mul3A_550 = arith.muli %add3A_548, %mul3A_549 : i32
      %add3A_551 = arith.constant 16 : i32
      %add3A_552 = arith.addi %mul3A_550, %add3A_551 : i32
      %get3A_553 = arith.index_cast %add3A_552 : i32 to index
      %get3A_554 = tpu.vector_load %arg11[%get3A_553] {strides = array<i32>} : memref<5216xi32, #tpu.memory_space<vmem>>, vector<16xi32>,
      %get3A_555 = vector.shape_cast %get3A_554 : vector<16xi32> to vector<16xi32>
      %swap3A_556 = arith.constant 16 : index
      %swap3A_557 = tpu.vector_load %arg17[%swap3A_556] {strides = array<i32>} : memref<32xi32, #tpu.memory_space<vmem>>, vector<16xi32>,
      %swap3A_558 = vector.shape_cast %swap3A_557 : vector<16xi32> to vector<16xi32>
      %swap3A_559 = vector.shape_cast %get3A_555 : vector<16xi32> to vector<16xi32>
      tpu.vector_store %arg17[%swap3A_556], %swap3A_559 {strides = array<i32>} : memref<32xi32, #tpu.memory_space<vmem>>, vector<16xi32>,
      %dma_start3A_560 = arith.constant 0 : i32
      %dma_start3A_561 = arith.constant 0 : i32
      %dma_start3A_562 = tpu.memref_slice %arg9[%dma_start3A_560, %dma_start3A_561] : memref<10240x128xf32, #tpu.memory_space<vmem_shared>> -> memref<10240x128xf32, #tpu.memory_space<vmem_shared>>
      tpu.enqueue_indirect_dma source(%arg23 : memref<32x128xf32, #tpu.memory_space<vmem>>) target(%dma_start3A_562 : memref<10240x128xf32, #tpu.memory_space<vmem_shared>>) offsets(%arg17 : memref<32xi32, #tpu.memory_space<vmem>>) semaphore(%arg35 : memref<!tpu.dma_semaphore, #tpu.memory_space<semaphore_mem>>) {add = true}
      %dma_wait3A_563 = arith.constant 0 : i32
      %dma_wait3A_564 = arith.constant 0 : i32
      %dma_wait3A_565 = tpu.memref_slice %arg9[%dma_wait3A_563, %dma_wait3A_564] : memref<10240x128xf32, #tpu.memory_space<vmem_shared>> -> memref<10240x128xf32, #tpu.memory_space<vmem_shared>>
      tpu.wait_indirect_dma semaphore(%arg33 : memref<!tpu.dma_semaphore, #tpu.memory_space<semaphore_mem>>) src(%arg21 : memref<32x128xf32, #tpu.memory_space<vmem>>) dst(%dma_wait3A_565 : memref<10240x128xf32, #tpu.memory_space<vmem_shared>>)
      %add3A_566 = arith.constant 1 : i32
      %add3A_567 = arith.addi %add3A_475, %add3A_566 : i32
      %add3A_568 = arith.constant 81 : i32
      %add3A_569 = arith.addi %add3A_568, %add3A_567 : i32
      %mul3A_570 = arith.constant 32 : i32
      %mul3A_571 = arith.muli %add3A_569, %mul3A_570 : i32
      %dma_start3A_572 = tpu.memref_slice %arg10[%mul3A_571] : memref<5216xi32, #tpu.memory_space<vmem>> -> memref<32xi32, #tpu.memory_space<vmem>>
      %dma_start3A_573 = arith.constant 0 : i32
      %dma_start3A_574 = arith.constant 0 : i32
      %dma_start3A_575 = tpu.memref_slice %arg2[%dma_start3A_573, %dma_start3A_574] : memref<10000x128xf32, #tpu.memory_space<hbm>> -> memref<10000x128xf32, #tpu.memory_space<hbm>>
      tpu.enqueue_indirect_dma source(%dma_start3A_575 : memref<10000x128xf32, #tpu.memory_space<hbm>>) target(%arg21 : memref<32x128xf32, #tpu.memory_space<vmem>>) offsets(%dma_start3A_572 : memref<32xi32, #tpu.memory_space<vmem>>) semaphore(%arg27 : memref<!tpu.dma_semaphore, #tpu.memory_space<semaphore_mem>>)
      %scan3A_576 = arith.constant 0 : i32
      scf.yield %scan3A_576 : i32
    }
    %scan3A_208 = arith.constant 26 : i32
    %dma_wait3A_209 = arith.constant 0 : i32
    %dma_wait3A_210 = arith.constant 0 : i32
    %dma_wait3A_211 = tpu.memref_slice %arg9[%dma_wait3A_209, %dma_wait3A_210] : memref<10240x128xf32, #tpu.memory_space<vmem_shared>> -> memref<10240x128xf32, #tpu.memory_space<vmem_shared>>
    tpu.wait_indirect_dma semaphore(%arg31 : memref<!tpu.dma_semaphore, #tpu.memory_space<semaphore_mem>>) src(%arg19 : memref<32x128xf32, #tpu.memory_space<vmem>>) dst(%dma_wait3A_211 : memref<10240x128xf32, #tpu.memory_space<vmem_shared>>)
    %dma_wait3A_212 = arith.constant 0 : i32
    %dma_wait3A_213 = arith.constant 0 : i32
    %dma_wait3A_214 = tpu.memref_slice %arg9[%dma_wait3A_212, %dma_wait3A_213] : memref<10240x128xf32, #tpu.memory_space<vmem_shared>> -> memref<10240x128xf32, #tpu.memory_space<vmem_shared>>
    tpu.wait_indirect_dma semaphore(%arg32 : memref<!tpu.dma_semaphore, #tpu.memory_space<semaphore_mem>>) src(%arg20 : memref<32x128xf32, #tpu.memory_space<vmem>>) dst(%dma_wait3A_214 : memref<10240x128xf32, #tpu.memory_space<vmem_shared>>)
    %dma_wait3A_215 = arith.constant 2592 : i32
    %dma_wait3A_216 = tpu.memref_slice %arg10[%dma_wait3A_215] : memref<5216xi32, #tpu.memory_space<vmem>> -> memref<32xi32, #tpu.memory_space<vmem>>
    %dma_wait3A_217 = arith.constant 0 : i32
    %dma_wait3A_218 = arith.constant 0 : i32
    %dma_wait3A_219 = tpu.memref_slice %arg2[%dma_wait3A_217, %dma_wait3A_218] : memref<10000x128xf32, #tpu.memory_space<hbm>> -> memref<10000x128xf32, #tpu.memory_space<hbm>>
    tpu.wait_indirect_dma semaphore(%arg24 : memref<!tpu.dma_semaphore, #tpu.memory_space<semaphore_mem>>) src(%dma_wait3A_219 : memref<10000x128xf32, #tpu.memory_space<hbm>>) dst(%arg18 : memref<32x128xf32, #tpu.memory_space<vmem>>)
    %dma_wait3A_220 = arith.constant 0 : i32
    %dma_wait3A_221 = arith.constant 0 : i32
    %dma_wait3A_222 = tpu.memref_slice %arg9[%dma_wait3A_220, %dma_wait3A_221] : memref<10240x128xf32, #tpu.memory_space<vmem_shared>> -> memref<10240x128xf32, #tpu.memory_space<vmem_shared>>
    tpu.wait_indirect_dma semaphore(%arg34 : memref<!tpu.dma_semaphore, #tpu.memory_space<semaphore_mem>>) src(%arg22 : memref<32x128xf32, #tpu.memory_space<vmem>>) dst(%dma_wait3A_222 : memref<10240x128xf32, #tpu.memory_space<vmem_shared>>)
    %dma_wait3A_223 = arith.constant 0 : i32
    %dma_wait3A_224 = arith.constant 0 : i32
    %dma_wait3A_225 = tpu.memref_slice %arg9[%dma_wait3A_223, %dma_wait3A_224] : memref<10240x128xf32, #tpu.memory_space<vmem_shared>> -> memref<10240x128xf32, #tpu.memory_space<vmem_shared>>
    tpu.wait_indirect_dma semaphore(%arg35 : memref<!tpu.dma_semaphore, #tpu.memory_space<semaphore_mem>>) src(%arg23 : memref<32x128xf32, #tpu.memory_space<vmem>>) dst(%dma_wait3A_225 : memref<10240x128xf32, #tpu.memory_space<vmem_shared>>)
    %dma_wait3A_226 = arith.constant 5184 : i32
    %dma_wait3A_227 = tpu.memref_slice %arg10[%dma_wait3A_226] : memref<5216xi32, #tpu.memory_space<vmem>> -> memref<32xi32, #tpu.memory_space<vmem>>
    %dma_wait3A_228 = arith.constant 0 : i32
    %dma_wait3A_229 = arith.constant 0 : i32
    %dma_wait3A_230 = tpu.memref_slice %arg2[%dma_wait3A_228, %dma_wait3A_229] : memref<10000x128xf32, #tpu.memory_space<hbm>> -> memref<10000x128xf32, #tpu.memory_space<hbm>>
    tpu.wait_indirect_dma semaphore(%arg27 : memref<!tpu.dma_semaphore, #tpu.memory_space<semaphore_mem>>) src(%dma_wait3A_230 : memref<10000x128xf32, #tpu.memory_space<hbm>>) dst(%arg21 : memref<32x128xf32, #tpu.memory_space<vmem>>)
    %barrier3A_231 = arith.constant 0 : index
    tpu.barrier barrier_id(%barrier3A_231)
    %eq3A_232 = arith.constant 0 : i32
    %eq3A_233 = arith.cmpi eq, %arg0, %eq3A_232 : i32
    %lt3A = arith.constant 15 : i32
    %lt3A_234 = arith.cmpi slt, %arg1, %lt3A : i32
    %and3A = arith.andi %eq3A_233, %lt3A_234 : i1
    %convert_element_type3A_235 = arith.extui %and3A : i1 to i32
    %cond3A_236 = arith.constant 0 : i32
    %cond3A_237 = arith.cmpi ne, %convert_element_type3A_235, %cond3A_236 : i32
    scf.if %cond3A_237 {
      %mul3A_262 = arith.constant 640 : i32
      %mul3A_263 = arith.muli %arg1, %mul3A_262 : i32
      %multiple_of3A_264 = tpu.assume_multiple %mul3A_263, 8 : i32
      %mul3A_265 = arith.constant 640 : i32
      %mul3A_266 = arith.muli %arg1, %mul3A_265 : i32
      %multiple_of3A_267 = tpu.assume_multiple %mul3A_266, 8 : i32
      "tpu.region"() ({
        %run_scoped3A = tpu.sem_alloc : memref<!tpu.dma_semaphore, #tpu.memory_space<semaphore_mem>>
        %dma_start3A_268 = arith.constant 0 : i32
        %dma_start3A_269 = tpu.memref_slice %arg7[%multiple_of3A_267, %dma_start3A_268] : memref<10000x128xf32, #tpu.memory_space<hbm>> -> memref<640x128xf32, #tpu.memory_space<hbm>>
        %dma_start3A_270 = arith.constant 0 : i32
        %dma_start3A_271 = tpu.memref_slice %arg9[%multiple_of3A_264, %dma_start3A_270] : memref<10240x128xf32, #tpu.memory_space<vmem_shared>> -> memref<640x128xf32, #tpu.memory_space<vmem_shared>>
        tpu.enqueue_dma source(%dma_start3A_271 : memref<640x128xf32, #tpu.memory_space<vmem_shared>>) target(%dma_start3A_269 : memref<640x128xf32, #tpu.memory_space<hbm>>) target_semaphore(%run_scoped3A : memref<!tpu.dma_semaphore, #tpu.memory_space<semaphore_mem>>)
        %dma_wait3A_272 = arith.constant 0 : i32
        %dma_wait3A_273 = tpu.memref_slice %arg7[%multiple_of3A_267, %dma_wait3A_272] : memref<10000x128xf32, #tpu.memory_space<hbm>> -> memref<640x128xf32, #tpu.memory_space<hbm>>
        %dma_wait3A_274 = arith.constant 0 : i32
        %dma_wait3A_275 = tpu.memref_slice %arg9[%multiple_of3A_264, %dma_wait3A_274] : memref<10240x128xf32, #tpu.memory_space<vmem_shared>> -> memref<640x128xf32, #tpu.memory_space<vmem_shared>>
        tpu.wait_dma2 semaphore(%run_scoped3A : memref<!tpu.dma_semaphore, #tpu.memory_space<semaphore_mem>>) src(%dma_wait3A_275 : memref<640x128xf32, #tpu.memory_space<vmem_shared>>) dst(%dma_wait3A_273 : memref<640x128xf32, #tpu.memory_space<hbm>>)
        tpu.yield
      }) : () -> ()
    } else {
    }
    %eq3A_238 = arith.constant 0 : i32
    %eq3A_239 = arith.cmpi eq, %arg0, %eq3A_238 : i32
    %eq3A_240 = arith.constant 15 : i32
    %eq3A_241 = arith.cmpi eq, %arg1, %eq3A_240 : i32
    %and3A_242 = arith.andi %eq3A_239, %eq3A_241 : i1
    %convert_element_type3A_243 = arith.extui %and3A_242 : i1 to i32
    %cond3A_244 = arith.constant 0 : i32
    %cond3A_245 = arith.cmpi ne, %convert_element_type3A_243, %cond3A_244 : i32
    scf.if %cond3A_245 {
      "tpu.region"() ({
        %run_scoped3A = tpu.sem_alloc : memref<!tpu.dma_semaphore, #tpu.memory_space<semaphore_mem>>
        %dma_start3A_262 = arith.constant 9600 : i32
        %dma_start3A_263 = arith.constant 0 : i32
        %dma_start3A_264 = tpu.memref_slice %arg7[%dma_start3A_262, %dma_start3A_263] : memref<10000x128xf32, #tpu.memory_space<hbm>> -> memref<400x128xf32, #tpu.memory_space<hbm>>
        %dma_start3A_265 = arith.constant 9600 : i32
        %dma_start3A_266 = arith.constant 0 : i32
        %dma_start3A_267 = tpu.memref_slice %arg9[%dma_start3A_265, %dma_start3A_266] : memref<10240x128xf32, #tpu.memory_space<vmem_shared>> -> memref<400x128xf32, #tpu.memory_space<vmem_shared>>
        tpu.enqueue_dma source(%dma_start3A_267 : memref<400x128xf32, #tpu.memory_space<vmem_shared>>) target(%dma_start3A_264 : memref<400x128xf32, #tpu.memory_space<hbm>>) target_semaphore(%run_scoped3A : memref<!tpu.dma_semaphore, #tpu.memory_space<semaphore_mem>>)
        %dma_wait3A_268 = arith.constant 9600 : i32
        %dma_wait3A_269 = arith.constant 0 : i32
        %dma_wait3A_270 = tpu.memref_slice %arg7[%dma_wait3A_268, %dma_wait3A_269] : memref<10000x128xf32, #tpu.memory_space<hbm>> -> memref<400x128xf32, #tpu.memory_space<hbm>>
        %dma_wait3A_271 = arith.constant 9600 : i32
        %dma_wait3A_272 = arith.constant 0 : i32
        %dma_wait3A_273 = tpu.memref_slice %arg9[%dma_wait3A_271, %dma_wait3A_272] : memref<10240x128xf32, #tpu.memory_space<vmem_shared>> -> memref<400x128xf32, #tpu.memory_space<vmem_shared>>
        tpu.wait_dma2 semaphore(%run_scoped3A : memref<!tpu.dma_semaphore, #tpu.memory_space<semaphore_mem>>) src(%dma_wait3A_273 : memref<400x128xf32, #tpu.memory_space<vmem_shared>>) dst(%dma_wait3A_270 : memref<400x128xf32, #tpu.memory_space<hbm>>)
        tpu.yield
      }) : () -> ()
    } else {
    }
    %eq3A_246 = arith.constant 1 : i32
    %eq3A_247 = arith.cmpi eq, %arg0, %eq3A_246 : i32
    %lt3A_248 = arith.constant 15 : i32
    %lt3A_249 = arith.cmpi slt, %arg1, %lt3A_248 : i32
    %and3A_250 = arith.andi %eq3A_247, %lt3A_249 : i1
    %convert_element_type3A_251 = arith.extui %and3A_250 : i1 to i32
    %cond3A_252 = arith.constant 0 : i32
    %cond3A_253 = arith.cmpi ne, %convert_element_type3A_251, %cond3A_252 : i32
    scf.if %cond3A_253 {
      %mul3A_262 = arith.constant 640 : i32
      %mul3A_263 = arith.muli %arg1, %mul3A_262 : i32
      %multiple_of3A_264 = tpu.assume_multiple %mul3A_263, 8 : i32
      %mul3A_265 = arith.constant 640 : i32
      %mul3A_266 = arith.muli %arg1, %mul3A_265 : i32
      %multiple_of3A_267 = tpu.assume_multiple %mul3A_266, 8 : i32
      "tpu.region"() ({
        %run_scoped3A = tpu.sem_alloc : memref<!tpu.dma_semaphore, #tpu.memory_space<semaphore_mem>>
        %dma_start3A_268 = arith.constant 0 : i32
        %dma_start3A_269 = tpu.memref_slice %arg8[%multiple_of3A_267, %dma_start3A_268] : memref<10000x128xf32, #tpu.memory_space<hbm>> -> memref<640x128xf32, #tpu.memory_space<hbm>>
        %dma_start3A_270 = arith.constant 0 : i32
        %dma_start3A_271 = tpu.memref_slice %arg9[%multiple_of3A_264, %dma_start3A_270] : memref<10240x128xf32, #tpu.memory_space<vmem_shared>> -> memref<640x128xf32, #tpu.memory_space<vmem_shared>>
        tpu.enqueue_dma source(%dma_start3A_271 : memref<640x128xf32, #tpu.memory_space<vmem_shared>>) target(%dma_start3A_269 : memref<640x128xf32, #tpu.memory_space<hbm>>) target_semaphore(%run_scoped3A : memref<!tpu.dma_semaphore, #tpu.memory_space<semaphore_mem>>)
        %dma_wait3A_272 = arith.constant 0 : i32
        %dma_wait3A_273 = tpu.memref_slice %arg8[%multiple_of3A_267, %dma_wait3A_272] : memref<10000x128xf32, #tpu.memory_space<hbm>> -> memref<640x128xf32, #tpu.memory_space<hbm>>
        %dma_wait3A_274 = arith.constant 0 : i32
        %dma_wait3A_275 = tpu.memref_slice %arg9[%multiple_of3A_264, %dma_wait3A_274] : memref<10240x128xf32, #tpu.memory_space<vmem_shared>> -> memref<640x128xf32, #tpu.memory_space<vmem_shared>>
        tpu.wait_dma2 semaphore(%run_scoped3A : memref<!tpu.dma_semaphore, #tpu.memory_space<semaphore_mem>>) src(%dma_wait3A_275 : memref<640x128xf32, #tpu.memory_space<vmem_shared>>) dst(%dma_wait3A_273 : memref<640x128xf32, #tpu.memory_space<hbm>>)
        tpu.yield
      }) : () -> ()
    } else {
    }
    %eq3A_254 = arith.constant 1 : i32
    %eq3A_255 = arith.cmpi eq, %arg0, %eq3A_254 : i32
    %eq3A_256 = arith.constant 15 : i32
    %eq3A_257 = arith.cmpi eq, %arg1, %eq3A_256 : i32
    %and3A_258 = arith.andi %eq3A_255, %eq3A_257 : i1
    %convert_element_type3A_259 = arith.extui %and3A_258 : i1 to i32
    %cond3A_260 = arith.constant 0 : i32
    %cond3A_261 = arith.cmpi ne, %convert_element_type3A_259, %cond3A_260 : i32
    scf.if %cond3A_261 {
      "tpu.region"() ({
        %run_scoped3A = tpu.sem_alloc : memref<!tpu.dma_semaphore, #tpu.memory_space<semaphore_mem>>
        %dma_start3A_262 = arith.constant 9600 : i32
        %dma_start3A_263 = arith.constant 0 : i32
        %dma_start3A_264 = tpu.memref_slice %arg8[%dma_start3A_262, %dma_start3A_263] : memref<10000x128xf32, #tpu.memory_space<hbm>> -> memref<400x128xf32, #tpu.memory_space<hbm>>
        %dma_start3A_265 = arith.constant 9600 : i32
        %dma_start3A_266 = arith.constant 0 : i32
        %dma_start3A_267 = tpu.memref_slice %arg9[%dma_start3A_265, %dma_start3A_266] : memref<10240x128xf32, #tpu.memory_space<vmem_shared>> -> memref<400x128xf32, #tpu.memory_space<vmem_shared>>
        tpu.enqueue_dma source(%dma_start3A_267 : memref<400x128xf32, #tpu.memory_space<vmem_shared>>) target(%dma_start3A_264 : memref<400x128xf32, #tpu.memory_space<hbm>>) target_semaphore(%run_scoped3A : memref<!tpu.dma_semaphore, #tpu.memory_space<semaphore_mem>>)
        %dma_wait3A_268 = arith.constant 9600 : i32
        %dma_wait3A_269 = arith.constant 0 : i32
        %dma_wait3A_270 = tpu.memref_slice %arg8[%dma_wait3A_268, %dma_wait3A_269] : memref<10000x128xf32, #tpu.memory_space<hbm>> -> memref<400x128xf32, #tpu.memory_space<hbm>>
        %dma_wait3A_271 = arith.constant 9600 : i32
        %dma_wait3A_272 = arith.constant 0 : i32
        %dma_wait3A_273 = tpu.memref_slice %arg9[%dma_wait3A_271, %dma_wait3A_272] : memref<10240x128xf32, #tpu.memory_space<vmem_shared>> -> memref<400x128xf32, #tpu.memory_space<vmem_shared>>
        tpu.wait_dma2 semaphore(%run_scoped3A : memref<!tpu.dma_semaphore, #tpu.memory_space<semaphore_mem>>) src(%dma_wait3A_273 : memref<400x128xf32, #tpu.memory_space<vmem_shared>>) dst(%dma_wait3A_270 : memref<400x128xf32, #tpu.memory_space<hbm>>)
        tpu.yield
      }) : () -> ()
    } else {
    }
    return
  }
}

module attributes {stable_mosaic.version = 14 : i64} {
  func.func @_mm1_body(%arg0: i32, %arg1: memref<1000x256xf32, #tpu.memory_space<vmem>>, %arg2: memref<256x256xf32, #tpu.memory_space<vmem>>, %arg3: memref<1000x128xf32, #tpu.memory_space<vmem>>, %arg4: memref<1000x128xf32, #tpu.memory_space<vmem>>) attributes {dimension_semantics = [#tpu.dimension_semantics<arbitrary>], iteration_bounds = array<i64: 10>, scalar_prefetch = 0 : i64, scratch_operands = 0 : i64, tpu.core_type = #tpu.core_type<tc>, window_params = [{transform_indices = @transform_0, window_bounds = array<i64: 1000, 256>}, {pipeline_mode = #tpu.pipeline_mode<synchronous>, transform_indices = @transform_1, window_bounds = array<i64: 256, 256>}, {transform_indices = @transform_2, window_bounds = array<i64: 1000, 128>}, {transform_indices = @transform_3, window_bounds = array<i64: 1000, 128>}]} {
    %get3A = arith.constant 0 : index
    %get3A_0 = arith.constant 0 : index
    %get3A_1 = vector.load %arg1[%get3A, %get3A_0] : memref<1000x256xf32, #tpu.memory_space<vmem>>, vector<1000x256xf32>
    %get3A_2 = arith.constant 0 : index
    %get3A_3 = arith.constant 0 : index
    %get3A_4 = vector.load %arg2[%get3A_2, %get3A_3] : memref<256x256xf32, #tpu.memory_space<vmem>>, vector<256x256xf32>
    %dot_general3A = arith.constant dense<0.000000e+00> : vector<1000x256xf32>
    %dot_general3A_5 = tpu.matmul %get3A_1, %get3A_4, %dot_general3A {dimension_numbers = #tpu.dot_dimension_numbers<[1], [0], [0], [1], [0, 0, 1, 1], [], []>, transpose_lhs_hint = false} : vector<1000x256xf32>, vector<256x256xf32>, vector<1000x256xf32> -> vector<1000x256xf32>
    %slice3A = vector.extract_strided_slice %dot_general3A_5 {offsets = [0, 0], sizes = [1000, 128], strides = [1, 1]} : vector<1000x256xf32> to vector<1000x128xf32>
    %swap3A = arith.constant 0 : index
    %swap3A_6 = arith.constant 0 : index
    %swap3A_7 = vector.load %arg3[%swap3A, %swap3A_6] : memref<1000x128xf32, #tpu.memory_space<vmem>>, vector<1000x128xf32>
    tpu.vector_store %arg3[%swap3A, %swap3A_6], %slice3A {strides = array<i32>} : memref<1000x128xf32, #tpu.memory_space<vmem>>, vector<1000x128xf32>,
    %slice3A_8 = vector.extract_strided_slice %dot_general3A_5 {offsets = [0, 128], sizes = [1000, 128], strides = [1, 1]} : vector<1000x256xf32> to vector<1000x128xf32>
    %swap3A_9 = arith.constant 0 : index
    %swap3A_10 = arith.constant 0 : index
    %swap3A_11 = vector.load %arg4[%swap3A_9, %swap3A_10] : memref<1000x128xf32, #tpu.memory_space<vmem>>, vector<1000x128xf32>
    tpu.vector_store %arg4[%swap3A_9, %swap3A_10], %slice3A_8 {strides = array<i32>} : memref<1000x128xf32, #tpu.memory_space<vmem>>, vector<1000x128xf32>,
    return
  }
  func.func @transform_0(%arg0: i32) -> (i32, i32) {
    %c0_i32 = arith.constant 0 : i32
    %c0_i32_0 = arith.constant 0 : i32
    return %arg0, %c0_i32 : i32, i32
  }
  func.func @transform_1(%arg0: i32) -> (i32, i32) {
    %c0_i32 = arith.constant 0 : i32
    %c0_i32_0 = arith.constant 0 : i32
    %c0_i32_1 = arith.constant 0 : i32
    return %c0_i32, %c0_i32_0 : i32, i32
  }
  func.func @transform_2(%arg0: i32) -> (i32, i32) {
    %c0_i32 = arith.constant 0 : i32
    %c0_i32_0 = arith.constant 0 : i32
    return %arg0, %c0_i32 : i32, i32
  }
  func.func @transform_3(%arg0: i32) -> (i32, i32) {
    %c0_i32 = arith.constant 0 : i32
    %c0_i32_0 = arith.constant 0 : i32
    return %arg0, %c0_i32 : i32, i32
  }
}

module attributes {stable_mosaic.version = 14 : i64} {
  func.func @_relu_mm2_body(%arg0: i32, %arg1: memref<1000x128xf32, #tpu.memory_space<vmem>>, %arg2: memref<1000x128xf32, #tpu.memory_space<vmem>>, %arg3: memref<256x128xf32, #tpu.memory_space<vmem>>, %arg4: memref<1000x128xf32, #tpu.memory_space<vmem>>) attributes {dimension_semantics = [#tpu.dimension_semantics<arbitrary>], iteration_bounds = array<i64: 10>, scalar_prefetch = 0 : i64, scratch_operands = 0 : i64, tpu.core_type = #tpu.core_type<tc>, window_params = [{transform_indices = @transform_0, window_bounds = array<i64: 1000, 128>}, {transform_indices = @transform_1, window_bounds = array<i64: 1000, 128>}, {pipeline_mode = #tpu.pipeline_mode<synchronous>, transform_indices = @transform_2, window_bounds = array<i64: 256, 128>}, {transform_indices = @transform_3, window_bounds = array<i64: 1000, 128>}]} {
    %get3A = arith.constant 0 : index
    %get3A_0 = arith.constant 0 : index
    %get3A_1 = vector.load %arg1[%get3A, %get3A_0] : memref<1000x128xf32, #tpu.memory_space<vmem>>, vector<1000x128xf32>
    %max3A = arith.constant 0.000000e+00 : f32
    %max3A_2 = vector.broadcast %max3A : f32 to vector<1000x128xf32>
    %max3A_3 = arith.maximumf %get3A_1, %max3A_2 : vector<1000x128xf32>
    %get3A_4 = arith.constant 0 : index
    %get3A_5 = arith.constant 0 : index
    %get3A_6 = vector.load %arg2[%get3A_4, %get3A_5] : memref<1000x128xf32, #tpu.memory_space<vmem>>, vector<1000x128xf32>
    %max3A_7 = arith.constant 0.000000e+00 : f32
    %max3A_8 = vector.broadcast %max3A_7 : f32 to vector<1000x128xf32>
    %max3A_9 = arith.maximumf %get3A_6, %max3A_8 : vector<1000x128xf32>
    %get3A_10 = arith.constant 0 : index
    %get3A_11 = arith.constant 0 : index
    %get3A_12 = vector.load %arg3[%get3A_10, %get3A_11] : memref<256x128xf32, #tpu.memory_space<vmem>>, vector<128x128xf32>
    %dot_general3A = arith.constant dense<0.000000e+00> : vector<1000x128xf32>
    %dot_general3A_13 = tpu.matmul %max3A_3, %get3A_12, %dot_general3A {dimension_numbers = #tpu.dot_dimension_numbers<[1], [0], [0], [1], [0, 0, 1, 1], [], []>, transpose_lhs_hint = false} : vector<1000x128xf32>, vector<128x128xf32>, vector<1000x128xf32> -> vector<1000x128xf32>
    %get3A_14 = arith.constant 128 : index
    %get3A_15 = arith.constant 0 : index
    %get3A_16 = vector.load %arg3[%get3A_14, %get3A_15] : memref<256x128xf32, #tpu.memory_space<vmem>>, vector<128x128xf32>
    %dot_general3A_17 = arith.constant dense<0.000000e+00> : vector<1000x128xf32>
    %dot_general3A_18 = tpu.matmul %max3A_9, %get3A_16, %dot_general3A_17 {dimension_numbers = #tpu.dot_dimension_numbers<[1], [0], [0], [1], [0, 0, 1, 1], [], []>, transpose_lhs_hint = false} : vector<1000x128xf32>, vector<128x128xf32>, vector<1000x128xf32> -> vector<1000x128xf32>
    %add3A = arith.addf %dot_general3A_13, %dot_general3A_18 : vector<1000x128xf32>
    %swap3A = arith.constant 0 : index
    %swap3A_19 = arith.constant 0 : index
    %swap3A_20 = vector.load %arg4[%swap3A, %swap3A_19] : memref<1000x128xf32, #tpu.memory_space<vmem>>, vector<1000x128xf32>
    tpu.vector_store %arg4[%swap3A, %swap3A_19], %add3A {strides = array<i32>} : memref<1000x128xf32, #tpu.memory_space<vmem>>, vector<1000x128xf32>,
    return
  }
  func.func @transform_0(%arg0: i32) -> (i32, i32) {
    %c0_i32 = arith.constant 0 : i32
    %c0_i32_0 = arith.constant 0 : i32
    return %arg0, %c0_i32 : i32, i32
  }
  func.func @transform_1(%arg0: i32) -> (i32, i32) {
    %c0_i32 = arith.constant 0 : i32
    %c0_i32_0 = arith.constant 0 : i32
    return %arg0, %c0_i32 : i32, i32
  }
  func.func @transform_2(%arg0: i32) -> (i32, i32) {
    %c0_i32 = arith.constant 0 : i32
    %c0_i32_0 = arith.constant 0 : i32
    %c0_i32_1 = arith.constant 0 : i32
    return %c0_i32, %c0_i32_0 : i32, i32
  }
  func.func @transform_3(%arg0: i32) -> (i32, i32) {
    %c0_i32 = arith.constant 0 : i32
    %c0_i32_0 = arith.constant 0 : i32
    return %arg0, %c0_i32 : i32, i32
  }
}

module attributes {stable_mosaic.version = 14 : i64} {
  func.func @_log_softmax_body(%arg0: i32, %arg1: memref<1000x128xf32, #tpu.memory_space<vmem>>, %arg2: memref<1000x128xf32, #tpu.memory_space<vmem>>, %arg3: memref<1000x128xf32, #tpu.memory_space<vmem>>) attributes {dimension_semantics = [#tpu.dimension_semantics<arbitrary>], iteration_bounds = array<i64: 10>, scalar_prefetch = 0 : i64, scratch_operands = 0 : i64, tpu.core_type = #tpu.core_type<tc>, window_params = [{transform_indices = @transform_0, window_bounds = array<i64: 1000, 128>}, {transform_indices = @transform_1, window_bounds = array<i64: 1000, 128>}, {transform_indices = @transform_2, window_bounds = array<i64: 1000, 128>}]} {
    %get3A = arith.constant 0 : index
    %get3A_0 = arith.constant 0 : index
    %get3A_1 = vector.load %arg1[%get3A, %get3A_0] : memref<1000x128xf32, #tpu.memory_space<vmem>>, vector<1000x128xf32>
    %get3A_2 = arith.constant 0 : index
    %get3A_3 = arith.constant 0 : index
    %get3A_4 = vector.load %arg2[%get3A_2, %get3A_3] : memref<1000x128xf32, #tpu.memory_space<vmem>>, vector<1000x128xf32>
    %add3A = arith.addf %get3A_1, %get3A_4 : vector<1000x128xf32>
    %iota3A = tpu.iota {dimensions = array<i32: 1>} : vector<1000x128xi32>
    %lt3A = arith.constant 40 : i32
    %lt3A_5 = vector.broadcast %lt3A : i32 to vector<1000x128xi32>
    %lt3A_6 = arith.cmpi slt, %iota3A, %lt3A_5 : vector<1000x128xi32>
    %jit3A = arith.constant 0xFF800000 : f32
    %broadcast_in_dim3A = vector.broadcast %jit3A : f32 to vector<1000x128xf32>
    %select_n3A = arith.select %lt3A_6, %add3A, %broadcast_in_dim3A : vector<1000x128xi1>, vector<1000x128xf32>
    %reduce_max3A = arith.constant dense<0xFF800000> : vector<1000xf32>
    %reduce_max3A_7 = vector.multi_reduction <maximumf>, %select_n3A, %reduce_max3A [1] : vector<1000x128xf32> to vector<1000xf32>
    %broadcast_in_dim3A_8 = vector.shape_cast %reduce_max3A_7 : vector<1000xf32> to vector<1000x1xf32>
    %sub3A = vector.broadcast %broadcast_in_dim3A_8 : vector<1000x1xf32> to vector<1000x128xf32>
    %sub3A_9 = arith.subf %select_n3A, %sub3A : vector<1000x128xf32>
    %exp3A = math.exp %sub3A_9 : vector<1000x128xf32>
    %reduce_sum3A = arith.constant dense<0.000000e+00> : vector<1000xf32>
    %reduce_sum3A_10 = vector.multi_reduction <add>, %exp3A, %reduce_sum3A [1] : vector<1000x128xf32> to vector<1000xf32>
    %broadcast_in_dim3A_11 = vector.shape_cast %reduce_sum3A_10 : vector<1000xf32> to vector<1000x1xf32>
    %log3A = math.log %broadcast_in_dim3A_11 : vector<1000x1xf32>
    %add3A_12 = arith.addf %log3A, %broadcast_in_dim3A_8 : vector<1000x1xf32>
    %sub3A_13 = vector.broadcast %add3A_12 : vector<1000x1xf32> to vector<1000x128xf32>
    %sub3A_14 = arith.subf %add3A, %sub3A_13 : vector<1000x128xf32>
    %swap3A = arith.constant 0 : index
    %swap3A_15 = arith.constant 0 : index
    %swap3A_16 = vector.load %arg3[%swap3A, %swap3A_15] : memref<1000x128xf32, #tpu.memory_space<vmem>>, vector<1000x128xf32>
    tpu.vector_store %arg3[%swap3A, %swap3A_15], %sub3A_14 {strides = array<i32>} : memref<1000x128xf32, #tpu.memory_space<vmem>>, vector<1000x128xf32>,
    return
  }
  func.func @transform_0(%arg0: i32) -> (i32, i32) {
    %c0_i32 = arith.constant 0 : i32
    %c0_i32_0 = arith.constant 0 : i32
    return %arg0, %c0_i32 : i32, i32
  }
  func.func @transform_1(%arg0: i32) -> (i32, i32) {
    %c0_i32 = arith.constant 0 : i32
    %c0_i32_0 = arith.constant 0 : i32
    return %arg0, %c0_i32 : i32, i32
  }
  func.func @transform_2(%arg0: i32) -> (i32, i32) {
    %c0_i32 = arith.constant 0 : i32
    %c0_i32_0 = arith.constant 0 : i32
    return %arg0, %c0_i32 : i32, i32
  }
}

</mosaic_0001>

<sc_bundles>
// kernel: kernel.10.cloned.1.call-start
scs
__scs_entry_jumppad:
0x0: {  	(pc) =	sbr.rel $0x88, $3  }
0x1: {  	(tag) =	ssettag $0x0;
	lr =	simm.s32 $0x1  }
0x2: {  	[smem:$0x3F9B] =	sst lr;
	_ =	strace $0xD0000000  }
0x3: {  	_ = 	snop  }
0x4: {  	_ = 	snop  }
0x5: {  	_ = 	snop  }
0x6: {  	_ = 	snop  }
0x7: {  	_ = 	snop  }
__scs_overlays_trampoline_lowered:
0x8: {  	[smem:$0x3FAA] =	sst s0  }
0x9: {  	[smem:$0x3FAB] =	sst s1  }
0xa: {  	[smem:$0x3FAC] =	sst s2  }
0xb: {  	[smem:$0x3FAD] =	sst s3  }
0xc: {  	[smem:$0x3FAE] =	sst s4  }
0xd: {  	[smem:$0x3FAF] =	sst s5  }
0xe: {  	[smem:$0x3FB0] =	sst s6  }
0xf: {  	[smem:$0x3FB1] =	sst s7  }
0x10: {  	[smem:$0x3FB2] =	sst s8  }
0x11: {  	[smem:$0x3FB3] =	sst s9;
	s0 =	simm.s32 @!p0 $0x0  }
0x12: {  	s1 =	sld [smem:$0x3F99];
	s0 =	simm.s32 @p0 $0x1  }
0x13: {  	[smem:$0x3FB4] =	sst s0;
	s0 =	simm.s32 @!p1 $0x0  }
0x14: {  	s2 =	sld [smem:$0x3F98];
	s0 =	simm.s32 @p1 $0x1  }
0x15: {  	[smem:$0x3FB5] =	sst s0;
	s0 =	simm.s32 @!p2 $0x0  }
0x16: {  	s3 =	sld [smem:$0x3FDB];
	s0 =	simm.s32 @p2 $0x1  }
0x17: {  	s4 =	simm.s32 $0x1BF5;
	[smem:$0x3FB7] =	sst s0  }
0x18: {  	s0 =	sld [smem:$0x3F9A];
	_ =	swait.ge [sflag:s4], $0x0  }
0x19: {  	s7 =	sld [smem:$0x3F9B]  }
0x1a: {  	s8 =	sadd.s32 $0xFFFFE003, lr  }
0x1b: {  	s9 =	sadd.s32 $0xFFFFFEF7, lr;
	s5 =	simm.s32 $0xFFFFFFFF;
	p2 =	slt.u32 s8, $0xFFFFF086  }
0x1c: {  	p1 =	slt.u32 s9, $0xF7A;
	s5 =	simm.s32 @!p2 $0x0  }
0x1d: {  	s5 =	simm.s32 @p1 $0x1;
	p0 =	seq.s32 s7, s2  }
0x1e: {  	s7 =	smul.u32 @!p0 $0xF7A, s2;
	p2 =	seq.s32 @!p0 s5, $0x0  }
0x1f: {  	s9 =	smul.u32 $0xF7A, s1;
	s8 =	simm.s32 @!p0 $0x1BF5;
	p2 =	por !p2, p0  }
0x20: {  	[sflag:s8] =	ssyncset.s32 @!p0 $0xFFFFF086;
	s6 =	sadd.s32 @!p0 s3, s7;
	s7 =	simm.s32 @!p0 $0x108  }
0x21: {  	s3 =	sadd.s32 s3, s9;
	s6 =	sadd.s32 @!p0 $0x88, s6;
	s7 =	simm.s32 @p2 $0x1082  }
0x22: {  	[simem:s7], [sflag:s8] =	dma.local @!p0 [hbm:s6], $0xF7A  }
0x23: {  	s9 =	sor.u32 $0xD0000000, s2;
	s6 =	simm.s32 $0x108;
	_ =	swait.ge @!p0 [sflag:s8], $0x0  }
0x24: {  	s3 =	sadd.s32 $0x88, s3;
	s6 =	simm.s32 @!p1 $0x1082;
	[sflag:s4] =	ssyncset.s32 $0xFFFFF086  }
0x25: {  	[simem:s6], [sflag:s4] =	dma.local [hbm:s3], $0xF7A  }
0x26: {  	[smem:$0x3F9B] =	sst s1;
	(tag) =	ssettag s2;
	_ =	strace s9  }
0x27: {  	s1 =	sld [smem:$0x3FAB]  }
0x28: {  	s2 =	sld [smem:$0x3FAC]  }
0x29: {  	s4 =	sld [smem:$0x3FAE]  }
0x2a: {  	p0 =	seq.s32 s5, $0x0;
	s5 =	sld [smem:$0x3FAF]  }
0x2b: {  	s6 =	sld [smem:$0x3FB0]  }
0x2c: {  	s7 =	sld [smem:$0x3FB1]  }
0x2d: {  	s3 =	simm.s32 $0x108;
	s8 =	sld [smem:$0x3FB2]  }
0x2e: {  	s3 =	simm.s32 @!p0 $0x1082;
	s9 =	sld [smem:$0x3FB3]  }
0x2f: {  	lr =	sadd.s32 s0, s3;
	s0 =	sld [smem:$0x3FAA]  }
0x30: {  	s3 =	sld [smem:$0x3FAD]  }
0x31: {  	[smem:$0x3FB6] =	sst s10  }
0x32: {  	s10 =	sld [smem:$0x3FB4];
	_ =	sdelay $0x3  }
0x33: {  	p0 =	seq.s32 s10, $0x1;
	s10 =	sld [smem:$0x3FB6];
	_ =	sdelay $0x3  }
0x34: {  	[smem:$0x3FB6] =	sst s10  }
0x35: {  	s10 =	sld [smem:$0x3FB5];
	_ =	sdelay $0x3  }
0x36: {  	p1 =	seq.s32 s10, $0x1;
	s10 =	sld [smem:$0x3FB6];
	_ =	sdelay $0x3  }
0x37: {  	[smem:$0x3FB6] =	sst s10  }
0x38: {  	s10 =	sld [smem:$0x3FB7]  }
0x39: {  	_ = 	snop;
	(pc) =	sbr.ind lr, $3  }
0x3a: {  	_ = 	snop  }
0x3b: {  	_ = 	snop  }
0x3c: {  	p2 =	seq.s32 s10, $0x1;
	s10 =	sld [smem:$0x3FB6]  }
0x3d: {  	_ =	shalt  }
0x3e: {  	_ =	shalt  }
0x3f: {  	_ =	shalt  }
0x40: {  	_ =	shalt  }
0x41: {  	_ =	shalt  }
0x42: {  	_ =	shalt  }
0x43: {  	_ =	shalt  }
0x44: {  	_ =	shalt  }
0x45: {  	_ =	shalt  }
0x46: {  	_ =	shalt  }
0x47: {  	_ =	shalt  }
0x48: {  	_ =	shalt  }
0x49: {  	_ =	shalt  }
0x4a: {  	_ =	shalt  }
0x4b: {  	_ =	shalt  }
0x4c: {  	_ =	shalt  }
0x4d: {  	_ =	shalt  }
0x4e: {  	_ =	shalt  }
0x4f: {  	_ =	shalt  }
0x50: {  	_ =	shalt  }
0x51: {  	_ =	shalt  }
0x52: {  	_ =	shalt  }
0x53: {  	_ =	shalt  }
0x54: {  	_ =	shalt  }
0x55: {  	_ =	shalt  }
0x56: {  	_ =	shalt  }
0x57: {  	_ =	shalt  }
0x58: {  	_ =	shalt  }
0x59: {  	_ =	shalt  }
0x5a: {  	_ =	shalt  }
0x5b: {  	_ =	shalt  }
0x5c: {  	_ =	shalt  }
0x5d: {  	_ =	shalt  }
0x5e: {  	_ =	shalt  }
0x5f: {  	_ =	shalt  }
0x60: {  	_ =	shalt  }
0x61: {  	_ =	shalt  }
0x62: {  	_ =	shalt  }
0x63: {  	_ =	shalt  }
0x64: {  	_ =	shalt  }
0x65: {  	_ =	shalt  }
0x66: {  	_ =	shalt  }
0x67: {  	_ =	shalt  }
0x68: {  	_ =	shalt  }
0x69: {  	_ =	shalt  }
0x6a: {  	_ =	shalt  }
0x6b: {  	_ =	shalt  }
0x6c: {  	_ =	shalt  }
0x6d: {  	_ =	shalt  }
0x6e: {  	_ =	shalt  }
0x6f: {  	_ =	shalt  }
0x70: {  	_ =	shalt  }
0x71: {  	_ =	shalt  }
0x72: {  	_ =	shalt  }
0x73: {  	_ =	shalt  }
0x74: {  	_ =	shalt  }
0x75: {  	_ =	shalt  }
0x76: {  	_ =	shalt  }
0x77: {  	_ =	shalt  }
0x78: {  	_ =	shalt  }
0x79: {  	_ =	shalt  }
0x7a: {  	_ =	shalt  }
0x7b: {  	_ =	shalt  }
0x7c: {  	_ =	shalt  }
0x7d: {  	_ =	shalt  }
0x7e: {  	_ =	shalt  }
0x7f: {  	_ =	shalt  }
0x80: {  	_ =	shalt  }
0x81: {  	_ =	shalt  }
0x82: {  	_ =	shalt  }
0x83: {  	_ =	shalt  }
0x84: {  	_ =	shalt  }
0x85: {  	_ =	shalt  }
0x86: {  	_ =	shalt  }
0x87: {  	_ =	shalt  }
.Lfunc_end0:
.L_simem_size_0:
called_computation.1_lowered:
.L_overlay_start_0:
0x88: {  	s2 =	sld [smem:$0x3FD9]  }
0x89: {  	s3 =	sld [smem:$0x3FFE];
	_ =	sdelay $0x1  }
0x8a: {  	s1 =	srdreg.scid  }
0x8b: {  	s0 =	sand.u32 $0x1, s1  }
0x8c: {  	s17 =	sshll.u32 s0, $0xA;
	s2 =	sadd.s32 s3, s2  }
0x8d: {  	s2 =	sadd.s32 s2, s17  }
0x8e: {  	[smem:$0x3FC2] =	sst s2  }
0x8f: {  	_ = 	snop  }
0x90: {  	s2 =	sld [smem:$0x3FD0];
	(tm) =	ssettm $0x1  }
0x91: {  	s18 =	sld [smem:$0x3FFB];
	_ =	sdelay $0x3  }
0x92: {  	_ =	strace s18  }
0x93: {  	s3 =	sld [smem:$0x3FFC];
	_ =	sdelay $0x3  }
0x94: {  	_ =	strace s3  }
0x95: {  	s3 =	sld [smem:$0x3FFD];
	_ =	sdelay $0x3  }
0x96: {  	_ =	strace s3  }
0x97: {  	_ =	strace $0x8FFFFFFF  }
0x98: {  	s19 =	sld [smem:$0x3FDB];
	_ =	sdelay $0x1  }
0x99: {  	s4 =	simm.s32 $_scs_section_size  }
0x9a: {  	s5 =	simm.s32 $_size__tile_overlayer_lowered;
	s6 =	simm.s32 $_tile_overlayer_lowered  }
0x9b: {  	s22 =	simm.s32 $0x1BFF;
	s21 =	sshll.u32 s6, $0x1;
	s3 =	sadd.s32 s4, s19  }
0x9c: {  	s7 =	simm.s32 $0x0;
	s20 =	sshll.u32 s5, $0x1;
	s5 =	sadd.s32 s21, s3  }
0x9d: {  	[timem:s7], [sflag:s22] =	dma.local [hbm:s5], s20  }
0x9e: {  	_ =	swait.ge [sflag:s22], s20  }
0x9f: {  	s4 =	ssub.s32 $0x0, s20;
	[sflag:s22] =	ssyncset.done $0x0  }
0xa0: {  	[sflag:s22] =	ssyncadd.s32 s4;
	_ =	sdelay $0x1  }
0xa1: {  	s23 =	simm.s32 $0x1B8B  }
0xa2: {  	_ =	swait.ge [sflag:s23], $0x1  }
0xa3: {  	[sflag:s23] =	ssyncset.done $0x0  }
0xa4: {  	s25 =	simm.s32 $0x1B8E;
	s24 =	sld [smem:$0x3FFE];
	[sflag:s23] =	ssyncadd.s32 $0xFFFFFFFF  }
0xa5: {  	s26 =	simm.s32 $execute0_lowered;
	[smem:$0x3FD2] =	sst s25  }
0xa6: {  	s5 =	sshll.u32 s26, $0x1;
	_ =	strace $0x80000049;
	[dreg:$0x1] =	wrdreg $0xFFFFFFFF  }
0xa7: {  	s28 =	simm.s32 $_size_execute0_lowered;
	s3 =	sadd.s32 s3, s5;
	[dreg:$0x0] =	wrdreg $0x0  }
0xa8: {  	s5 =	sshll.u32 s28, $0x1;
	[dreg:$0x2] =	wrdreg s3  }
0xa9: {  	[dreg:$0x3] =	wrdreg s5  }
0xaa: {  	[dreg:$0x4] =	wrdreg $0xC0  }
0xab: {  	_ =	task [dreg:s7], $0x5FFFF  }
0xac: {  	[dreg:$0x1] =	wrdreg $0xFFFFFFFF  }
0xad: {  	[dreg:$0x0] =	wrdreg $0x60  }
0xae: {  	[dreg:$0x2] =	wrdreg s24  }
0xaf: {  	[dreg:$0x3] =	wrdreg s2  }
0xb0: {  	[dreg:$0x4] =	wrdreg $0x0  }
0xb1: {  	[dreg:$0x5] =	wrdreg $0x9  }
0xb2: {  	_ =	task.clear_ibuf [dreg:s7], $0x6FFFF;
	_ =	strace $0x90000049  }
0xb3: {  	s29 =	simm.s32 $0x9;
	_ =	strace $0x8000004B  }
0xb4: {  	_ =	swait.ge [sflag:s29], $0x1  }
0xb5: {  	[sflag:s29] =	ssyncadd.s32 $0xFFFFFFFF  }
0xb6: {  	_ =	strace $0x9000004B  }
0xb7: {  	_ =	sfence  }
0xb8: {  	s30 =	sld [smem:$0x0];
	_ =	sdelay $0x2  }
0xb9: {  	s31 =	sshll.u32 s1, $0xD;
	s1 =	sshrl.u32 s1, $0x2  }
0xba: {  	s3 =	sand.u32 $0x4000, s31;
	s1 =	sadd.s32 s1, s30  }
0xbb: {  	s0 =	sor.u32 s3, s0;
	s1 =	sshll.u32 s1, $0x11  }
0xbc: {  	s0 =	sor.u32 s1, s0  }
0xbd: {  	s0 =	sadd.s32 $0x8F2B, s0  }
0xbe: {  	[sflag:s0] =	ssyncadd.remote.s32 $0x1  }
0xbf: {  	_ =	sfence.sel $0xFFFF  }
0xc0: {  	[dreg:$0x0] =	wrdreg $0xFFFFFFFF;
	(pc) =	sbr.abs _section_cstart, $3  }
0xc1: {  	[dreg:$0x1] =	wrdreg $0xFFFFFFFF  }
0xc2: {  	_ =	task.clear_ibuf [dreg:s7], $0x2FFFF;
	_ =	strace $0x9FFFFFFF  }
0xc3: {  	(tm) =	ssettm $0x7FFFFFFF  }
tec
execute0_lowered:
.L_overlay_start_1:
0x0: {  	(tag) =	ssettag $0x1  }
0x1: {  	s0 =	rddreg [dreg:$0x0]  }
0x2: {  	s1 =	rddreg [dreg:$0x1];
	s3 =	srdreg.scid  }
0x3: {  	s2 =	rddreg [dreg:$0x2];
	s11 =	stileid.u32  }
0x4: {  	s6 =	simm.s32 $0x0;
	s28 =	simm.s32 $0x1;
	s29 =	simm.s32 $0x16900  }
0x5: {  	s31 =	simm.s32 $0x17C00;
	s12 =	simm.s32 $0x1AC00;
	s30 =	simm.s32 $0x16980  }
0x6: {  	s13 =	simm.s32 $0x5;
	s14 =	simm.s32 $0x6;
	s15 =	simm.s32 $0xA  }
0x7: {  	s16 =	simm.s32 $0x8;
	s17 =	simm.s32 $0xB;
	s5 =	smul.u32 $0x1440, s11  }
0x8: {  	s3 =	sand.u32 $0x1, s3;
	[smem:$0x7FF] =	sst s6;
	s18 =	smul.u32 $0x2800, s11  }
0x9: {  	s9 =	smul.u32 $0x50000, s11;
	s10 =	sadd.s32 $0x29400, s0;
	s19 =	sadd.s32 $0x2BC00, s0  }
0xa: {  	p4 =	sne.s32 s11, $0xF;
	p1 =	seq.s32 s11, $0xF;
	s22 =	sadd.s32 $0x12C000, s2  }
0xb: {  	s23 =	sadd.s32 $0x53C00, s0;
	_ =	strace $0x8000004A;
	[dreg:$0x4] =	wrdreg s10  }
0xc: {  	s4 =	smul.u32 $0x14400, s3;
	s8 =	ssub.s32 $0x2, s3;
	[dreg:$0x5] =	wrdreg s19  }
0xd: {  	p2 =	seq.s32 s3, $0x0;
	p0 =	seq.s32 s3, $0x1;
	[dreg:$0x9] =	wrdreg s22  }
0xe: {  	[dreg:$0xa] =	wrdreg s23;
	s23 =	simm.s32 $0x20;
	s22 =	simm.s32 $0x18C00  }
0xf: {  	s19 =	simm.s32 $0xC;
	s20 =	sshrl.u32 s8, $0x1;
	s6 =	sadd.s32 s18, s0  }
0x10: {  	s9 =	sshrl.u32 s9, $0x2;
	p3 =	por !p2, !p4;
	p5 =	por !p2, !p1  }
0x11: {  	p4 =	por !p4, !p0;
	s18 =	simm.s32 $0x9;
	s5 =	sadd.s32 s5, s4  }
0x12: {  	s4 =	sadd.s32 $0x2200, s0;
	s8 =	ssub.s32 s8, s20;
	s9 =	sadd.s32 s9, s2  }
0x13: {  	p2 =	por !p3, !p3;
	p3 =	por !p5, !p5;
	s24 =	sadd.s32 $0x2E400, s6  }
0x14: {  	p4 =	por !p4, !p4;
	s25 =	sadd.s32 $0x55600, s6;
	p5 =	sne.s32 s3, $0x0  }
0x15: {  	s3 =	simm.s32 $0x16B00;
	s6 =	simm.s32 $0x3;
	[dreg:$0xb] =	wrdreg s24  }
0x16: {  	s20 =	simm.s32 $0x16B80;
	s5 =	sshrl.u32 s5, $0x3;
	[dreg:$0xc] =	wrdreg s25  }
0x17: {  	s26 =	smax.u32 s8, $0x1;
	[dreg:$0x6] =	wrdreg s9;
	s24 =	simm.s32 $0x16C00  }
0x18: {  	s25 =	simm.s32 $0x2;
	s8 =	simm.s32 $0x16A00;
	s7 =	sadd.s32 s5, s0  }
0x19: {  	s1 =	sadd.s32 s1, s5;
	s0 =	sadd.s32 $0x7AE00, s0;
	[dreg:$0xe] =	wrdreg s26  }
0x1a: {  	s26 =	simm.s32 $0x19C00;
	s5 =	simm.s32 $0x1BC00;
	[dreg:$0x7] =	wrdreg s1  }
0x1b: {  	s21 =	sadd.s32 $0xAB600, s7;
	[dreg:$0xd] =	wrdreg s0;
	s0 =	sshll.u32 @!p5 s11, $0x6  }
0x1c: {  	s1 =	simm.s32 @!p3 $0x0;
	[dreg:$0x8] =	wrdreg s21;
	s0 =	sor.u32 @!p5 $0x1C0D, s0  }
.Ltmp0:
0x1d: {  	[dreg:$0xf] =	wrdreg s0;
	s0 =	sshrl.u32 @!p5 s9, $0x3;
	(pc) =	sbr.rel .LBB2_1-.Ltmp0, $4  }
0x1e: {  	s1 =	simm.s32 @p3 $0x1;
	[dreg:$0x10] =	wrdreg s0;
	s0 =	sshll.u32 @p0 s11, $0x6  }
0x1f: {  	s21 =	simm.s32 $0x0;
	[smem:$0x7FD] =	sst s1;
	s0 =	sor.u32 @p0 $0x1C0D, s0  }
0x20: {  	s11 =	simm.s32 $0x16A80;
	[dreg:$0x11] =	wrdreg s0;
	s0 =	sshrl.u32 @p0 s9, $0x3  }
0x21: {  	v0 =	vimm.s32 $0x0;
	v1 =	vimm.s32 $0x2740;
	s9 =	simm.s32 $0x7;
	[dreg:$0x12] =	wrdreg s0;
	s0 =	simm.s32 $0x4  }
.LBB2_7:
0x22: {  	s7 =	rddreg [dreg:$0x9]  }
0x23: {  	s10 =	rddreg [dreg:$0xa]  }
0x24: {  	s1 =	simm.s32 $0x1FCD;
	s21 =	simm.s32 $0xD;
	s7 =	sshrl.u32 s7, $0x3  }
0x25: {  	[hbm:s10], [sflag:s1] =	dma.local [spmem:s7], $0x1900  }
0x26: {  	_ =	swait.ge [sflag:s21], $0x1900  }
0x27: {  	p6 =	por $0x1, $0x1;
	[sflag:s21] =	ssyncset.done $0x0  }
0x28: {  	s1 =	stileid.u32;
	[sflag:s21] =	ssyncadd.s32 $0xFFFFE700;
	s21 =	rddreg [dreg:$0x13]  }
.LBB2_8:
0x29: {  	p6 =	por !p6, !p0  }
0x2a: {  	p6 =	por !p6, !p6  }
0x2b: {  	s10 =	rddreg [dreg:$0x9];
	s7 =	sshll.u32 @p6 s1, $0x6  }
0x2c: {  	s10 =	sshrl.u32 @p6 s10, $0x3;
	s1 =	rddreg [dreg:$0xd];
	s7 =	sor.u32 @p6 $0x1C0D, s7  }
0x2d: {  	[hbm:s1], [sflag:s7] =	dma.local @p6 [spmem:s10], $0x1900  }
0x2e: {  	s7 =	simm.s32 @p6 $0xD  }
0x2f: {  	_ =	swait.ge @p6 [sflag:s7], $0x1900  }
0x30: {  	s21 =	sadd.s32 $0x1, s21;
	s10 =	rddreg [dreg:$0xe]  }
0x31: {  	p3 =	sne.s32 s21, s10  }
.Ltmp1:
0x32: {  	_ = 	snop;
	(pc) =	sbr.rel @!p3 .LBB2_9-.Ltmp1, $3  }
0x33: {  	_ =	sdelay $0x1  }
0x34: {  	[sflag:s7] =	ssyncset.done @p6 $0x0  }
0x35: {  	[sflag:s7] =	ssyncadd.s32 @p6 $0xFFFFE700  }
.LBB2_1:
0x36: {  	[dreg:$0x13] =	wrdreg s21  }
0x37: {  	s7 =	rddreg [dreg:$0x4]  }
0x38: {  	s1 =	rddreg [dreg:$0xf]  }
0x39: {  	s10 =	rddreg [dreg:$0x10]  }
0x3a: {  	[spmem:s10], [sflag:s1] =	dma.local @!p5 [hbm:s7], $0x2800  }
0x3b: {  	s7 =	simm.s32 @!p5 $0xD  }
0x3c: {  	_ =	swait.ge @!p5 [sflag:s7], $0x2800  }
0x3d: {  	s1 =	rddreg [dreg:$0x11]  }
0x3e: {  	[sflag:s7] =	ssyncset.done @!p5 $0x0;
	s10 =	rddreg [dreg:$0x12]  }
0x3f: {  	[sflag:s7] =	ssyncadd.s32 @!p5 $0xFFFFD800;
	s7 =	rddreg [dreg:$0x5]  }
0x40: {  	[spmem:s10], [sflag:s1] =	dma.local @p0 [hbm:s7], $0x2800  }
0x41: {  	s7 =	simm.s32 @p0 $0xD  }
0x42: {  	_ =	swait.ge @p0 [sflag:s7], $0x2800  }
0x43: {  	s21 =	simm.s32 $0x14000;
	[sflag:s7] =	ssyncset.done @p0 $0x0  }
0x44: {  	s1 =	rddreg [dreg:$0x7];
	[sflag:s7] =	ssyncadd.s32 @p0 $0xFFFFD800;
	s7 =	simm.s32 $0x0  }
0x45: {  	[tilespmem:s21], [sflag:$0xD] =	stream.linear.gather [hbm4b:s1+s7], $0x1440, $0x38;
	[tilespmem:$0x1CC00] =	vst v63  }
0x46: {  	s21 =	simm.s32 $0xD  }
0x47: {  	_ =	swait.ge [sflag:s21], $0x1440  }
0x48: {  	[sflag:s21] =	ssyncset.done $0x0  }
0x49: {  	s1 =	simm.s32 $0x15480;
	s10 =	rddreg [dreg:$0x8];
	[sflag:s21] =	ssyncadd.s32 $0xFFFFEBC0  }
0x4a: {  	[tilespmem:s1], [sflag:$0xD] =	stream.linear.gather [hbm4b:s10+s7], $0x1440, $0x38;
	[tilespmem:$0x1CC00] =	vst v63  }
0x4b: {  	_ =	swait.ge [sflag:s21], $0x1440  }
0x4c: {  	[sflag:s21] =	ssyncset.done $0x0  }
0x4d: {  	[sflag:s21] =	ssyncadd.s32 $0xFFFFEBC0  }
0x4e: {  	[tilespmem:$0x15440] =	vst v0  }
0x4f: {  	[tilespmem:$0x168C0] =	vst v1  }
0x50: {  	[tilespmem:$0x15450] =	vst v0  }
0x51: {  	[tilespmem:$0x168D0] =	vst v1  }
0x52: {  	s7 =	simm.s32 $0x14000;
	[bflag:$0x0] =	sbarrier.arrive $0xFFFF  }
0x53: {  	[tilespmem:s24], [sflag:$0x1] =	stream.indirect.gather [hbm4b:s4+s23], $0x80, s7, s23, $0xb8;
	[tilespmem:$0x1CC00] =	vst v63  }
0x54: {  	s10 =	simm.s32 $0x14A20  }
0x55: {  	[tilespmem:s26], [sflag:$0x4] =	stream.indirect.gather [hbm4b:s4+s23], $0x80, s10, s23, $0xb8;
	[tilespmem:$0x1CC00] =	vst v63  }
0x56: {  	_ =	swait.ge [sflag:s28], $0x1000  }
0x57: {  	[sflag:s28] =	ssyncset.done $0x0  }
0x58: {  	[sflag:s28] =	ssyncadd.s32 $0xFFFFF000  }
0x59: {  	v2 =	vld [tilespmem:$0x15480]  }
0x5a: {  	v3 =	vld [tilespmem:$0x15490];
	_ =	sdelay $0x3  }
0x5b: {  	[tilespmem:$0x16900] =	vst v2  }
0x5c: {  	[tilespmem:$0x16910] =	vst v3  }
0x5d: {  	[spmem:s2] =	stream.indirect.scatter.add.f32 [tilespmem:s24], [sflag:$0x7], $0x80, s29, s23, $0xb8;
	[tilespmem:$0x1CC00] =	vst v63  }
0x5e: {  	s21 =	simm.s32 $0x14020  }
0x5f: {  	[tilespmem:s31], [sflag:$0x2] =	stream.indirect.gather [hbm4b:s4+s23], $0x80, s21, s23, $0xb8;
	[tilespmem:$0x1CC00] =	vst v63  }
0x60: {  	_ =	swait.ge [sflag:s0], $0x1000  }
0x61: {  	[sflag:s0] =	ssyncset.done $0x0  }
0x62: {  	[sflag:s0] =	ssyncadd.s32 $0xFFFFF000  }
0x63: {  	v2 =	vld [tilespmem:$0x15EA0]  }
0x64: {  	v3 =	vld [tilespmem:$0x15EB0];
	_ =	sdelay $0x3  }
0x65: {  	[tilespmem:$0x16A80] =	vst v2  }
0x66: {  	[tilespmem:$0x16A90] =	vst v3  }
0x67: {  	[spmem:s2] =	stream.indirect.scatter.add.f32 [tilespmem:s26], [sflag:$0xA], $0x80, s11, s23, $0xb8;
	[tilespmem:$0x1CC00] =	vst v63  }
0x68: {  	s7 =	simm.s32 $0x14A40  }
0x69: {  	[tilespmem:s12], [sflag:$0x5] =	stream.indirect.gather [hbm4b:s4+s23], $0x80, s7, s23, $0xb8;
	[tilespmem:$0x1CC00] =	vst v63  }
0x6a: {  	_ =	swait.ge [sflag:s25], $0x1000  }
0x6b: {  	[sflag:s25] =	ssyncset.done $0x0  }
0x6c: {  	[sflag:s25] =	ssyncadd.s32 $0xFFFFF000  }
0x6d: {  	v2 =	vld [tilespmem:$0x154A0]  }
0x6e: {  	v3 =	vld [tilespmem:$0x154B0];
	_ =	sdelay $0x3  }
0x6f: {  	[tilespmem:$0x16980] =	vst v2  }
0x70: {  	[tilespmem:$0x16990] =	vst v3  }
0x71: {  	[spmem:s2] =	stream.indirect.scatter.add.f32 [tilespmem:s31], [sflag:$0x8], $0x80, s30, s23, $0xb8;
	[tilespmem:$0x1CC00] =	vst v63  }
0x72: {  	s10 =	simm.s32 $0x14040  }
0x73: {  	[tilespmem:s22], [sflag:$0x3] =	stream.indirect.gather [hbm4b:s4+s23], $0x80, s10, s23, $0xb8;
	[tilespmem:$0x1CC00] =	vst v63  }
0x74: {  	_ =	swait.ge [sflag:s13], $0x1000  }
0x75: {  	[sflag:s13] =	ssyncset.done $0x0  }
0x76: {  	[sflag:s13] =	ssyncadd.s32 $0xFFFFF000  }
0x77: {  	v2 =	vld [tilespmem:$0x15EC0]  }
0x78: {  	v3 =	vld [tilespmem:$0x15ED0];
	_ =	sdelay $0x3  }
0x79: {  	[tilespmem:$0x16B00] =	vst v2  }
0x7a: {  	[tilespmem:$0x16B10] =	vst v3  }
0x7b: {  	[spmem:s2] =	stream.indirect.scatter.add.f32 [tilespmem:s12], [sflag:$0xB], $0x80, s3, s23, $0xb8;
	[tilespmem:$0x1CC00] =	vst v63  }
0x7c: {  	s21 =	simm.s32 $0x14A60  }
0x7d: {  	[tilespmem:s5], [sflag:$0x6] =	stream.indirect.gather [hbm4b:s4+s23], $0x80, s21, s23, $0xb8;
	[tilespmem:$0x1CC00] =	vst v63  }
0x7e: {  	_ =	swait.ge [sflag:s6], $0x1000  }
0x7f: {  	[sflag:s6] =	ssyncset.done $0x0  }
0x80: {  	[sflag:s6] =	ssyncadd.s32 $0xFFFFF000  }
0x81: {  	v2 =	vld [tilespmem:$0x154C0]  }
0x82: {  	v3 =	vld [tilespmem:$0x154D0];
	_ =	sdelay $0x3  }
0x83: {  	[tilespmem:$0x16A00] =	vst v2  }
0x84: {  	[tilespmem:$0x16A10] =	vst v3  }
0x85: {  	[spmem:s2] =	stream.indirect.scatter.add.f32 [tilespmem:s22], [sflag:$0x9], $0x80, s8, s23, $0xb8;
	[tilespmem:$0x1CC00] =	vst v63  }
0x86: {  	_ =	swait.ge [sflag:s9], $0x1000  }
0x87: {  	[sflag:s9] =	ssyncset.done $0x0  }
0x88: {  	s7 =	simm.s32 $0x14060;
	[sflag:s9] =	ssyncadd.s32 $0xFFFFF000  }
0x89: {  	[tilespmem:s24], [sflag:$0x1] =	stream.indirect.gather [hbm4b:s4+s23], $0x80, s7, s23, $0xb8;
	[tilespmem:$0x1CC00] =	vst v63  }
0x8a: {  	_ =	swait.ge [sflag:s14], $0x1000  }
0x8b: {  	[sflag:s14] =	ssyncset.done $0x0  }
0x8c: {  	[sflag:s14] =	ssyncadd.s32 $0xFFFFF000  }
0x8d: {  	v2 =	vld [tilespmem:$0x15EE0]  }
0x8e: {  	v3 =	vld [tilespmem:$0x15EF0];
	_ =	sdelay $0x3  }
0x8f: {  	[tilespmem:$0x16B80] =	vst v2  }
0x90: {  	[tilespmem:$0x16B90] =	vst v3  }
0x91: {  	[spmem:s2] =	stream.indirect.scatter.add.f32 [tilespmem:s5], [sflag:$0xC], $0x80, s20, s23, $0xb8;
	[tilespmem:$0x1CC00] =	vst v63  }
0x92: {  	_ =	swait.ge [sflag:s15], $0x1000  }
0x93: {  	[sflag:s15] =	ssyncset.done $0x0  }
0x94: {  	s10 =	simm.s32 $0x14A80;
	[sflag:s15] =	ssyncadd.s32 $0xFFFFF000  }
0x95: {  	[tilespmem:s26], [sflag:$0x4] =	stream.indirect.gather [hbm4b:s4+s23], $0x80, s10, s23, $0xb8;
	[tilespmem:$0x1CC00] =	vst v63  }
0x96: {  	_ =	swait.ge [sflag:s28], $0x1000  }
0x97: {  	[sflag:s28] =	ssyncset.done $0x0  }
0x98: {  	s7 =	simm.s32 $0x0;
	[sflag:s28] =	ssyncadd.s32 $0xFFFFF000  }
0x99: {  	v2 =	vld [tilespmem:s7+$0x154E0];
	_ =	sdelay $0x4  }
0x9a: {  	[tilespmem:$0x16900] =	vst v2  }
0x9b: {  	v2 =	vld [tilespmem:s7+$0x154F0];
	_ =	sdelay $0x4  }
0x9c: {  	[tilespmem:$0x16910] =	vst v2  }
0x9d: {  	[spmem:s2] =	stream.indirect.scatter.add.f32 [tilespmem:s24], [sflag:$0x7], $0x80, s29, s23, $0xb8;
	[tilespmem:$0x1CC00] =	vst v63  }
0x9e: {  	_ =	swait.ge [sflag:s16], $0x1000  }
0x9f: {  	[sflag:s16] =	ssyncset.done $0x0  }
0xa0: {  	s21 =	simm.s32 $0x14080;
	[sflag:s16] =	ssyncadd.s32 $0xFFFFF000  }
0xa1: {  	[tilespmem:s31], [sflag:$0x2] =	stream.indirect.gather [hbm4b:s4+s23], $0x80, s21, s23, $0xb8;
	[tilespmem:$0x1CC00] =	vst v63  }
0xa2: {  	_ =	swait.ge [sflag:s0], $0x1000  }
0xa3: {  	[sflag:s0] =	ssyncset.done $0x0  }
0xa4: {  	[sflag:s0] =	ssyncadd.s32 $0xFFFFF000  }
0xa5: {  	v2 =	vld [tilespmem:s7+$0x15F00];
	_ =	sdelay $0x4  }
0xa6: {  	[tilespmem:$0x16A80] =	vst v2  }
0xa7: {  	v2 =	vld [tilespmem:s7+$0x15F10];
	_ =	sdelay $0x4  }
0xa8: {  	[tilespmem:$0x16A90] =	vst v2  }
0xa9: {  	[spmem:s2] =	stream.indirect.scatter.add.f32 [tilespmem:s26], [sflag:$0xA], $0x80, s11, s23, $0xb8;
	[tilespmem:$0x1CC00] =	vst v63  }
0xaa: {  	_ =	swait.ge [sflag:s17], $0x1000  }
0xab: {  	[sflag:s17] =	ssyncset.done $0x0  }
0xac: {  	s1 =	simm.s32 $0x14AA0;
	[sflag:s17] =	ssyncadd.s32 $0xFFFFF000  }
0xad: {  	[tilespmem:s12], [sflag:$0x5] =	stream.indirect.gather [hbm4b:s4+s23], $0x80, s1, s23, $0xb8;
	[tilespmem:$0x1CC00] =	vst v63  }
0xae: {  	_ =	swait.ge [sflag:s25], $0x1000  }
0xaf: {  	[sflag:s25] =	ssyncset.done $0x0  }
0xb0: {  	[sflag:s25] =	ssyncadd.s32 $0xFFFFF000  }
0xb1: {  	v2 =	vld [tilespmem:s7+$0x15500];
	_ =	sdelay $0x4  }
0xb2: {  	[tilespmem:$0x16980] =	vst v2  }
0xb3: {  	v2 =	vld [tilespmem:s7+$0x15510];
	_ =	sdelay $0x4  }
0xb4: {  	[tilespmem:$0x16990] =	vst v2  }
0xb5: {  	[spmem:s2] =	stream.indirect.scatter.add.f32 [tilespmem:s31], [sflag:$0x8], $0x80, s30, s23, $0xb8;
	[tilespmem:$0x1CC00] =	vst v63  }
0xb6: {  	_ =	swait.ge [sflag:s18], $0x1000  }
0xb7: {  	[sflag:s18] =	ssyncset.done $0x0  }
0xb8: {  	s21 =	simm.s32 $0x140A0;
	[sflag:s18] =	ssyncadd.s32 $0xFFFFF000  }
0xb9: {  	[tilespmem:s22], [sflag:$0x3] =	stream.indirect.gather [hbm4b:s4+s23], $0x80, s21, s23, $0xb8;
	[tilespmem:$0x1CC00] =	vst v63  }
0xba: {  	_ =	swait.ge [sflag:s13], $0x1000  }
0xbb: {  	[sflag:s13] =	ssyncset.done $0x0  }
0xbc: {  	[sflag:s13] =	ssyncadd.s32 $0xFFFFF000  }
0xbd: {  	v2 =	vld [tilespmem:s7+$0x15F20];
	_ =	sdelay $0x4  }
0xbe: {  	[tilespmem:$0x16B00] =	vst v2  }
0xbf: {  	v2 =	vld [tilespmem:s7+$0x15F30];
	_ =	sdelay $0x4  }
0xc0: {  	[tilespmem:$0x16B10] =	vst v2  }
0xc1: {  	[spmem:s2] =	stream.indirect.scatter.add.f32 [tilespmem:s12], [sflag:$0xB], $0x80, s3, s23, $0xb8;
	[tilespmem:$0x1CC00] =	vst v63  }
0xc2: {  	_ =	swait.ge [sflag:s19], $0x1000  }
0xc3: {  	[sflag:s19] =	ssyncset.done $0x0  }
0xc4: {  	s1 =	simm.s32 $0x14AC0;
	[sflag:s19] =	ssyncadd.s32 $0xFFFFF000  }
0xc5: {  	[tilespmem:s5], [sflag:$0x6] =	stream.indirect.gather [hbm4b:s4+s23], $0x80, s1, s23, $0xb8;
	[tilespmem:$0x1CC00] =	vst v63  }
0xc6: {  	_ =	swait.ge [sflag:s6], $0x1000  }
0xc7: {  	[sflag:s6] =	ssyncset.done $0x0  }
0xc8: {  	[sflag:s6] =	ssyncadd.s32 $0xFFFFF000  }
0xc9: {  	v2 =	vld [tilespmem:s7+$0x15520];
	_ =	sdelay $0x4  }
0xca: {  	[tilespmem:$0x16A00] =	vst v2  }
0xcb: {  	v2 =	vld [tilespmem:s7+$0x15530];
	_ =	sdelay $0x4  }
0xcc: {  	[tilespmem:$0x16A10] =	vst v2  }
0xcd: {  	[spmem:s2] =	stream.indirect.scatter.add.f32 [tilespmem:s22], [sflag:$0x9], $0x80, s8, s23, $0xb8;
	[tilespmem:$0x1CC00] =	vst v63  }
0xce: {  	_ =	swait.ge [sflag:s9], $0x1000  }
0xcf: {  	[sflag:s9] =	ssyncset.done $0x0  }
0xd0: {  	s21 =	simm.s32 $0x140C0;
	[sflag:s9] =	ssyncadd.s32 $0xFFFFF000  }
0xd1: {  	[tilespmem:s24], [sflag:$0x1] =	stream.indirect.gather [hbm4b:s4+s23], $0x80, s21, s23, $0xb8;
	[tilespmem:$0x1CC00] =	vst v63  }
0xd2: {  	_ =	swait.ge [sflag:s14], $0x1000  }
0xd3: {  	[sflag:s14] =	ssyncset.done $0x0  }
0xd4: {  	[sflag:s14] =	ssyncadd.s32 $0xFFFFF000  }
0xd5: {  	v2 =	vld [tilespmem:s7+$0x15F40];
	_ =	sdelay $0x4  }
0xd6: {  	[tilespmem:$0x16B80] =	vst v2  }
0xd7: {  	v2 =	vld [tilespmem:s7+$0x15F50];
	_ =	sdelay $0x4  }
0xd8: {  	[tilespmem:$0x16B90] =	vst v2  }
0xd9: {  	[spmem:s2] =	stream.indirect.scatter.add.f32 [tilespmem:s5], [sflag:$0xC], $0x80, s20, s23, $0xb8;
	[tilespmem:$0x1CC00] =	vst v63  }
0xda: {  	_ =	swait.ge [sflag:s15], $0x1000  }
0xdb: {  	[sflag:s15] =	ssyncset.done $0x0  }
0xdc: {  	s10 =	simm.s32 $0x180;
	s7 =	simm.s32 $0x14AE0;
	[sflag:s15] =	ssyncadd.s32 $0xFFFFF000  }
.LBB2_2:
0xdd: {  	[tilespmem:s26], [sflag:$0x4] =	stream.indirect.gather [hbm4b:s4+s23], $0x80, s7, s23, $0xb8;
	[tilespmem:$0x1CC00] =	vst v63  }
0xde: {  	s7 =	smov.u32 s10  }
0xdf: {  	p6 =	sne.s32 s10, $0x2580;
	s10 =	sadd.s32 $0x180, s10;
	_ =	swait.ge [sflag:s28], $0x1000  }
0xe0: {  	[sflag:s28] =	ssyncset.done $0x0  }
0xe1: {  	s7 =	sshra.s32 s7, $0x2;
	[sflag:s28] =	ssyncadd.s32 $0xFFFFF000  }
0xe2: {  	v2 =	vld [tilespmem:s7+$0x154E0];
	_ =	sdelay $0x4  }
0xe3: {  	[tilespmem:$0x16900] =	vst v2  }
0xe4: {  	v2 =	vld [tilespmem:s7+$0x154F0];
	_ =	sdelay $0x4  }
0xe5: {  	[tilespmem:$0x16910] =	vst v2  }
0xe6: {  	[spmem:s2] =	stream.indirect.scatter.add.f32 [tilespmem:s24], [sflag:$0x7], $0x80, s29, s23, $0xb8;
	[tilespmem:$0x1CC00] =	vst v63  }
0xe7: {  	_ =	swait.ge [sflag:s16], $0x1000  }
0xe8: {  	[sflag:s16] =	ssyncset.done $0x0  }
0xe9: {  	s21 =	sadd.s32 $0x14080, s7;
	[sflag:s16] =	ssyncadd.s32 $0xFFFFF000  }
0xea: {  	[tilespmem:s31], [sflag:$0x2] =	stream.indirect.gather [hbm4b:s4+s23], $0x80, s21, s23, $0xb8;
	[tilespmem:$0x1CC00] =	vst v63  }
0xeb: {  	_ =	swait.ge [sflag:s0], $0x1000  }
0xec: {  	[sflag:s0] =	ssyncset.done $0x0  }
0xed: {  	[sflag:s0] =	ssyncadd.s32 $0xFFFFF000  }
0xee: {  	v2 =	vld [tilespmem:s7+$0x15F00];
	_ =	sdelay $0x4  }
0xef: {  	[tilespmem:$0x16A80] =	vst v2  }
0xf0: {  	v2 =	vld [tilespmem:s7+$0x15F10];
	_ =	sdelay $0x4  }
0xf1: {  	[tilespmem:$0x16A90] =	vst v2  }
0xf2: {  	[spmem:s2] =	stream.indirect.scatter.add.f32 [tilespmem:s26], [sflag:$0xA], $0x80, s11, s23, $0xb8;
	[tilespmem:$0x1CC00] =	vst v63  }
0xf3: {  	_ =	swait.ge [sflag:s17], $0x1000  }
0xf4: {  	[sflag:s17] =	ssyncset.done $0x0  }
0xf5: {  	s21 =	sadd.s32 $0x14AA0, s7;
	[sflag:s17] =	ssyncadd.s32 $0xFFFFF000  }
0xf6: {  	[tilespmem:s12], [sflag:$0x5] =	stream.indirect.gather [hbm4b:s4+s23], $0x80, s21, s23, $0xb8;
	[tilespmem:$0x1CC00] =	vst v63  }
0xf7: {  	_ =	swait.ge [sflag:s25], $0x1000  }
0xf8: {  	[sflag:s25] =	ssyncset.done $0x0  }
0xf9: {  	[sflag:s25] =	ssyncadd.s32 $0xFFFFF000  }
0xfa: {  	v2 =	vld [tilespmem:s7+$0x15500];
	_ =	sdelay $0x4  }
0xfb: {  	[tilespmem:$0x16980] =	vst v2  }
0xfc: {  	v2 =	vld [tilespmem:s7+$0x15510];
	_ =	sdelay $0x4  }
0xfd: {  	[tilespmem:$0x16990] =	vst v2  }
0xfe: {  	[spmem:s2] =	stream.indirect.scatter.add.f32 [tilespmem:s31], [sflag:$0x8], $0x80, s30, s23, $0xb8;
	[tilespmem:$0x1CC00] =	vst v63  }
0xff: {  	_ =	swait.ge [sflag:s18], $0x1000  }
0x100: {  	[sflag:s18] =	ssyncset.done $0x0  }
0x101: {  	s21 =	sadd.s32 $0x140A0, s7;
	[sflag:s18] =	ssyncadd.s32 $0xFFFFF000  }
0x102: {  	[tilespmem:s22], [sflag:$0x3] =	stream.indirect.gather [hbm4b:s4+s23], $0x80, s21, s23, $0xb8;
	[tilespmem:$0x1CC00] =	vst v63  }
0x103: {  	_ =	swait.ge [sflag:s13], $0x1000  }
0x104: {  	[sflag:s13] =	ssyncset.done $0x0  }
0x105: {  	[sflag:s13] =	ssyncadd.s32 $0xFFFFF000  }
0x106: {  	v2 =	vld [tilespmem:s7+$0x15F20];
	_ =	sdelay $0x4  }
0x107: {  	[tilespmem:$0x16B00] =	vst v2  }
0x108: {  	v2 =	vld [tilespmem:s7+$0x15F30];
	_ =	sdelay $0x4  }
0x109: {  	[tilespmem:$0x16B10] =	vst v2  }
0x10a: {  	[spmem:s2] =	stream.indirect.scatter.add.f32 [tilespmem:s12], [sflag:$0xB], $0x80, s3, s23, $0xb8;
	[tilespmem:$0x1CC00] =	vst v63  }
0x10b: {  	_ =	swait.ge [sflag:s19], $0x1000  }
0x10c: {  	[sflag:s19] =	ssyncset.done $0x0  }
0x10d: {  	s21 =	sadd.s32 $0x14AC0, s7;
	[sflag:s19] =	ssyncadd.s32 $0xFFFFF000  }
0x10e: {  	[tilespmem:s5], [sflag:$0x6] =	stream.indirect.gather [hbm4b:s4+s23], $0x80, s21, s23, $0xb8;
	[tilespmem:$0x1CC00] =	vst v63  }
0x10f: {  	_ =	swait.ge [sflag:s6], $0x1000  }
0x110: {  	[sflag:s6] =	ssyncset.done $0x0  }
0x111: {  	[sflag:s6] =	ssyncadd.s32 $0xFFFFF000  }
0x112: {  	v2 =	vld [tilespmem:s7+$0x15520];
	_ =	sdelay $0x4  }
0x113: {  	[tilespmem:$0x16A00] =	vst v2  }
0x114: {  	v2 =	vld [tilespmem:s7+$0x15530];
	_ =	sdelay $0x4  }
0x115: {  	[tilespmem:$0x16A10] =	vst v2  }
0x116: {  	[spmem:s2] =	stream.indirect.scatter.add.f32 [tilespmem:s22], [sflag:$0x9], $0x80, s8, s23, $0xb8;
	[tilespmem:$0x1CC00] =	vst v63  }
0x117: {  	_ =	swait.ge [sflag:s9], $0x1000  }
0x118: {  	[sflag:s9] =	ssyncset.done $0x0  }
0x119: {  	s21 =	sadd.s32 $0x140C0, s7;
	[sflag:s9] =	ssyncadd.s32 $0xFFFFF000  }
0x11a: {  	[tilespmem:s24], [sflag:$0x1] =	stream.indirect.gather [hbm4b:s4+s23], $0x80, s21, s23, $0xb8;
	[tilespmem:$0x1CC00] =	vst v63  }
0x11b: {  	_ =	swait.ge [sflag:s14], $0x1000  }
0x11c: {  	[sflag:s14] =	ssyncset.done $0x0  }
0x11d: {  	[sflag:s14] =	ssyncadd.s32 $0xFFFFF000  }
0x11e: {  	v2 =	vld [tilespmem:s7+$0x15F40];
	_ =	sdelay $0x4  }
0x11f: {  	[tilespmem:$0x16B80] =	vst v2  }
0x120: {  	v2 =	vld [tilespmem:s7+$0x15F50];
	_ =	sdelay $0x4  }
.Ltmp2:
0x121: {  	[tilespmem:$0x16B90] =	vst v2;
	(pc) =	sbr.rel @p6 .LBB2_2-.Ltmp2, $4  }
0x122: {  	[spmem:s2] =	stream.indirect.scatter.add.f32 [tilespmem:s5], [sflag:$0xC], $0x80, s20, s23, $0xb8;
	[tilespmem:$0x1CC00] =	vst v63  }
0x123: {  	_ =	swait.ge [sflag:s15], $0x1000  }
0x124: {  	[sflag:s15] =	ssyncset.done $0x0  }
0x125: {  	s7 =	sadd.s32 $0x14AE0, s7;
	[sflag:s15] =	ssyncadd.s32 $0xFFFFF000  }
0x126: {  	[tilespmem:s26], [sflag:$0x4] =	stream.indirect.gather [hbm4b:s4+s23], $0x80, s7, s23, $0xb8;
	[tilespmem:$0x1CC00] =	vst v63  }
0x127: {  	_ =	swait.ge [sflag:s16], $0x1000  }
0x128: {  	[sflag:s16] =	ssyncset.done $0x0  }
0x129: {  	[sflag:s16] =	ssyncadd.s32 $0xFFFFF000  }
0x12a: {  	_ =	swait.ge [sflag:s18], $0x1000  }
0x12b: {  	[sflag:s18] =	ssyncset.done $0x0  }
0x12c: {  	[sflag:s18] =	ssyncadd.s32 $0xFFFFF000  }
0x12d: {  	_ =	swait.ge [sflag:s28], $0x1000  }
0x12e: {  	[sflag:s28] =	ssyncset.done $0x0  }
0x12f: {  	[sflag:s28] =	ssyncadd.s32 $0xFFFFF000  }
0x130: {  	_ =	swait.ge [sflag:s17], $0x1000  }
0x131: {  	[sflag:s17] =	ssyncset.done $0x0  }
0x132: {  	[sflag:s17] =	ssyncadd.s32 $0xFFFFF000  }
0x133: {  	_ =	swait.ge [sflag:s19], $0x1000  }
0x134: {  	[sflag:s19] =	ssyncset.done $0x0  }
0x135: {  	[sflag:s19] =	ssyncadd.s32 $0xFFFFF000  }
.Ltmp3:
0x136: {  	_ =	swait.ge [sflag:s0], $0x1000;
	(pc) =	sbr.rel @!p2 .LBB2_6-.Ltmp3, $3  }
0x137: {  	[sflag:s0] =	ssyncset.done $0x0  }
0x138: {  	[sflag:s0] =	ssyncadd.s32 $0xFFFFF000  }
0x139: {  	[bflag:$0x0] =	sbarrier.arrive $0xFFFF;
	_ =	sdelay $0x1  }
0x13a: {  	s21 =	stileid.u32  }
0x13b: {  	s10 =	rddreg [dreg:$0x6];
	s7 =	sshll.u32 s21, $0x6  }
0x13c: {  	s1 =	rddreg [dreg:$0xb];
	s10 =	sshrl.u32 s10, $0x3;
	s7 =	sor.u32 $0x1C0D, s7  }
0x13d: {  	[hbm:s1], [sflag:s7] =	dma.local [spmem:s10], $0x2800  }
.Ltmp4:
0x13e: {  	_ = 	snop;
	(pc) =	sbr.rel .LBB2_5-.Ltmp4, $4  }
0x13f: {  	s10 =	simm.s32 $0xD  }
0x140: {  	_ =	swait.ge [sflag:s10], $0x2800  }
0x141: {  	[sflag:s10] =	ssyncset.done $0x0  }
0x142: {  	p6 =	por $0x0, $0x0;
	[sflag:s10] =	ssyncadd.s32 $0xFFFFD800  }
.LBB2_6:
0x143: {  	s1 =	sld [smem:$0x7FD];
	_ =	sdelay $0x2  }
0x144: {  	p3 =	seq.s32 s1, $0x1  }
.Ltmp5:
0x145: {  	_ = 	snop;
	(pc) =	sbr.rel @p3 .LBB2_7-.Ltmp5, $2  }
0x146: {  	_ =	sdelay $0x2  }
0x147: {  	p6 =	por p1, p1;
	s21 =	stileid.u32  }
.LBB2_5:
0x148: {  	s7 =	sshll.u32 @p4 s21, $0x6;
	s10 =	rddreg [dreg:$0x6]  }
0x149: {  	s1 =	rddreg [dreg:$0xc];
	s7 =	sor.u32 @p4 $0x1C0D, s7;
	s10 =	sshrl.u32 @p4 s10, $0x3  }
0x14a: {  	[hbm:s1], [sflag:s7] =	dma.local @p4 [spmem:s10], $0x2800  }
.Ltmp6:
0x14b: {  	_ = 	snop;
	(pc) =	sbr.rel .LBB2_8-.Ltmp6, $4  }
0x14c: {  	s7 =	simm.s32 @p4 $0xD  }
0x14d: {  	_ =	swait.ge @p4 [sflag:s7], $0x2800  }
0x14e: {  	[sflag:s7] =	ssyncset.done @p4 $0x0  }
0x14f: {  	s1 =	stileid.u32;
	s21 =	rddreg [dreg:$0x13];
	[sflag:s7] =	ssyncadd.s32 @p4 $0xFFFFD800  }
.LBB2_9:
0x150: {  	_ =	sfence.sel $0x180000  }
0x151: {  	[bflag:$0x0] =	sbarrier.arrive $0xFFFF  }
0x152: {  	_ =	strace $0x9000004A  }
0x153: {  	s0 =	stileid.u32;
	[bflag:$0x2] =	sbarrier.arrive $0xFFFF  }
0x154: {  	p0 =	sne.s32 s0, $0x0;
	s0 =	rddreg [dreg:$0x3]  }
0x155: {  	s0 =	sadd.s32 @!p0 $0x100000, s0  }
0x156: {  	[sflag:s0] =	ssyncadd.tile.s32 @!p0 $0x1;
	_ =	shalt  }
.Lfunc_end2:
_tile_overlayer_lowered:
.L_overlay_start_2:
0x157: {  	(tag) =	ssettag $0x2  }
0x158: {  	s0 =	rddreg [dreg:$0x0];
	s2 =	stileid.u32  }
0x159: {  	s1 =	rddreg [dreg:$0x1];
	p0 =	sne.s32 s2, $0x0  }
0x15a: {  	s3 =	rddreg [dreg:$0x2];
	[bflag:$0x3] =	sbarrier.arrive $0xFFFF;
	s2 =	simm.s32 @!p0 $0x1C0D  }
0x15b: {  	[timem:s3], [sflag:s2] =	dma.local @!p0 [hbm:s0], s1  }
0x15c: {  	s0 =	simm.s32 @!p0 $0xD  }
0x15d: {  	_ =	swait.ge @!p0 [sflag:s0], s1  }
0x15e: {  	s1 =	ssub.s32 @!p0 $0x0, s1;
	[sflag:s0] =	ssyncset.done @!p0 $0x0  }
0x15f: {  	[sflag:s0] =	ssyncadd.s32 @!p0 s1  }
0x160: {  	[bflag:$0x3] =	sbarrier.arrive $0xFFFF  }
0x161: {  	_ =	shalt  }

// kernel: kernel.7.cloned.1.call-start
scs
__scs_entry_jumppad:
0x0: {  	(pc) =	sbr.rel $0x88, $3  }
0x1: {  	(tag) =	ssettag $0x0;
	lr =	simm.s32 $0x1  }
0x2: {  	[smem:$0x3F9B] =	sst lr;
	_ =	strace $0xD0000000  }
0x3: {  	_ = 	snop  }
0x4: {  	_ = 	snop  }
0x5: {  	_ = 	snop  }
0x6: {  	_ = 	snop  }
0x7: {  	_ = 	snop  }
__scs_overlays_trampoline_lowered:
0x8: {  	[smem:$0x3FAA] =	sst s0  }
0x9: {  	[smem:$0x3FAB] =	sst s1  }
0xa: {  	[smem:$0x3FAC] =	sst s2  }
0xb: {  	[smem:$0x3FAD] =	sst s3  }
0xc: {  	[smem:$0x3FAE] =	sst s4  }
0xd: {  	[smem:$0x3FAF] =	sst s5  }
0xe: {  	[smem:$0x3FB0] =	sst s6  }
0xf: {  	[smem:$0x3FB1] =	sst s7  }
0x10: {  	[smem:$0x3FB2] =	sst s8  }
0x11: {  	[smem:$0x3FB3] =	sst s9;
	s0 =	simm.s32 @!p0 $0x0  }
0x12: {  	s1 =	sld [smem:$0x3F99];
	s0 =	simm.s32 @p0 $0x1  }
0x13: {  	[smem:$0x3FB4] =	sst s0;
	s0 =	simm.s32 @!p1 $0x0  }
0x14: {  	s2 =	sld [smem:$0x3F98];
	s0 =	simm.s32 @p1 $0x1  }
0x15: {  	[smem:$0x3FB5] =	sst s0;
	s0 =	simm.s32 @!p2 $0x0  }
0x16: {  	s3 =	sld [smem:$0x3FDB];
	s0 =	simm.s32 @p2 $0x1  }
0x17: {  	s4 =	simm.s32 $0x1BF5;
	[smem:$0x3FB7] =	sst s0  }
0x18: {  	s0 =	sld [smem:$0x3F9A];
	_ =	swait.ge [sflag:s4], $0x0  }
0x19: {  	s7 =	sld [smem:$0x3F9B]  }
0x1a: {  	s8 =	sadd.s32 $0xFFFFE003, lr  }
0x1b: {  	s9 =	sadd.s32 $0xFFFFFEF7, lr;
	s5 =	simm.s32 $0xFFFFFFFF;
	p2 =	slt.u32 s8, $0xFFFFF086  }
0x1c: {  	p1 =	slt.u32 s9, $0xF7A;
	s5 =	simm.s32 @!p2 $0x0  }
0x1d: {  	s5 =	simm.s32 @p1 $0x1;
	p0 =	seq.s32 s7, s2  }
0x1e: {  	s7 =	smul.u32 @!p0 $0xF7A, s2;
	p2 =	seq.s32 @!p0 s5, $0x0  }
0x1f: {  	s9 =	smul.u32 $0xF7A, s1;
	s8 =	simm.s32 @!p0 $0x1BF5;
	p2 =	por !p2, p0  }
0x20: {  	[sflag:s8] =	ssyncset.s32 @!p0 $0xFFFFF086;
	s6 =	sadd.s32 @!p0 s3, s7;
	s7 =	simm.s32 @!p0 $0x108  }
0x21: {  	s3 =	sadd.s32 s3, s9;
	s6 =	sadd.s32 @!p0 $0x88, s6;
	s7 =	simm.s32 @p2 $0x1082  }
0x22: {  	[simem:s7], [sflag:s8] =	dma.local @!p0 [hbm:s6], $0xF7A  }
0x23: {  	s9 =	sor.u32 $0xD0000000, s2;
	s6 =	simm.s32 $0x108;
	_ =	swait.ge @!p0 [sflag:s8], $0x0  }
0x24: {  	s3 =	sadd.s32 $0x88, s3;
	s6 =	simm.s32 @!p1 $0x1082;
	[sflag:s4] =	ssyncset.s32 $0xFFFFF086  }
0x25: {  	[simem:s6], [sflag:s4] =	dma.local [hbm:s3], $0xF7A  }
0x26: {  	[smem:$0x3F9B] =	sst s1;
	(tag) =	ssettag s2;
	_ =	strace s9  }
0x27: {  	s1 =	sld [smem:$0x3FAB]  }
0x28: {  	s2 =	sld [smem:$0x3FAC]  }
0x29: {  	s4 =	sld [smem:$0x3FAE]  }
0x2a: {  	p0 =	seq.s32 s5, $0x0;
	s5 =	sld [smem:$0x3FAF]  }
0x2b: {  	s6 =	sld [smem:$0x3FB0]  }
0x2c: {  	s7 =	sld [smem:$0x3FB1]  }
0x2d: {  	s3 =	simm.s32 $0x108;
	s8 =	sld [smem:$0x3FB2]  }
0x2e: {  	s3 =	simm.s32 @!p0 $0x1082;
	s9 =	sld [smem:$0x3FB3]  }
0x2f: {  	lr =	sadd.s32 s0, s3;
	s0 =	sld [smem:$0x3FAA]  }
0x30: {  	s3 =	sld [smem:$0x3FAD]  }
0x31: {  	[smem:$0x3FB6] =	sst s10  }
0x32: {  	s10 =	sld [smem:$0x3FB4];
	_ =	sdelay $0x3  }
0x33: {  	p0 =	seq.s32 s10, $0x1;
	s10 =	sld [smem:$0x3FB6];
	_ =	sdelay $0x3  }
0x34: {  	[smem:$0x3FB6] =	sst s10  }
0x35: {  	s10 =	sld [smem:$0x3FB5];
	_ =	sdelay $0x3  }
0x36: {  	p1 =	seq.s32 s10, $0x1;
	s10 =	sld [smem:$0x3FB6];
	_ =	sdelay $0x3  }
0x37: {  	[smem:$0x3FB6] =	sst s10  }
0x38: {  	s10 =	sld [smem:$0x3FB7]  }
0x39: {  	_ = 	snop;
	(pc) =	sbr.ind lr, $3  }
0x3a: {  	_ = 	snop  }
0x3b: {  	_ = 	snop  }
0x3c: {  	p2 =	seq.s32 s10, $0x1;
	s10 =	sld [smem:$0x3FB6]  }
0x3d: {  	_ =	shalt  }
0x3e: {  	_ =	shalt  }
0x3f: {  	_ =	shalt  }
0x40: {  	_ =	shalt  }
0x41: {  	_ =	shalt  }
0x42: {  	_ =	shalt  }
0x43: {  	_ =	shalt  }
0x44: {  	_ =	shalt  }
0x45: {  	_ =	shalt  }
0x46: {  	_ =	shalt  }
0x47: {  	_ =	shalt  }
0x48: {  	_ =	shalt  }
0x49: {  	_ =	shalt  }
0x4a: {  	_ =	shalt  }
0x4b: {  	_ =	shalt  }
0x4c: {  	_ =	shalt  }
0x4d: {  	_ =	shalt  }
0x4e: {  	_ =	shalt  }
0x4f: {  	_ =	shalt  }
0x50: {  	_ =	shalt  }
0x51: {  	_ =	shalt  }
0x52: {  	_ =	shalt  }
0x53: {  	_ =	shalt  }
0x54: {  	_ =	shalt  }
0x55: {  	_ =	shalt  }
0x56: {  	_ =	shalt  }
0x57: {  	_ =	shalt  }
0x58: {  	_ =	shalt  }
0x59: {  	_ =	shalt  }
0x5a: {  	_ =	shalt  }
0x5b: {  	_ =	shalt  }
0x5c: {  	_ =	shalt  }
0x5d: {  	_ =	shalt  }
0x5e: {  	_ =	shalt  }
0x5f: {  	_ =	shalt  }
0x60: {  	_ =	shalt  }
0x61: {  	_ =	shalt  }
0x62: {  	_ =	shalt  }
0x63: {  	_ =	shalt  }
0x64: {  	_ =	shalt  }
0x65: {  	_ =	shalt  }
0x66: {  	_ =	shalt  }
0x67: {  	_ =	shalt  }
0x68: {  	_ =	shalt  }
0x69: {  	_ =	shalt  }
0x6a: {  	_ =	shalt  }
0x6b: {  	_ =	shalt  }
0x6c: {  	_ =	shalt  }
0x6d: {  	_ =	shalt  }
0x6e: {  	_ =	shalt  }
0x6f: {  	_ =	shalt  }
0x70: {  	_ =	shalt  }
0x71: {  	_ =	shalt  }
0x72: {  	_ =	shalt  }
0x73: {  	_ =	shalt  }
0x74: {  	_ =	shalt  }
0x75: {  	_ =	shalt  }
0x76: {  	_ =	shalt  }
0x77: {  	_ =	shalt  }
0x78: {  	_ =	shalt  }
0x79: {  	_ =	shalt  }
0x7a: {  	_ =	shalt  }
0x7b: {  	_ =	shalt  }
0x7c: {  	_ =	shalt  }
0x7d: {  	_ =	shalt  }
0x7e: {  	_ =	shalt  }
0x7f: {  	_ =	shalt  }
0x80: {  	_ =	shalt  }
0x81: {  	_ =	shalt  }
0x82: {  	_ =	shalt  }
0x83: {  	_ =	shalt  }
0x84: {  	_ =	shalt  }
0x85: {  	_ =	shalt  }
0x86: {  	_ =	shalt  }
0x87: {  	_ =	shalt  }
.Lfunc_end0:
.L_simem_size_0:
called_computation_lowered:
.L_overlay_start_0:
0x88: {  	s2 =	sld [smem:$0x3FD9]  }
0x89: {  	s3 =	sld [smem:$0x3FFE];
	_ =	sdelay $0x1  }
0x8a: {  	s1 =	srdreg.scid  }
0x8b: {  	s0 =	sand.u32 $0x1, s1  }
0x8c: {  	s16 =	sshll.u32 s0, $0xA;
	s2 =	sadd.s32 s3, s2  }
0x8d: {  	s2 =	sadd.s32 s2, s16  }
0x8e: {  	[smem:$0x3FC2] =	sst s2  }
0x8f: {  	_ = 	snop  }
0x90: {  	(tm) =	ssettm $0x1  }
0x91: {  	s17 =	sld [smem:$0x3FFB];
	_ =	sdelay $0x3  }
0x92: {  	_ =	strace s17  }
0x93: {  	s2 =	sld [smem:$0x3FFC];
	_ =	sdelay $0x3  }
0x94: {  	_ =	strace s2  }
0x95: {  	s2 =	sld [smem:$0x3FFD];
	_ =	sdelay $0x3  }
0x96: {  	_ =	strace s2  }
0x97: {  	_ =	strace $0x8FFFFFFF  }
0x98: {  	s18 =	sld [smem:$0x3FDB];
	_ =	sdelay $0x1  }
0x99: {  	s19 =	simm.s32 $_scs_section_size  }
0x9a: {  	s4 =	simm.s32 $_size__tile_overlayer_lowered;
	s5 =	simm.s32 $_tile_overlayer_lowered  }
0x9b: {  	s22 =	simm.s32 $0x1BFF;
	s21 =	sshll.u32 s5, $0x1;
	s2 =	sadd.s32 s19, s18  }
0x9c: {  	s6 =	simm.s32 $0x0;
	s20 =	sshll.u32 s4, $0x1;
	s4 =	sadd.s32 s21, s2  }
0x9d: {  	[timem:s6], [sflag:s22] =	dma.local [hbm:s4], s20  }
0x9e: {  	_ =	swait.ge [sflag:s22], s20  }
0x9f: {  	s3 =	ssub.s32 $0x0, s20;
	[sflag:s22] =	ssyncset.done $0x0  }
0xa0: {  	[sflag:s22] =	ssyncadd.s32 s3;
	_ =	sdelay $0x1  }
0xa1: {  	s23 =	simm.s32 $0x1B8B  }
0xa2: {  	_ =	swait.ge [sflag:s23], $0x1  }
0xa3: {  	[sflag:s23] =	ssyncset.done $0x0  }
0xa4: {  	s25 =	simm.s32 $0x1B8E;
	s24 =	sld [smem:$0x3FFE];
	[sflag:s23] =	ssyncadd.s32 $0xFFFFFFFF  }
0xa5: {  	s26 =	simm.s32 $execute0_lowered;
	[smem:$0x3FD2] =	sst s25  }
0xa6: {  	s4 =	sshll.u32 s26, $0x1;
	_ =	strace $0x80000046;
	[dreg:$0x1] =	wrdreg $0xFFFFFFFF  }
0xa7: {  	s28 =	simm.s32 $_size_execute0_lowered;
	s2 =	sadd.s32 s2, s4;
	[dreg:$0x0] =	wrdreg $0x0  }
0xa8: {  	s4 =	sshll.u32 s28, $0x1;
	[dreg:$0x2] =	wrdreg s2  }
0xa9: {  	[dreg:$0x3] =	wrdreg s4  }
0xaa: {  	[dreg:$0x4] =	wrdreg $0xC0  }
0xab: {  	_ =	task [dreg:s6], $0x5FFFF  }
0xac: {  	[dreg:$0x1] =	wrdreg $0xFFFFFFFF  }
0xad: {  	[dreg:$0x0] =	wrdreg $0x60  }
0xae: {  	[dreg:$0x2] =	wrdreg s24  }
0xaf: {  	[dreg:$0x3] =	wrdreg $0x0  }
0xb0: {  	[dreg:$0x4] =	wrdreg $0xA0000  }
0xb1: {  	[dreg:$0x5] =	wrdreg $0x9  }
0xb2: {  	_ =	task.clear_ibuf [dreg:s6], $0x6FFFF;
	_ =	strace $0x90000046  }
0xb3: {  	s29 =	simm.s32 $0x9;
	_ =	strace $0x80000048  }
0xb4: {  	_ =	swait.ge [sflag:s29], $0x1  }
0xb5: {  	[sflag:s29] =	ssyncadd.s32 $0xFFFFFFFF  }
0xb6: {  	_ =	strace $0x90000048  }
0xb7: {  	_ =	sfence  }
0xb8: {  	s30 =	sld [smem:$0x0];
	_ =	sdelay $0x2  }
0xb9: {  	s31 =	sshll.u32 s1, $0xD;
	s1 =	sshrl.u32 s1, $0x2  }
0xba: {  	s3 =	sand.u32 $0x4000, s31;
	s1 =	sadd.s32 s1, s30  }
0xbb: {  	s0 =	sor.u32 s3, s0;
	s1 =	sshll.u32 s1, $0x11  }
0xbc: {  	s0 =	sor.u32 s1, s0  }
0xbd: {  	s0 =	sadd.s32 $0x8F2B, s0  }
0xbe: {  	[sflag:s0] =	ssyncadd.remote.s32 $0x1  }
0xbf: {  	_ =	sfence.sel $0xFFFF  }
0xc0: {  	[dreg:$0x0] =	wrdreg $0xFFFFFFFF;
	(pc) =	sbr.abs _section_cstart, $3  }
0xc1: {  	[dreg:$0x1] =	wrdreg $0xFFFFFFFF  }
0xc2: {  	_ =	task.clear_ibuf [dreg:s6], $0x2FFFF;
	_ =	strace $0x9FFFFFFF  }
0xc3: {  	(tm) =	ssettm $0x7FFFFFFF  }
tec
execute0_lowered:
.L_overlay_start_1:
0x0: {  	(tag) =	ssettag $0x1  }
0x1: {  	s0 =	rddreg [dreg:$0x0]  }
0x2: {  	s1 =	rddreg [dreg:$0x1]  }
0x3: {  	s2 =	rddreg [dreg:$0x2];
	s3 =	simm.s32 $0x0  }
0x4: {  	s7 =	srdreg.scid;
	s17 =	simm.s32 $0xD;
	s28 =	simm.s32 $0x1C380  }
0x5: {  	s29 =	simm.s32 $0x1;
	s30 =	simm.s32 $0x7;
	s31 =	simm.s32 $0x19200  }
0x6: {  	[smem:$0x7FF] =	sst s3;
	s3 =	stileid.u32;
	s4 =	sadd.s32 $0xC600, s0  }
0x7: {  	s5 =	sadd.s32 $0x33800, s0;
	s8 =	sadd.s32 $0x5AA00, s0;
	s6 =	smul.u32 $0x504, s3  }
0x8: {  	s7 =	sand.u32 $0x1, s7;
	s23 =	sadd.s32 $0x5BE00, s0;
	s9 =	smul.u32 $0xA000, s3  }
0x9: {  	_ =	strace $0x80000047;
	[dreg:$0x4] =	wrdreg s8;
	s19 =	smul.u32 $0x1388, s7  }
0xa: {  	s10 =	sadd.s32 $0x5D200, s0;
	[dreg:$0x5] =	wrdreg s23;
	s12 =	smul.u32 $0x9C00, s3  }
0xb: {  	s24 =	ssub.s32 $0x2, s7;
	s25 =	sshll.u32 s3, $0x6;
	s14 =	smul.u32 $0x138, s3  }
0xc: {  	s7 =	smul.u32 $0x9C400, s7;
	p0 =	sne.s32 s3, $0x0;
	s3 =	simm.s32 $0x1D380  }
0xd: {  	s11 =	sshrl.u32 s24, $0x1;
	s21 =	sor.u32 $0x1C0D, s25;
	s6 =	sadd.s32 s6, s0  }
0xe: {  	s0 =	sadd.s32 $0x84400, s0;
	s11 =	ssub.s32 s24, s11;
	s13 =	sadd.s32 s9, s1  }
0xf: {  	s9 =	sadd.s32 s9, s2;
	s15 =	sadd.s32 s14, s19;
	s16 =	sadd.s32 s12, s1  }
0x10: {  	s7 =	sshrl.u32 s7, $0x3;
	s12 =	sadd.s32 s12, s2;
	s14 =	simm.s32 $0x9  }
0x11: {  	[dreg:$0x6] =	wrdreg s21;
	s26 =	sadd.s32 $0x2200, s6;
	s6 =	sadd.s32 $0x7400, s6  }
0x12: {  	s7 =	sadd.s32 $0x13800, s7;
	s22 =	smax.u32 s11, $0x1;
	[dreg:$0x7] =	wrdreg s26  }
0x13: {  	s23 =	sshrl.u32 s13, $0x3;
	s24 =	sshrl.u32 s9, $0x3;
	[dreg:$0x8] =	wrdreg s6  }
0x14: {  	s25 =	sshrl.u32 s16, $0x3;
	s9 =	simm.s32 $0x19280;
	[dreg:$0xd] =	wrdreg s22  }
0x15: {  	s11 =	simm.s32 $0x1B380;
	s13 =	simm.s32 $0x3;
	[dreg:$0xe] =	wrdreg s23  }
0x16: {  	s16 =	simm.s32 $0x4;
	s6 =	sshll.u32 s15, $0x4;
	[dreg:$0xf] =	wrdreg s24  }
0x17: {  	s20 =	sadd.s32 s10, s7;
	[dreg:$0x10] =	wrdreg s25;
	s26 =	sshrl.u32 s12, $0x3  }
0x18: {  	s25 =	simm.s32 $0x20;
	s12 =	simm.s32 $0x1E380;
	s15 =	simm.s32 $0x19300  }
0x19: {  	s22 =	simm.s32 $0x5;
	s23 =	simm.s32 $0xB;
	s24 =	simm.s32 $0x6  }
0x1a: {  	s18 =	sadd.s32 s10, s6;
	s6 =	sadd.s32 s0, s6;
	[dreg:$0xb] =	wrdreg s20  }
0x1b: {  	s10 =	sadd.s32 $0x9C000, s2;
	s0 =	sadd.s32 s0, s7;
	[dreg:$0x11] =	wrdreg s26  }
0x1c: {  	s26 =	simm.s32 $0x19380;
	s20 =	simm.s32 $0x1A380;
	[dreg:$0x9] =	wrdreg s18  }
0x1d: {  	s7 =	simm.s32 $0x8;
	[dreg:$0xa] =	wrdreg s6;
	s6 =	sadd.s32 $0x9C000, s1  }
0x1e: {  	[dreg:$0xc] =	wrdreg s0;
	s18 =	simm.s32 $0xA;
	s0 =	sshrl.u32 @!p0 s6, $0x3  }
0x1f: {  	s6 =	simm.s32 $0x2;
	[dreg:$0x12] =	wrdreg s0;
	s0 =	sshrl.u32 @!p0 s10, $0x3  }
0x20: {  	v1 =	vimm.s32 $0x0;
	v2 =	vimm.s32 $0x13EC;
	v0 =	vmov s19;
	s10 =	simm.s32 $0x0;
	[dreg:$0x13] =	wrdreg s0;
	s0 =	simm.s32 $0xC  }
.LBB2_1:
0x21: {  	s8 =	rddreg [dreg:$0x4]  }
0x22: {  	s19 =	rddreg [dreg:$0xe]  }
0x23: {  	[spmem:s19], [sflag:s21] =	dma.local [hbm:s8], $0x1400  }
0x24: {  	_ =	swait.ge [sflag:s17], $0x1400  }
0x25: {  	[sflag:s17] =	ssyncset.done $0x0;
	s8 =	rddreg [dreg:$0x5]  }
0x26: {  	s19 =	rddreg [dreg:$0xf];
	[sflag:s17] =	ssyncadd.s32 $0xFFFFEC00  }
0x27: {  	[spmem:s19], [sflag:s21] =	dma.local [hbm:s8], $0x1400  }
0x28: {  	_ =	swait.ge [sflag:s17], $0x1400  }
0x29: {  	s8 =	simm.s32 $0x0;
	[sflag:s17] =	ssyncset.done $0x0  }
0x2a: {  	s21 =	simm.s32 $0x14000;
	s19 =	rddreg [dreg:$0x7];
	[sflag:s17] =	ssyncadd.s32 $0xFFFFEC00  }
0x2b: {  	[tilespmem:s21], [sflag:$0xD] =	stream.linear.gather [hbm4b:s19+s8], $0x2820, $0x38;
	[tilespmem:$0x1F380] =	vst v63  }
0x2c: {  	_ =	swait.ge [sflag:s17], $0x2820  }
0x2d: {  	[sflag:s17] =	ssyncset.done $0x0  }
0x2e: {  	s21 =	simm.s32 $0x16900;
	s19 =	rddreg [dreg:$0x8];
	[sflag:s17] =	ssyncadd.s32 $0xFFFFD7E0  }
0x2f: {  	[tilespmem:s21], [sflag:$0xD] =	stream.linear.gather [hbm4b:s19+s8], $0x2820, $0x38;
	[tilespmem:$0x1F380] =	vst v63  }
0x30: {  	_ =	swait.ge [sflag:s17], $0x2820  }
0x31: {  	[sflag:s17] =	ssyncset.done $0x0  }
0x32: {  	s19 =	simm.s32 $0x0;
	s21 =	simm.s32 $0x40;
	[sflag:s17] =	ssyncadd.s32 $0xFFFFD7E0  }
.LBB2_2:
0x33: {  	p1 =	sne.s32 s21, $0xA040;
	v3 =	vld [tilespmem:s19+$0x16900];
	_ =	sdelay $0x3  }
.Ltmp0:
0x34: {  	(pc) =	sbr.rel @p1 .LBB2_2-.Ltmp0, $4  }
0x35: {  	v3 =	vsub.s32 v3, v0  }
0x36: {  	vm0 =	vlt.u32 v3, $0x1388  }
0x37: {  	v3 =	vnsel vm0, $0x13EC, v3  }
0x38: {  	[tilespmem:s19+$0x16900] =	vst v3;
	s19 =	sshra.s32 s21, $0x2;
	s21 =	sadd.s32 $0x40, s21  }
0x39: {  	v3 =	vld [tilespmem:s19+$0x16900];
	_ =	sdelay $0x4  }
0x3a: {  	v3 =	vsub.s32 v3, v0  }
0x3b: {  	vm0 =	vlt.u32 v3, $0x1388  }
0x3c: {  	v3 =	vnsel vm0, $0x13EC, v3  }
0x3d: {  	[tilespmem:s19+$0x16900] =	vst v3  }
0x3e: {  	[tilespmem:$0x16820] =	vst v1  }
0x3f: {  	[tilespmem:$0x19120] =	vst v2  }
0x40: {  	[tilespmem:$0x16830] =	vst v1  }
0x41: {  	[dreg:$0x14] =	wrdreg s10;
	[tilespmem:$0x19130] =	vst v2  }
0x42: {  	s8 =	simm.s32 $0x14000;
	[bflag:$0x0] =	sbarrier.arrive $0xFFFF  }
0x43: {  	[tilespmem:s26], [sflag:$0x1] =	stream.indirect.gather [hbm4b:s4+s25], $0x80, s8, s25, $0xb8;
	[tilespmem:$0x1F380] =	vst v63  }
0x44: {  	_ = 	snop  }
0x45: {  	[tilespmem:s28], [sflag:$0x7] =	stream.indirect.gather [hbm4b:s5+s25], $0x80, s8, s25, $0xb8;
	[tilespmem:$0x1F380] =	vst v63  }
0x46: {  	_ =	swait.ge [sflag:s29], $0x1000  }
0x47: {  	[sflag:s29] =	ssyncset.done $0x0  }
0x48: {  	[sflag:s29] =	ssyncadd.s32 $0xFFFFF000  }
0x49: {  	_ =	swait.ge [sflag:s30], $0x1000  }
0x4a: {  	[sflag:s30] =	ssyncset.done $0x0  }
0x4b: {  	[sflag:s30] =	ssyncadd.s32 $0xFFFFF000  }
0x4c: {  	v3 =	vld [tilespmem:$0x16900]  }
0x4d: {  	v4 =	vld [tilespmem:$0x16910];
	_ =	sdelay $0x3  }
0x4e: {  	[tilespmem:$0x19200] =	vst v3  }
0x4f: {  	[tilespmem:$0x19210] =	vst v4  }
0x50: {  	[spmem:s1] =	stream.indirect.scatter.add.f32 [tilespmem:s26], [sflag:$0x4], $0x80, s31, s25, $0xb8;
	[tilespmem:$0x1F380] =	vst v63  }
0x51: {  	_ = 	snop  }
0x52: {  	[spmem:s2] =	stream.indirect.scatter.add.f32 [tilespmem:s28], [sflag:$0xA], $0x80, s31, s25, $0xb8;
	[tilespmem:$0x1F380] =	vst v63  }
0x53: {  	s10 =	simm.s32 $0x14020  }
0x54: {  	[tilespmem:s20], [sflag:$0x2] =	stream.indirect.gather [hbm4b:s4+s25], $0x80, s10, s25, $0xb8;
	[tilespmem:$0x1F380] =	vst v63  }
0x55: {  	_ = 	snop  }
0x56: {  	[tilespmem:s3], [sflag:$0x8] =	stream.indirect.gather [hbm4b:s5+s25], $0x80, s10, s25, $0xb8;
	[tilespmem:$0x1F380] =	vst v63  }
0x57: {  	_ =	swait.ge [sflag:s6], $0x1000  }
0x58: {  	[sflag:s6] =	ssyncset.done $0x0  }
0x59: {  	[sflag:s6] =	ssyncadd.s32 $0xFFFFF000  }
0x5a: {  	_ =	swait.ge [sflag:s7], $0x1000  }
0x5b: {  	[sflag:s7] =	ssyncset.done $0x0  }
0x5c: {  	[sflag:s7] =	ssyncadd.s32 $0xFFFFF000  }
0x5d: {  	v3 =	vld [tilespmem:$0x16920]  }
0x5e: {  	v62 =	vld [tilespmem:$0x16930];
	_ =	sdelay $0x3  }
0x5f: {  	[tilespmem:$0x19280] =	vst v3  }
0x60: {  	[tilespmem:$0x19290] =	vst v62  }
0x61: {  	[spmem:s1] =	stream.indirect.scatter.add.f32 [tilespmem:s20], [sflag:$0x5], $0x80, s9, s25, $0xb8;
	[tilespmem:$0x1F380] =	vst v63  }
0x62: {  	_ = 	snop  }
0x63: {  	[spmem:s2] =	stream.indirect.scatter.add.f32 [tilespmem:s3], [sflag:$0xB], $0x80, s9, s25, $0xb8;
	[tilespmem:$0x1F380] =	vst v63  }
0x64: {  	s19 =	simm.s32 $0x14040  }
0x65: {  	[tilespmem:s11], [sflag:$0x3] =	stream.indirect.gather [hbm4b:s4+s25], $0x80, s19, s25, $0xb8;
	[tilespmem:$0x1F380] =	vst v63  }
0x66: {  	_ = 	snop  }
0x67: {  	[tilespmem:s12], [sflag:$0x9] =	stream.indirect.gather [hbm4b:s5+s25], $0x80, s19, s25, $0xb8;
	[tilespmem:$0x1F380] =	vst v63  }
0x68: {  	_ =	swait.ge [sflag:s13], $0x1000  }
0x69: {  	[sflag:s13] =	ssyncset.done $0x0  }
0x6a: {  	[sflag:s13] =	ssyncadd.s32 $0xFFFFF000  }
0x6b: {  	_ =	swait.ge [sflag:s14], $0x1000  }
0x6c: {  	[sflag:s14] =	ssyncset.done $0x0  }
0x6d: {  	[sflag:s14] =	ssyncadd.s32 $0xFFFFF000  }
0x6e: {  	v3 =	vld [tilespmem:$0x16940]  }
0x6f: {  	v63 =	vld [tilespmem:$0x16950];
	_ =	sdelay $0x3  }
0x70: {  	[tilespmem:$0x19300] =	vst v3  }
0x71: {  	[tilespmem:$0x19310] =	vst v63  }
0x72: {  	[spmem:s1] =	stream.indirect.scatter.add.f32 [tilespmem:s11], [sflag:$0x6], $0x80, s15, s25, $0xb8;
	[tilespmem:$0x1F380] =	vst v63  }
0x73: {  	_ = 	snop  }
0x74: {  	[spmem:s2] =	stream.indirect.scatter.add.f32 [tilespmem:s12], [sflag:$0xC], $0x80, s15, s25, $0xb8;
	[tilespmem:$0x1F380] =	vst v63  }
0x75: {  	_ =	swait.ge [sflag:s16], $0x1000  }
0x76: {  	[sflag:s16] =	ssyncset.done $0x0  }
0x77: {  	[sflag:s16] =	ssyncadd.s32 $0xFFFFF000  }
0x78: {  	_ =	swait.ge [sflag:s18], $0x1000  }
0x79: {  	[sflag:s18] =	ssyncset.done $0x0  }
0x7a: {  	s21 =	simm.s32 $0x14060;
	[sflag:s18] =	ssyncadd.s32 $0xFFFFF000  }
0x7b: {  	[tilespmem:s26], [sflag:$0x1] =	stream.indirect.gather [hbm4b:s4+s25], $0x80, s21, s25, $0xb8;
	[tilespmem:$0x1F380] =	vst v63  }
0x7c: {  	_ = 	snop  }
0x7d: {  	[tilespmem:s28], [sflag:$0x7] =	stream.indirect.gather [hbm4b:s5+s25], $0x80, s21, s25, $0xb8;
	[tilespmem:$0x1F380] =	vst v63  }
0x7e: {  	_ =	swait.ge [sflag:s29], $0x1000  }
0x7f: {  	[sflag:s29] =	ssyncset.done $0x0  }
0x80: {  	[sflag:s29] =	ssyncadd.s32 $0xFFFFF000  }
0x81: {  	_ =	swait.ge [sflag:s30], $0x1000  }
0x82: {  	[sflag:s30] =	ssyncset.done $0x0  }
0x83: {  	s8 =	simm.s32 $0x0;
	[sflag:s30] =	ssyncadd.s32 $0xFFFFF000  }
0x84: {  	v3 =	vld [tilespmem:s8+$0x16960];
	_ =	sdelay $0x4  }
0x85: {  	[tilespmem:$0x19200] =	vst v3  }
0x86: {  	v3 =	vld [tilespmem:s8+$0x16970];
	_ =	sdelay $0x4  }
0x87: {  	[tilespmem:$0x19210] =	vst v3  }
0x88: {  	[spmem:s1] =	stream.indirect.scatter.add.f32 [tilespmem:s26], [sflag:$0x4], $0x80, s31, s25, $0xb8;
	[tilespmem:$0x1F380] =	vst v63  }
0x89: {  	_ =	swait.ge [sflag:s22], $0x1000  }
0x8a: {  	[sflag:s22] =	ssyncset.done $0x0  }
0x8b: {  	s21 =	simm.s32 $0x14080;
	[sflag:s22] =	ssyncadd.s32 $0xFFFFF000  }
0x8c: {  	[tilespmem:s20], [sflag:$0x2] =	stream.indirect.gather [hbm4b:s4+s25], $0x80, s21, s25, $0xb8;
	[tilespmem:$0x1F380] =	vst v63  }
0x8d: {  	_ = 	snop  }
0x8e: {  	[spmem:s2] =	stream.indirect.scatter.add.f32 [tilespmem:s28], [sflag:$0xA], $0x80, s31, s25, $0xb8;
	[tilespmem:$0x1F380] =	vst v63  }
0x8f: {  	_ =	swait.ge [sflag:s23], $0x1000  }
0x90: {  	[sflag:s23] =	ssyncset.done $0x0  }
0x91: {  	[sflag:s23] =	ssyncadd.s32 $0xFFFFF000  }
0x92: {  	[tilespmem:s3], [sflag:$0x8] =	stream.indirect.gather [hbm4b:s5+s25], $0x80, s21, s25, $0xb8;
	[tilespmem:$0x1F380] =	vst v63  }
0x93: {  	_ =	swait.ge [sflag:s6], $0x1000  }
0x94: {  	[sflag:s6] =	ssyncset.done $0x0  }
0x95: {  	[sflag:s6] =	ssyncadd.s32 $0xFFFFF000  }
0x96: {  	_ =	swait.ge [sflag:s7], $0x1000  }
0x97: {  	[sflag:s7] =	ssyncset.done $0x0  }
0x98: {  	[sflag:s7] =	ssyncadd.s32 $0xFFFFF000  }
0x99: {  	v3 =	vld [tilespmem:s8+$0x16980];
	_ =	sdelay $0x4  }
0x9a: {  	[tilespmem:$0x19280] =	vst v3  }
0x9b: {  	v3 =	vld [tilespmem:s8+$0x16990];
	_ =	sdelay $0x4  }
0x9c: {  	[tilespmem:$0x19290] =	vst v3  }
0x9d: {  	[spmem:s1] =	stream.indirect.scatter.add.f32 [tilespmem:s20], [sflag:$0x5], $0x80, s9, s25, $0xb8;
	[tilespmem:$0x1F380] =	vst v63  }
0x9e: {  	_ =	swait.ge [sflag:s24], $0x1000  }
0x9f: {  	[sflag:s24] =	ssyncset.done $0x0  }
0xa0: {  	s10 =	simm.s32 $0x140A0;
	[sflag:s24] =	ssyncadd.s32 $0xFFFFF000  }
0xa1: {  	[tilespmem:s11], [sflag:$0x3] =	stream.indirect.gather [hbm4b:s4+s25], $0x80, s10, s25, $0xb8;
	[tilespmem:$0x1F380] =	vst v63  }
0xa2: {  	_ = 	snop  }
0xa3: {  	[spmem:s2] =	stream.indirect.scatter.add.f32 [tilespmem:s3], [sflag:$0xB], $0x80, s9, s25, $0xb8;
	[tilespmem:$0x1F380] =	vst v63  }
0xa4: {  	_ =	swait.ge [sflag:s0], $0x1000  }
0xa5: {  	[sflag:s0] =	ssyncset.done $0x0  }
0xa6: {  	[sflag:s0] =	ssyncadd.s32 $0xFFFFF000  }
0xa7: {  	[tilespmem:s12], [sflag:$0x9] =	stream.indirect.gather [hbm4b:s5+s25], $0x80, s10, s25, $0xb8;
	[tilespmem:$0x1F380] =	vst v63  }
0xa8: {  	_ =	swait.ge [sflag:s13], $0x1000  }
0xa9: {  	[sflag:s13] =	ssyncset.done $0x0  }
0xaa: {  	[sflag:s13] =	ssyncadd.s32 $0xFFFFF000  }
0xab: {  	_ =	swait.ge [sflag:s14], $0x1000  }
0xac: {  	[sflag:s14] =	ssyncset.done $0x0  }
0xad: {  	[sflag:s14] =	ssyncadd.s32 $0xFFFFF000  }
0xae: {  	v3 =	vld [tilespmem:s8+$0x169A0];
	_ =	sdelay $0x4  }
0xaf: {  	[tilespmem:$0x19300] =	vst v3  }
0xb0: {  	v3 =	vld [tilespmem:s8+$0x169B0];
	_ =	sdelay $0x4  }
0xb1: {  	[tilespmem:$0x19310] =	vst v3  }
0xb2: {  	[spmem:s1] =	stream.indirect.scatter.add.f32 [tilespmem:s11], [sflag:$0x6], $0x80, s15, s25, $0xb8;
	[tilespmem:$0x1F380] =	vst v63  }
0xb3: {  	_ =	swait.ge [sflag:s16], $0x1000  }
0xb4: {  	[sflag:s16] =	ssyncset.done $0x0  }
0xb5: {  	s19 =	simm.s32 $0x140C0;
	[sflag:s16] =	ssyncadd.s32 $0xFFFFF000  }
0xb6: {  	[tilespmem:s26], [sflag:$0x1] =	stream.indirect.gather [hbm4b:s4+s25], $0x80, s19, s25, $0xb8;
	[tilespmem:$0x1F380] =	vst v63  }
0xb7: {  	_ = 	snop  }
0xb8: {  	[spmem:s2] =	stream.indirect.scatter.add.f32 [tilespmem:s12], [sflag:$0xC], $0x80, s15, s25, $0xb8;
	[tilespmem:$0x1F380] =	vst v63  }
0xb9: {  	_ =	swait.ge [sflag:s18], $0x1000  }
0xba: {  	[sflag:s18] =	ssyncset.done $0x0  }
0xbb: {  	s21 =	simm.s32 $0x180;
	[sflag:s18] =	ssyncadd.s32 $0xFFFFF000  }
.LBB2_4:
0xbc: {  	[tilespmem:s28], [sflag:$0x7] =	stream.indirect.gather [hbm4b:s5+s25], $0x80, s19, s25, $0xb8;
	[tilespmem:$0x1F380] =	vst v63  }
0xbd: {  	s19 =	smov.u32 s21  }
0xbe: {  	p1 =	sne.s32 s21, $0x9D80;
	s21 =	sadd.s32 $0x180, s21;
	_ =	swait.ge [sflag:s29], $0x1000  }
0xbf: {  	[sflag:s29] =	ssyncset.done $0x0  }
0xc0: {  	[sflag:s29] =	ssyncadd.s32 $0xFFFFF000  }
0xc1: {  	_ =	swait.ge [sflag:s30], $0x1000  }
0xc2: {  	[sflag:s30] =	ssyncset.done $0x0  }
0xc3: {  	s19 =	sshra.s32 s19, $0x2;
	[sflag:s30] =	ssyncadd.s32 $0xFFFFF000  }
0xc4: {  	v3 =	vld [tilespmem:s19+$0x16960];
	_ =	sdelay $0x4  }
0xc5: {  	[tilespmem:$0x19200] =	vst v3  }
0xc6: {  	v3 =	vld [tilespmem:s19+$0x16970];
	_ =	sdelay $0x4  }
0xc7: {  	[tilespmem:$0x19210] =	vst v3  }
0xc8: {  	[spmem:s1] =	stream.indirect.scatter.add.f32 [tilespmem:s26], [sflag:$0x4], $0x80, s31, s25, $0xb8;
	[tilespmem:$0x1F380] =	vst v63  }
0xc9: {  	_ =	swait.ge [sflag:s22], $0x1000  }
0xca: {  	[sflag:s22] =	ssyncset.done $0x0  }
0xcb: {  	s8 =	sadd.s32 $0x14080, s19;
	[sflag:s22] =	ssyncadd.s32 $0xFFFFF000  }
0xcc: {  	[tilespmem:s20], [sflag:$0x2] =	stream.indirect.gather [hbm4b:s4+s25], $0x80, s8, s25, $0xb8;
	[tilespmem:$0x1F380] =	vst v63  }
0xcd: {  	_ = 	snop  }
0xce: {  	[spmem:s2] =	stream.indirect.scatter.add.f32 [tilespmem:s28], [sflag:$0xA], $0x80, s31, s25, $0xb8;
	[tilespmem:$0x1F380] =	vst v63  }
0xcf: {  	_ =	swait.ge [sflag:s23], $0x1000  }
0xd0: {  	[sflag:s23] =	ssyncset.done $0x0  }
0xd1: {  	[sflag:s23] =	ssyncadd.s32 $0xFFFFF000  }
0xd2: {  	[tilespmem:s3], [sflag:$0x8] =	stream.indirect.gather [hbm4b:s5+s25], $0x80, s8, s25, $0xb8;
	[tilespmem:$0x1F380] =	vst v63  }
0xd3: {  	_ =	swait.ge [sflag:s6], $0x1000  }
0xd4: {  	[sflag:s6] =	ssyncset.done $0x0  }
0xd5: {  	[sflag:s6] =	ssyncadd.s32 $0xFFFFF000  }
0xd6: {  	_ =	swait.ge [sflag:s7], $0x1000  }
0xd7: {  	[sflag:s7] =	ssyncset.done $0x0  }
0xd8: {  	[sflag:s7] =	ssyncadd.s32 $0xFFFFF000  }
0xd9: {  	v3 =	vld [tilespmem:s19+$0x16980];
	_ =	sdelay $0x4  }
0xda: {  	[tilespmem:$0x19280] =	vst v3  }
0xdb: {  	v3 =	vld [tilespmem:s19+$0x16990];
	_ =	sdelay $0x4  }
0xdc: {  	[tilespmem:$0x19290] =	vst v3  }
0xdd: {  	[spmem:s1] =	stream.indirect.scatter.add.f32 [tilespmem:s20], [sflag:$0x5], $0x80, s9, s25, $0xb8;
	[tilespmem:$0x1F380] =	vst v63  }
0xde: {  	_ =	swait.ge [sflag:s24], $0x1000  }
0xdf: {  	[sflag:s24] =	ssyncset.done $0x0  }
0xe0: {  	s8 =	sadd.s32 $0x140A0, s19;
	[sflag:s24] =	ssyncadd.s32 $0xFFFFF000  }
0xe1: {  	[tilespmem:s11], [sflag:$0x3] =	stream.indirect.gather [hbm4b:s4+s25], $0x80, s8, s25, $0xb8;
	[tilespmem:$0x1F380] =	vst v63  }
0xe2: {  	_ = 	snop  }
0xe3: {  	[spmem:s2] =	stream.indirect.scatter.add.f32 [tilespmem:s3], [sflag:$0xB], $0x80, s9, s25, $0xb8;
	[tilespmem:$0x1F380] =	vst v63  }
0xe4: {  	_ =	swait.ge [sflag:s0], $0x1000  }
0xe5: {  	[sflag:s0] =	ssyncset.done $0x0  }
0xe6: {  	[sflag:s0] =	ssyncadd.s32 $0xFFFFF000  }
0xe7: {  	[tilespmem:s12], [sflag:$0x9] =	stream.indirect.gather [hbm4b:s5+s25], $0x80, s8, s25, $0xb8;
	[tilespmem:$0x1F380] =	vst v63  }
0xe8: {  	_ =	swait.ge [sflag:s13], $0x1000  }
0xe9: {  	[sflag:s13] =	ssyncset.done $0x0  }
0xea: {  	[sflag:s13] =	ssyncadd.s32 $0xFFFFF000  }
0xeb: {  	_ =	swait.ge [sflag:s14], $0x1000  }
0xec: {  	[sflag:s14] =	ssyncset.done $0x0  }
0xed: {  	[sflag:s14] =	ssyncadd.s32 $0xFFFFF000  }
0xee: {  	v3 =	vld [tilespmem:s19+$0x169A0];
	_ =	sdelay $0x4  }
0xef: {  	[tilespmem:$0x19300] =	vst v3  }
0xf0: {  	v3 =	vld [tilespmem:s19+$0x169B0];
	_ =	sdelay $0x4  }
0xf1: {  	[tilespmem:$0x19310] =	vst v3  }
0xf2: {  	[spmem:s1] =	stream.indirect.scatter.add.f32 [tilespmem:s11], [sflag:$0x6], $0x80, s15, s25, $0xb8;
	[tilespmem:$0x1F380] =	vst v63  }
0xf3: {  	_ =	swait.ge [sflag:s16], $0x1000  }
0xf4: {  	[sflag:s16] =	ssyncset.done $0x0  }
0xf5: {  	s19 =	sadd.s32 $0x140C0, s19;
	[sflag:s16] =	ssyncadd.s32 $0xFFFFF000  }
0xf6: {  	[tilespmem:s26], [sflag:$0x1] =	stream.indirect.gather [hbm4b:s4+s25], $0x80, s19, s25, $0xb8;
	[tilespmem:$0x1F380] =	vst v63  }
.Ltmp1:
0xf7: {  	(pc) =	sbr.rel @p1 .LBB2_4-.Ltmp1, $4  }
0xf8: {  	[spmem:s2] =	stream.indirect.scatter.add.f32 [tilespmem:s12], [sflag:$0xC], $0x80, s15, s25, $0xb8;
	[tilespmem:$0x1F380] =	vst v63  }
0xf9: {  	_ =	swait.ge [sflag:s18], $0x1000  }
0xfa: {  	[sflag:s18] =	ssyncset.done $0x0  }
0xfb: {  	[sflag:s18] =	ssyncadd.s32 $0xFFFFF000  }
0xfc: {  	[tilespmem:s28], [sflag:$0x7] =	stream.indirect.gather [hbm4b:s5+s25], $0x80, s19, s25, $0xb8;
	[tilespmem:$0x1F380] =	vst v63  }
0xfd: {  	_ =	swait.ge [sflag:s22], $0x1000  }
0xfe: {  	[sflag:s22] =	ssyncset.done $0x0  }
0xff: {  	[sflag:s22] =	ssyncadd.s32 $0xFFFFF000  }
0x100: {  	_ =	swait.ge [sflag:s24], $0x1000  }
0x101: {  	[sflag:s24] =	ssyncset.done $0x0  }
0x102: {  	[sflag:s24] =	ssyncadd.s32 $0xFFFFF000  }
0x103: {  	_ =	swait.ge [sflag:s29], $0x1000  }
0x104: {  	[sflag:s29] =	ssyncset.done $0x0  }
0x105: {  	[sflag:s29] =	ssyncadd.s32 $0xFFFFF000  }
0x106: {  	_ =	swait.ge [sflag:s23], $0x1000  }
0x107: {  	[sflag:s23] =	ssyncset.done $0x0  }
0x108: {  	[sflag:s23] =	ssyncadd.s32 $0xFFFFF000  }
0x109: {  	_ =	swait.ge [sflag:s0], $0x1000  }
0x10a: {  	[sflag:s0] =	ssyncset.done $0x0  }
0x10b: {  	[sflag:s0] =	ssyncadd.s32 $0xFFFFF000  }
0x10c: {  	_ =	swait.ge [sflag:s30], $0x1000  }
0x10d: {  	[sflag:s30] =	ssyncset.done $0x0  }
0x10e: {  	[sflag:s30] =	ssyncadd.s32 $0xFFFFF000  }
0x10f: {  	[bflag:$0x0] =	sbarrier.arrive $0xFFFF  }
0x110: {  	s21 =	rddreg [dreg:$0x6]  }
0x111: {  	s8 =	rddreg [dreg:$0x9]  }
0x112: {  	s10 =	rddreg [dreg:$0x10]  }
0x113: {  	[hbm:s8], [sflag:s21] =	dma.local [spmem:s10], $0x1380  }
0x114: {  	_ =	swait.ge [sflag:s17], $0x1380  }
0x115: {  	[sflag:s17] =	ssyncset.done $0x0;
	s19 =	rddreg [dreg:$0xa]  }
0x116: {  	s10 =	rddreg [dreg:$0x11];
	[sflag:s17] =	ssyncadd.s32 $0xFFFFEC80  }
0x117: {  	[hbm:s19], [sflag:s21] =	dma.local [spmem:s10], $0x1380  }
0x118: {  	_ =	swait.ge [sflag:s17], $0x1380  }
0x119: {  	[sflag:s17] =	ssyncset.done $0x0;
	s8 =	rddreg [dreg:$0xb]  }
0x11a: {  	s19 =	rddreg [dreg:$0x12];
	[sflag:s17] =	ssyncadd.s32 $0xFFFFEC80  }
0x11b: {  	[hbm:s8], [sflag:s21] =	dma.local @!p0 [spmem:s19], $0x80  }
0x11c: {  	s8 =	simm.s32 @!p0 $0xD  }
0x11d: {  	_ =	swait.ge @!p0 [sflag:s8], $0x80  }
0x11e: {  	[sflag:s8] =	ssyncset.done @!p0 $0x0;
	s19 =	rddreg [dreg:$0xc]  }
0x11f: {  	s10 =	rddreg [dreg:$0x13];
	[sflag:s8] =	ssyncadd.s32 @!p0 $0xFFFFFF80  }
0x120: {  	[hbm:s19], [sflag:s21] =	dma.local @!p0 [spmem:s10], $0x80  }
0x121: {  	_ =	swait.ge @!p0 [sflag:s8], $0x80  }
0x122: {  	s19 =	rddreg [dreg:$0x14]  }
0x123: {  	s10 =	sadd.s32 $0x1, s19;
	s19 =	rddreg [dreg:$0xd]  }
0x124: {  	p1 =	sne.s32 s10, s19  }
.Ltmp2:
0x125: {  	_ = 	snop;
	(pc) =	sbr.rel @p1 .LBB2_1-.Ltmp2, $3  }
0x126: {  	_ =	sdelay $0x1  }
0x127: {  	[sflag:s8] =	ssyncset.done @!p0 $0x0  }
0x128: {  	[sflag:s8] =	ssyncadd.s32 @!p0 $0xFFFFFF80  }
0x129: {  	_ =	sfence.sel $0x180000  }
0x12a: {  	[bflag:$0x0] =	sbarrier.arrive $0xFFFF  }
0x12b: {  	_ =	strace $0x90000047  }
0x12c: {  	[bflag:$0x2] =	sbarrier.arrive $0xFFFF  }
0x12d: {  	s0 =	rddreg [dreg:$0x3]  }
0x12e: {  	s0 =	sadd.s32 @!p0 $0x100000, s0  }
0x12f: {  	[sflag:s0] =	ssyncadd.tile.s32 @!p0 $0x1;
	_ =	shalt  }
.Lfunc_end2:
_tile_overlayer_lowered:
.L_overlay_start_2:
0x130: {  	(tag) =	ssettag $0x2  }
0x131: {  	s0 =	rddreg [dreg:$0x0];
	s2 =	stileid.u32  }
0x132: {  	s1 =	rddreg [dreg:$0x1];
	p0 =	sne.s32 s2, $0x0  }
0x133: {  	s3 =	rddreg [dreg:$0x2];
	[bflag:$0x3] =	sbarrier.arrive $0xFFFF;
	s2 =	simm.s32 @!p0 $0x1C0D  }
0x134: {  	[timem:s3], [sflag:s2] =	dma.local @!p0 [hbm:s0], s1  }
0x135: {  	s0 =	simm.s32 @!p0 $0xD  }
0x136: {  	_ =	swait.ge @!p0 [sflag:s0], s1  }
0x137: {  	s1 =	ssub.s32 @!p0 $0x0, s1;
	[sflag:s0] =	ssyncset.done @!p0 $0x0  }
0x138: {  	[sflag:s0] =	ssyncadd.s32 @!p0 s1  }
0x139: {  	[bflag:$0x3] =	sbarrier.arrive $0xFFFF  }
0x13a: {  	_ =	shalt  }

</sc_bundles>
